<compile_context>
chip_gen: v7x
topology: tpu7x:2x2x1
jax: 0.10.2.dev20260603
libtpu: 0.0.44.dev20260713+nightly
codegen_flags: <defaults>
</compile_context>

<pallas_src>
import functools

import jax
import jax.numpy as jnp
from jax import lax
from jax.experimental import pallas as pl
from jax.experimental.pallas import tpu as pltpu
from jax.experimental.pallas import tpu_sc as plsc

_N = 10000
_D = 128
_E = 320000
_NC = 2
_NS = 16
_NW = _NC * _NS
_EPW = _E // _NW
_CH = 128
_NCHUNK = 80
_PAD = _NCHUNK * _CH - _EPW
_SB = 40
_NSB = _NCHUNK // _SB
_NP = 10240
_RPT = _NP // _NS

_mesh = plsc.VectorSubcoreMesh(core_axis_name="c", subcore_axis_name="s")

_scratch = [
    pltpu.VMEM((_SB, _CH), jnp.int32),
    pltpu.VMEM((_SB, _CH), jnp.int32),
    pltpu.VMEM((_CH, _D), jnp.float32),
    pltpu.VMEM((_CH, _D), jnp.float32),
    pltpu.VMEM_SHARED((_NP, _D), jnp.float32),
    pltpu.SemaphoreType.DMA,
    pltpu.SemaphoreType.DMA,
    pltpu.SemaphoreType.DMA,
    pltpu.SemaphoreType.DMA,
]


def _edge_pass(h_hbm, src_hbm, dst_hbm, wid, srcb, dstb, rows, gsems, ssems,
               aggsh):
    for sb in range(_NSB):
        pltpu.sync_copy(src_hbm.at[wid, pl.ds(sb * _SB, _SB)], srcb)
        pltpu.sync_copy(dst_hbm.at[wid, pl.ds(sb * _SB, _SB)], dstb)
        pltpu.async_copy(h_hbm.at[srcb.at[0]], rows[0], gsems[0])

        def step(g, carry):
            for b in range(2):
                j = 2 * g + b
                pltpu.make_async_copy(h_hbm.at[srcb.at[0]], rows[b],
                                      gsems[b]).wait()
                pltpu.async_copy(rows[b], aggsh.at[dstb.at[j]], ssems[b],
                                 add=True)

                @pl.when(j >= 1)
                def _():
                    pltpu.make_async_copy(rows[1 - b], aggsh.at[dstb.at[0]],
                                          ssems[1 - b]).wait()

                @pl.when(j + 1 < _SB)
                def _():
                    pltpu.async_copy(h_hbm.at[srcb.at[j + 1]], rows[1 - b],
                                     gsems[1 - b])

            return carry

        lax.fori_loop(0, _SB // 2, step, 0)
        pltpu.make_async_copy(rows[(_SB - 1) % 2], aggsh.at[dstb.at[0]],
                              ssems[(_SB - 1) % 2]).wait()


@functools.partial(
    pl.kernel,
    out_type=jax.ShapeDtypeStruct((_NC, _NP, _D), jnp.float32),
    mesh=_mesh,
    scratch_types=_scratch,
)
def _sc_agg(h_hbm, src_hbm, dst_hbm, zero_hbm, out_hbm,
            srcb, dstb, rows0, rows1, aggsh, gsem0, gsem1, ssem0, ssem1):
    c = lax.axis_index("c")
    s = lax.axis_index("s")
    wid = c * _NS + s
    r0 = s * _RPT
    pltpu.sync_copy(zero_hbm.at[pl.ds(r0, _RPT)], aggsh.at[pl.ds(r0, _RPT)])
    plsc.subcore_barrier()
    _edge_pass(h_hbm, src_hbm, dst_hbm, wid, srcb, dstb, (rows0, rows1),
               (gsem0, gsem1), (ssem0, ssem1), aggsh)
    plsc.subcore_barrier()
    pltpu.sync_copy(aggsh.at[pl.ds(r0, _RPT)], out_hbm.at[c].at[pl.ds(r0, _RPT)])


@functools.partial(
    pl.kernel,
    out_type=(jax.ShapeDtypeStruct((_NC, _NP, _D), jnp.float32),
              jax.ShapeDtypeStruct((_NC, _NP, _D), jnp.float32)),
    mesh=_mesh,
    scratch_types=_scratch,
)
def _sc_agg0(h_hbm, src_hbm, dst_hbm, zero_hbm, ones_hbm, out_hbm, deg_hbm,
             srcb, dstb, rows0, rows1, aggsh, gsem0, gsem1, ssem0, ssem1):
    c = lax.axis_index("c")
    s = lax.axis_index("s")
    wid = c * _NS + s
    r0 = s * _RPT
    pltpu.sync_copy(zero_hbm.at[pl.ds(r0, _RPT)], aggsh.at[pl.ds(r0, _RPT)])
    plsc.subcore_barrier()
    _edge_pass(h_hbm, src_hbm, dst_hbm, wid, srcb, dstb, (rows0, rows1),
               (gsem0, gsem1), (ssem0, ssem1), aggsh)
    plsc.subcore_barrier()
    pltpu.sync_copy(aggsh.at[pl.ds(r0, _RPT)], out_hbm.at[c].at[pl.ds(r0, _RPT)])
    pltpu.sync_copy(zero_hbm.at[pl.ds(r0, _RPT)], aggsh.at[pl.ds(r0, _RPT)])
    pltpu.sync_copy(ones_hbm, rows0)
    plsc.subcore_barrier()
    for sb in range(_NSB - 1, -1, -1):
        if sb != _NSB - 1:
            pltpu.sync_copy(dst_hbm.at[wid, pl.ds(sb * _SB, _SB)], dstb)
        for j0 in range(4):
            pltpu.async_copy(rows0, aggsh.at[dstb.at[j0]], ssem0, add=True)

        def dstep(g, carry):
            pltpu.make_async_copy(rows0, aggsh.at[dstb.at[0]], ssem0).wait()
            pltpu.async_copy(rows0, aggsh.at[dstb.at[g + 4]], ssem0, add=True)
            return carry

        lax.fori_loop(0, _SB - 4, dstep, 0)
        for _ in range(4):
            pltpu.make_async_copy(rows0, aggsh.at[dstb.at[0]], ssem0).wait()
    plsc.subcore_barrier()
    pltpu.sync_copy(aggsh.at[pl.ds(r0, _RPT)], deg_hbm.at[c].at[pl.ds(r0, _RPT)])


_BLK = 2000


def _tc0_body(h_ref, p_ref, d_ref, ws_ref, wn_ref, b_ref, o_ref, iv_ref):
    deg = d_ref[0, :, 0:1] + d_ref[1, :, 0:1]
    inv = 1.0 / jnp.maximum(deg, 1.0)
    iv_ref[...] = jnp.broadcast_to(inv, (_BLK, 8))
    mean = (p_ref[0] + p_ref[1]) * inv
    acc = jnp.dot(h_ref[...], ws_ref[...], preferred_element_type=jnp.float32)
    acc = acc + jnp.dot(mean, wn_ref[...], preferred_element_type=jnp.float32)
    o_ref[...] = jnp.maximum(acc + b_ref[...], 0.0)


_tc_layer0 = pl.pallas_call(
    _tc0_body,
    grid=(_N // _BLK,),
    in_specs=[
        pl.BlockSpec((_BLK, _D), lambda i: (i, 0)),
        pl.BlockSpec((_NC, _BLK, _D), lambda i: (0, i, 0)),
        pl.BlockSpec((_NC, _BLK, _D), lambda i: (0, i, 0)),
        pl.BlockSpec((_D, _D), lambda i: (0, 0)),
        pl.BlockSpec((_D, _D), lambda i: (0, 0)),
        pl.BlockSpec((1, _D), lambda i: (0, 0)),
    ],
    out_specs=[
        pl.BlockSpec((_BLK, _D), lambda i: (i, 0)),
        pl.BlockSpec((_BLK, 8), lambda i: (i, 0)),
    ],
    out_shape=[
        jax.ShapeDtypeStruct((_N, _D), jnp.float32),
        jax.ShapeDtypeStruct((_N, 8), jnp.float32),
    ],
)


def _tc_body(h_ref, p_ref, iv_ref, ws_ref, wn_ref, b_ref, o_ref):
    mean = (p_ref[0] + p_ref[1]) * iv_ref[:, 0:1]
    acc = jnp.dot(h_ref[...], ws_ref[...], preferred_element_type=jnp.float32)
    acc = acc + jnp.dot(mean, wn_ref[...], preferred_element_type=jnp.float32)
    o_ref[...] = jnp.maximum(acc + b_ref[...], 0.0)


_tc_layer = pl.pallas_call(
    _tc_body,
    grid=(_N // _BLK,),
    in_specs=[
        pl.BlockSpec((_BLK, _D), lambda i: (i, 0)),
        pl.BlockSpec((_NC, _BLK, _D), lambda i: (0, i, 0)),
        pl.BlockSpec((_BLK, 8), lambda i: (i, 0)),
        pl.BlockSpec((_D, _D), lambda i: (0, 0)),
        pl.BlockSpec((_D, _D), lambda i: (0, 0)),
        pl.BlockSpec((1, _D), lambda i: (0, 0)),
    ],
    out_specs=pl.BlockSpec((_BLK, _D), lambda i: (i, 0)),
    out_shape=jax.ShapeDtypeStruct((_N, _D), jnp.float32),
)


def kernel(x, edge_index, W_self_0, W_neigh_0, b_0, W_self_1, W_neigh_1, b_1,
           W_self_2, W_neigh_2, b_2):
    pad_src = (jnp.arange(_PAD, dtype=jnp.int32) * 41) % _N
    pad_dst = _N + jnp.arange(_PAD, dtype=jnp.int32)
    src = jnp.concatenate(
        [edge_index[0].reshape(_NW, _EPW),
         jnp.broadcast_to(pad_src, (_NW, _PAD))], axis=1
    ).reshape(_NW, _NCHUNK, _CH)
    dst = jnp.concatenate(
        [edge_index[1].reshape(_NW, _EPW),
         jnp.broadcast_to(pad_dst, (_NW, _PAD))], axis=1
    ).reshape(_NW, _NCHUNK, _CH)
    zeros = jnp.zeros((_NP, _D), jnp.float32)
    ones = jnp.ones((_CH, _D), jnp.float32)

    parts, degp = _sc_agg0(x, src, dst, zeros, ones)
    params = [(W_self_1, W_neigh_1, b_1), (W_self_2, W_neigh_2, b_2)]
    h, invd = _tc_layer0(x, parts, degp, W_self_0, W_neigh_0,
                         b_0.reshape(1, _D))
    for Ws, Wn, b in params:
        parts = _sc_agg(h, src, dst, zeros)
        h = _tc_layer(h, parts, invd, Ws, Wn, b.reshape(1, _D))
    return h.reshape(1, _N, _D)

# --- scband reference (transcript-rebuilt; emitter-appended) ---
"""Pipeline reference for scband-gnnnet-15315853377597 (READ-ONLY COPY).

The authoritative reference and input builder live on the scoring server;
editing this copy changes nothing except your own understanding.
"""

import jax, jax.numpy as jnp
import numpy as np

N = 10000
E = 320000
D = 128
L = 3

def setup_inputs(seed: int = 0):
    key = jax.random.key(seed)
    ks = jax.random.split(key, 2 + 3 * L)
    inp = {}
    inp["x"] = jax.random.normal(ks[0], (N, D), dtype=jnp.float32)
    inp["edge_index"] = jax.random.randint(ks[1], (2, E), 0, N, dtype=jnp.int32)
    s = 1.0 / np.sqrt(D)
    for l in range(L):
        inp[f"W_self_{l}"] = jax.random.uniform(ks[2 + 3 * l], (D, D), jnp.float32, -s, s)
        inp[f"W_neigh_{l}"] = jax.random.uniform(ks[3 + 3 * l], (D, D), jnp.float32, -s, s)
        inp[f"b_{l}"] = jnp.zeros((D,), jnp.float32)
    return inp

def _sage_conv(h, edge_index, Ws, Wn, b):
    # PyG SAGEConv with mean aggregation: out = h @ Ws + mean_j(h_j) @ Wn + b
    src = edge_index[0]
    dst = edge_index[1]
    msgs = jnp.take(h, src, axis=0)                                   # gather: [E, D]
    agg = jax.ops.segment_sum(msgs, dst, num_segments=N)              # scatter-add: [N, D]
    deg = jax.ops.segment_sum(jnp.ones((msgs.shape[0],), h.dtype), dst, num_segments=N)
    mean = agg / jnp.maximum(deg, 1.0)[:, None]
    return h @ Ws + mean @ Wn + b

def reference(x, edge_index, W_self_0, W_neigh_0, b_0, W_self_1, W_neigh_1, b_1, W_self_2, W_neigh_2, b_2):
    # pre_graph_builder treated as identity: obs (batch=1) -> node features x and static edge_index
    params = [(W_self_0, W_neigh_0, b_0), (W_self_1, W_neigh_1, b_1), (W_self_2, W_neigh_2, b_2)]
    h = x
    for Ws, Wn, b in params:
        h = _sage_conv(h, edge_index, Ws, Wn, b)
        h = jax.nn.relu(h)  # hidden_activation='relu'
    out = h.reshape(1, -1, D)  # batch_size=1; output_activation=None (identity)
    return out

if __name__ == "__main__":
    import jax
    _d = setup_inputs()
    print(jax.jit(kernel)(*tuple(_d.values())))

</pallas_src>

<mosaic_0001>
#map = affine_map<(d0, d1) -> (0, 0)>
#map1 = affine_map<(d0, d1) -> (0, 0, 0)>
module attributes {stable_mosaic.version = 14 : i64} {
  func.func @_sc_agg0(%arg0: i32, %arg1: i32, %arg2: memref<10000x128xf32, #tpu.memory_space<hbm>>, %arg3: memref<32x80x128xi32, #tpu.memory_space<hbm>>, %arg4: memref<32x80x128xi32, #tpu.memory_space<hbm>>, %arg5: memref<10240x128xf32, #tpu.memory_space<hbm>>, %arg6: memref<128x128xf32, #tpu.memory_space<hbm>>, %arg7: memref<2x10240x128xf32, #tpu.memory_space<hbm>>, %arg8: memref<2x10240x128xf32, #tpu.memory_space<hbm>>, %arg9: memref<40x128xi32, #tpu.memory_space<vmem>>, %arg10: memref<40x128xi32, #tpu.memory_space<vmem>>, %arg11: memref<128x128xf32, #tpu.memory_space<vmem>>, %arg12: memref<128x128xf32, #tpu.memory_space<vmem>>, %arg13: memref<10240x128xf32, #tpu.memory_space<vmem_shared>>, %arg14: memref<!tpu.dma_semaphore, #tpu.memory_space<semaphore_mem>>, %arg15: memref<!tpu.dma_semaphore, #tpu.memory_space<semaphore_mem>>, %arg16: memref<!tpu.dma_semaphore, #tpu.memory_space<semaphore_mem>>, %arg17: memref<!tpu.dma_semaphore, #tpu.memory_space<semaphore_mem>>) attributes {dimension_semantics = [#tpu.dimension_semantics<core_parallel>, #tpu.dimension_semantics<subcore_parallel>], iteration_bounds = array<i64: 2, 16>, scalar_prefetch = 0 : i64, scratch_operands = 9 : i64, tpu.core_type = #tpu.core_type<sc_vector_subcore>, window_params = [{transform_indices = #map}, {transform_indices = #map1}, {transform_indices = #map1}, {transform_indices = #map}, {transform_indices = #map}, {transform_indices = #map1}, {transform_indices = #map1}]} {
    %mul3A = arith.constant 16 : i32
    %mul3A_0 = arith.muli %arg0, %mul3A : i32
    %add3A = arith.addi %mul3A_0, %arg1 : i32
    %mul3A_1 = arith.constant 640 : i32
    %mul3A_2 = arith.muli %arg1, %mul3A_1 : i32
    "tpu.region"() ({
      %run_scoped3A = tpu.sem_alloc : memref<!tpu.dma_semaphore, #tpu.memory_space<semaphore_mem>>
      %dma_start3A_167 = arith.constant 0 : i32
      %dma_start3A_168 = tpu.memref_slice %arg13[%mul3A_2, %dma_start3A_167] : memref<10240x128xf32, #tpu.memory_space<vmem_shared>> -> memref<640x128xf32, #tpu.memory_space<vmem_shared>>
      %dma_start3A_169 = arith.constant 0 : i32
      %dma_start3A_170 = tpu.memref_slice %arg5[%mul3A_2, %dma_start3A_169] : memref<10240x128xf32, #tpu.memory_space<hbm>> -> memref<640x128xf32, #tpu.memory_space<hbm>>
      tpu.enqueue_dma source(%dma_start3A_170 : memref<640x128xf32, #tpu.memory_space<hbm>>) target(%dma_start3A_168 : memref<640x128xf32, #tpu.memory_space<vmem_shared>>) target_semaphore(%run_scoped3A : memref<!tpu.dma_semaphore, #tpu.memory_space<semaphore_mem>>)
      %dma_wait3A_171 = arith.constant 0 : i32
      %dma_wait3A_172 = tpu.memref_slice %arg13[%mul3A_2, %dma_wait3A_171] : memref<10240x128xf32, #tpu.memory_space<vmem_shared>> -> memref<640x128xf32, #tpu.memory_space<vmem_shared>>
      %dma_wait3A_173 = arith.constant 0 : i32
      %dma_wait3A_174 = tpu.memref_slice %arg5[%mul3A_2, %dma_wait3A_173] : memref<10240x128xf32, #tpu.memory_space<hbm>> -> memref<640x128xf32, #tpu.memory_space<hbm>>
      tpu.wait_dma2 semaphore(%run_scoped3A : memref<!tpu.dma_semaphore, #tpu.memory_space<semaphore_mem>>) src(%dma_wait3A_174 : memref<640x128xf32, #tpu.memory_space<hbm>>) dst(%dma_wait3A_172 : memref<640x128xf32, #tpu.memory_space<vmem_shared>>)
      tpu.yield
    }) : () -> ()
    %barrier3A = arith.constant 0 : index
    tpu.barrier barrier_id(%barrier3A)
    "tpu.region"() ({
      %run_scoped3A = tpu.sem_alloc : memref<!tpu.dma_semaphore, #tpu.memory_space<semaphore_mem>>
      %dma_start3A_167 = arith.constant 0 : i32
      %dma_start3A_168 = arith.constant 0 : i32
      %dma_start3A_169 = tpu.memref_slice %arg3[%add3A, %dma_start3A_167, %dma_start3A_168] : memref<32x80x128xi32, #tpu.memory_space<hbm>> -> memref<1x40x128xi32, #tpu.memory_space<hbm>>
      %dma_start3A_170 = tpu.memref_squeeze %dma_start3A_169 : memref<1x40x128xi32, #tpu.memory_space<hbm>> -> memref<40x128xi32, #tpu.memory_space<hbm>>
      %dma_start3A_171 = arith.constant 0 : i32
      %dma_start3A_172 = arith.constant 0 : i32
      %dma_start3A_173 = tpu.memref_slice %arg3[%add3A, %dma_start3A_171, %dma_start3A_172] : memref<32x80x128xi32, #tpu.memory_space<hbm>> -> memref<1x40x128xi32, #tpu.memory_space<hbm>>
      %dma_start3A_174 = tpu.memref_squeeze %dma_start3A_173 : memref<1x40x128xi32, #tpu.memory_space<hbm>> -> memref<40x128xi32, #tpu.memory_space<hbm>>
      tpu.enqueue_dma source(%dma_start3A_174 : memref<40x128xi32, #tpu.memory_space<hbm>>) target(%arg9 : memref<40x128xi32, #tpu.memory_space<vmem>>) target_semaphore(%run_scoped3A : memref<!tpu.dma_semaphore, #tpu.memory_space<semaphore_mem>>)
      %dma_wait3A_175 = arith.constant 0 : i32
      %dma_wait3A_176 = arith.constant 0 : i32
      %dma_wait3A_177 = tpu.memref_slice %arg3[%add3A, %dma_wait3A_175, %dma_wait3A_176] : memref<32x80x128xi32, #tpu.memory_space<hbm>> -> memref<1x40x128xi32, #tpu.memory_space<hbm>>
      %dma_wait3A_178 = tpu.memref_squeeze %dma_wait3A_177 : memref<1x40x128xi32, #tpu.memory_space<hbm>> -> memref<40x128xi32, #tpu.memory_space<hbm>>
      %dma_wait3A_179 = arith.constant 0 : i32
      %dma_wait3A_180 = arith.constant 0 : i32
      %dma_wait3A_181 = tpu.memref_slice %arg3[%add3A, %dma_wait3A_179, %dma_wait3A_180] : memref<32x80x128xi32, #tpu.memory_space<hbm>> -> memref<1x40x128xi32, #tpu.memory_space<hbm>>
      %dma_wait3A_182 = tpu.memref_squeeze %dma_wait3A_181 : memref<1x40x128xi32, #tpu.memory_space<hbm>> -> memref<40x128xi32, #tpu.memory_space<hbm>>
      tpu.wait_dma2 semaphore(%run_scoped3A : memref<!tpu.dma_semaphore, #tpu.memory_space<semaphore_mem>>) src(%dma_wait3A_182 : memref<40x128xi32, #tpu.memory_space<hbm>>) dst(%arg9 : memref<40x128xi32, #tpu.memory_space<vmem>>)
      tpu.yield
    }) : () -> ()
    "tpu.region"() ({
      %run_scoped3A = tpu.sem_alloc : memref<!tpu.dma_semaphore, #tpu.memory_space<semaphore_mem>>
      %dma_start3A_167 = arith.constant 0 : i32
      %dma_start3A_168 = arith.constant 0 : i32
      %dma_start3A_169 = tpu.memref_slice %arg4[%add3A, %dma_start3A_167, %dma_start3A_168] : memref<32x80x128xi32, #tpu.memory_space<hbm>> -> memref<1x40x128xi32, #tpu.memory_space<hbm>>
      %dma_start3A_170 = tpu.memref_squeeze %dma_start3A_169 : memref<1x40x128xi32, #tpu.memory_space<hbm>> -> memref<40x128xi32, #tpu.memory_space<hbm>>
      %dma_start3A_171 = arith.constant 0 : i32
      %dma_start3A_172 = arith.constant 0 : i32
      %dma_start3A_173 = tpu.memref_slice %arg4[%add3A, %dma_start3A_171, %dma_start3A_172] : memref<32x80x128xi32, #tpu.memory_space<hbm>> -> memref<1x40x128xi32, #tpu.memory_space<hbm>>
      %dma_start3A_174 = tpu.memref_squeeze %dma_start3A_173 : memref<1x40x128xi32, #tpu.memory_space<hbm>> -> memref<40x128xi32, #tpu.memory_space<hbm>>
      tpu.enqueue_dma source(%dma_start3A_174 : memref<40x128xi32, #tpu.memory_space<hbm>>) target(%arg10 : memref<40x128xi32, #tpu.memory_space<vmem>>) target_semaphore(%run_scoped3A : memref<!tpu.dma_semaphore, #tpu.memory_space<semaphore_mem>>)
      %dma_wait3A_175 = arith.constant 0 : i32
      %dma_wait3A_176 = arith.constant 0 : i32
      %dma_wait3A_177 = tpu.memref_slice %arg4[%add3A, %dma_wait3A_175, %dma_wait3A_176] : memref<32x80x128xi32, #tpu.memory_space<hbm>> -> memref<1x40x128xi32, #tpu.memory_space<hbm>>
      %dma_wait3A_178 = tpu.memref_squeeze %dma_wait3A_177 : memref<1x40x128xi32, #tpu.memory_space<hbm>> -> memref<40x128xi32, #tpu.memory_space<hbm>>
      %dma_wait3A_179 = arith.constant 0 : i32
      %dma_wait3A_180 = arith.constant 0 : i32
      %dma_wait3A_181 = tpu.memref_slice %arg4[%add3A, %dma_wait3A_179, %dma_wait3A_180] : memref<32x80x128xi32, #tpu.memory_space<hbm>> -> memref<1x40x128xi32, #tpu.memory_space<hbm>>
      %dma_wait3A_182 = tpu.memref_squeeze %dma_wait3A_181 : memref<1x40x128xi32, #tpu.memory_space<hbm>> -> memref<40x128xi32, #tpu.memory_space<hbm>>
      tpu.wait_dma2 semaphore(%run_scoped3A : memref<!tpu.dma_semaphore, #tpu.memory_space<semaphore_mem>>) src(%dma_wait3A_182 : memref<40x128xi32, #tpu.memory_space<hbm>>) dst(%arg10 : memref<40x128xi32, #tpu.memory_space<vmem>>)
      tpu.yield
    }) : () -> ()
    %dma_start3A = arith.constant 0 : i32
    %dma_start3A_3 = arith.constant 0 : i32
    %dma_start3A_4 = tpu.memref_slice %arg9[%dma_start3A, %dma_start3A_3] : memref<40x128xi32, #tpu.memory_space<vmem>> -> memref<1x128xi32, #tpu.memory_space<vmem>>
    %dma_start3A_5 = tpu.memref_squeeze %dma_start3A_4 : memref<1x128xi32, #tpu.memory_space<vmem>> -> memref<128xi32, #tpu.memory_space<vmem>>
    %dma_start3A_6 = arith.constant 0 : i32
    %dma_start3A_7 = arith.constant 0 : i32
    %dma_start3A_8 = tpu.memref_slice %arg2[%dma_start3A_6, %dma_start3A_7] : memref<10000x128xf32, #tpu.memory_space<hbm>> -> memref<10000x128xf32, #tpu.memory_space<hbm>>
    tpu.enqueue_indirect_dma source(%dma_start3A_8 : memref<10000x128xf32, #tpu.memory_space<hbm>>) target(%arg11 : memref<128x128xf32, #tpu.memory_space<vmem>>) offsets(%dma_start3A_5 : memref<128xi32, #tpu.memory_space<vmem>>) semaphore(%arg14 : memref<!tpu.dma_semaphore, #tpu.memory_space<semaphore_mem>>)
    %scan3A = arith.constant 0 : i32
    %scan3A_9 = arith.constant 0 : i32
    %scan3A_10 = arith.constant 20 : i32
    %scan3A_11 = arith.addi %scan3A_9, %scan3A_10 : i32
    %scan3A_12 = arith.constant 1 : i32
    scf.for %scan3A_167 = %scan3A_9 to %scan3A_11 step %scan3A_12  : i32 {
      %mul3A_168 = arith.constant 2 : i32
      %mul3A_169 = arith.muli %mul3A_168, %scan3A_167 : i32
      %add3A_170 = arith.constant 0 : i32
      %add3A_171 = arith.addi %mul3A_169, %add3A_170 : i32
      %dma_wait3A_172 = arith.constant 0 : i32
      %dma_wait3A_173 = arith.constant 0 : i32
      %dma_wait3A_174 = tpu.memref_slice %arg9[%dma_wait3A_172, %dma_wait3A_173] : memref<40x128xi32, #tpu.memory_space<vmem>> -> memref<1x128xi32, #tpu.memory_space<vmem>>
      %dma_wait3A_175 = tpu.memref_squeeze %dma_wait3A_174 : memref<1x128xi32, #tpu.memory_space<vmem>> -> memref<128xi32, #tpu.memory_space<vmem>>
      %dma_wait3A_176 = arith.constant 0 : i32
      %dma_wait3A_177 = arith.constant 0 : i32
      %dma_wait3A_178 = tpu.memref_slice %arg2[%dma_wait3A_176, %dma_wait3A_177] : memref<10000x128xf32, #tpu.memory_space<hbm>> -> memref<10000x128xf32, #tpu.memory_space<hbm>>
      tpu.wait_indirect_dma semaphore(%arg14 : memref<!tpu.dma_semaphore, #tpu.memory_space<semaphore_mem>>) src(%dma_wait3A_178 : memref<10000x128xf32, #tpu.memory_space<hbm>>) dst(%arg11 : memref<128x128xf32, #tpu.memory_space<vmem>>)
      %dma_start3A_179 = arith.constant 0 : i32
      %dma_start3A_180 = tpu.memref_slice %arg10[%add3A_171, %dma_start3A_179] : memref<40x128xi32, #tpu.memory_space<vmem>> -> memref<1x128xi32, #tpu.memory_space<vmem>>
      %dma_start3A_181 = tpu.memref_squeeze %dma_start3A_180 : memref<1x128xi32, #tpu.memory_space<vmem>> -> memref<128xi32, #tpu.memory_space<vmem>>
      %dma_start3A_182 = arith.constant 0 : i32
      %dma_start3A_183 = arith.constant 0 : i32
      %dma_start3A_184 = tpu.memref_slice %arg13[%dma_start3A_182, %dma_start3A_183] : memref<10240x128xf32, #tpu.memory_space<vmem_shared>> -> memref<10240x128xf32, #tpu.memory_space<vmem_shared>>
      tpu.enqueue_indirect_dma source(%arg11 : memref<128x128xf32, #tpu.memory_space<vmem>>) target(%dma_start3A_184 : memref<10240x128xf32, #tpu.memory_space<vmem_shared>>) offsets(%dma_start3A_181 : memref<128xi32, #tpu.memory_space<vmem>>) semaphore(%arg16 : memref<!tpu.dma_semaphore, #tpu.memory_space<semaphore_mem>>) {add = true}
      %ge3A = arith.constant 1 : i32
      %ge3A_185 = arith.cmpi sge, %add3A_171, %ge3A : i32
      %convert_element_type3A = arith.extui %ge3A_185 : i1 to i32
      %cond3A = arith.constant 0 : i32
      %cond3A_186 = arith.cmpi ne, %convert_element_type3A, %cond3A : i32
      scf.if %cond3A_186 {
        %dma_wait3A_222 = arith.constant 0 : i32
        %dma_wait3A_223 = arith.constant 0 : i32
        %dma_wait3A_224 = tpu.memref_slice %arg10[%dma_wait3A_222, %dma_wait3A_223] : memref<40x128xi32, #tpu.memory_space<vmem>> -> memref<1x128xi32, #tpu.memory_space<vmem>>
        %dma_wait3A_225 = tpu.memref_squeeze %dma_wait3A_224 : memref<1x128xi32, #tpu.memory_space<vmem>> -> memref<128xi32, #tpu.memory_space<vmem>>
        %dma_wait3A_226 = arith.constant 0 : i32
        %dma_wait3A_227 = arith.constant 0 : i32
        %dma_wait3A_228 = tpu.memref_slice %arg13[%dma_wait3A_226, %dma_wait3A_227] : memref<10240x128xf32, #tpu.memory_space<vmem_shared>> -> memref<10240x128xf32, #tpu.memory_space<vmem_shared>>
        tpu.wait_indirect_dma semaphore(%arg17 : memref<!tpu.dma_semaphore, #tpu.memory_space<semaphore_mem>>) src(%arg12 : memref<128x128xf32, #tpu.memory_space<vmem>>) dst(%dma_wait3A_228 : memref<10240x128xf32, #tpu.memory_space<vmem_shared>>)
      } else {
      }
      %add3A_187 = arith.constant 1 : i32
      %add3A_188 = arith.addi %add3A_171, %add3A_187 : i32
      %lt3A = arith.constant 40 : i32
      %lt3A_189 = arith.cmpi slt, %add3A_188, %lt3A : i32
      %convert_element_type3A_190 = arith.extui %lt3A_189 : i1 to i32
      %cond3A_191 = arith.constant 0 : i32
      %cond3A_192 = arith.cmpi ne, %convert_element_type3A_190, %cond3A_191 : i32
      scf.if %cond3A_192 {
        %add3A_222 = arith.constant 1 : i32
        %add3A_223 = arith.addi %add3A_171, %add3A_222 : i32
        %dma_start3A_224 = arith.constant 0 : i32
        %dma_start3A_225 = tpu.memref_slice %arg9[%add3A_223, %dma_start3A_224] : memref<40x128xi32, #tpu.memory_space<vmem>> -> memref<1x128xi32, #tpu.memory_space<vmem>>
        %dma_start3A_226 = tpu.memref_squeeze %dma_start3A_225 : memref<1x128xi32, #tpu.memory_space<vmem>> -> memref<128xi32, #tpu.memory_space<vmem>>
        %dma_start3A_227 = arith.constant 0 : i32
        %dma_start3A_228 = arith.constant 0 : i32
        %dma_start3A_229 = tpu.memref_slice %arg2[%dma_start3A_227, %dma_start3A_228] : memref<10000x128xf32, #tpu.memory_space<hbm>> -> memref<10000x128xf32, #tpu.memory_space<hbm>>
        tpu.enqueue_indirect_dma source(%dma_start3A_229 : memref<10000x128xf32, #tpu.memory_space<hbm>>) target(%arg12 : memref<128x128xf32, #tpu.memory_space<vmem>>) offsets(%dma_start3A_226 : memref<128xi32, #tpu.memory_space<vmem>>) semaphore(%arg15 : memref<!tpu.dma_semaphore, #tpu.memory_space<semaphore_mem>>)
      } else {
      }
      %mul3A_193 = arith.constant 2 : i32
      %mul3A_194 = arith.muli %mul3A_193, %scan3A_167 : i32
      %add3A_195 = arith.constant 1 : i32
      %add3A_196 = arith.addi %mul3A_194, %add3A_195 : i32
      %dma_wait3A_197 = arith.constant 0 : i32
      %dma_wait3A_198 = arith.constant 0 : i32
      %dma_wait3A_199 = tpu.memref_slice %arg9[%dma_wait3A_197, %dma_wait3A_198] : memref<40x128xi32, #tpu.memory_space<vmem>> -> memref<1x128xi32, #tpu.memory_space<vmem>>
      %dma_wait3A_200 = tpu.memref_squeeze %dma_wait3A_199 : memref<1x128xi32, #tpu.memory_space<vmem>> -> memref<128xi32, #tpu.memory_space<vmem>>
      %dma_wait3A_201 = arith.constant 0 : i32
      %dma_wait3A_202 = arith.constant 0 : i32
      %dma_wait3A_203 = tpu.memref_slice %arg2[%dma_wait3A_201, %dma_wait3A_202] : memref<10000x128xf32, #tpu.memory_space<hbm>> -> memref<10000x128xf32, #tpu.memory_space<hbm>>
      tpu.wait_indirect_dma semaphore(%arg15 : memref<!tpu.dma_semaphore, #tpu.memory_space<semaphore_mem>>) src(%dma_wait3A_203 : memref<10000x128xf32, #tpu.memory_space<hbm>>) dst(%arg12 : memref<128x128xf32, #tpu.memory_space<vmem>>)
      %dma_start3A_204 = arith.constant 0 : i32
      %dma_start3A_205 = tpu.memref_slice %arg10[%add3A_196, %dma_start3A_204] : memref<40x128xi32, #tpu.memory_space<vmem>> -> memref<1x128xi32, #tpu.memory_space<vmem>>
      %dma_start3A_206 = tpu.memref_squeeze %dma_start3A_205 : memref<1x128xi32, #tpu.memory_space<vmem>> -> memref<128xi32, #tpu.memory_space<vmem>>
      %dma_start3A_207 = arith.constant 0 : i32
      %dma_start3A_208 = arith.constant 0 : i32
      %dma_start3A_209 = tpu.memref_slice %arg13[%dma_start3A_207, %dma_start3A_208] : memref<10240x128xf32, #tpu.memory_space<vmem_shared>> -> memref<10240x128xf32, #tpu.memory_space<vmem_shared>>
      tpu.enqueue_indirect_dma source(%arg12 : memref<128x128xf32, #tpu.memory_space<vmem>>) target(%dma_start3A_209 : memref<10240x128xf32, #tpu.memory_space<vmem_shared>>) offsets(%dma_start3A_206 : memref<128xi32, #tpu.memory_space<vmem>>) semaphore(%arg17 : memref<!tpu.dma_semaphore, #tpu.memory_space<semaphore_mem>>) {add = true}
      %ge3A_210 = arith.constant 1 : i32
      %ge3A_211 = arith.cmpi sge, %add3A_196, %ge3A_210 : i32
      %convert_element_type3A_212 = arith.extui %ge3A_211 : i1 to i32
      %cond3A_213 = arith.constant 0 : i32
      %cond3A_214 = arith.cmpi ne, %convert_element_type3A_212, %cond3A_213 : i32
      scf.if %cond3A_214 {
        %dma_wait3A_222 = arith.constant 0 : i32
        %dma_wait3A_223 = arith.constant 0 : i32
        %dma_wait3A_224 = tpu.memref_slice %arg10[%dma_wait3A_222, %dma_wait3A_223] : memref<40x128xi32, #tpu.memory_space<vmem>> -> memref<1x128xi32, #tpu.memory_space<vmem>>
        %dma_wait3A_225 = tpu.memref_squeeze %dma_wait3A_224 : memref<1x128xi32, #tpu.memory_space<vmem>> -> memref<128xi32, #tpu.memory_space<vmem>>
        %dma_wait3A_226 = arith.constant 0 : i32
        %dma_wait3A_227 = arith.constant 0 : i32
        %dma_wait3A_228 = tpu.memref_slice %arg13[%dma_wait3A_226, %dma_wait3A_227] : memref<10240x128xf32, #tpu.memory_space<vmem_shared>> -> memref<10240x128xf32, #tpu.memory_space<vmem_shared>>
        tpu.wait_indirect_dma semaphore(%arg16 : memref<!tpu.dma_semaphore, #tpu.memory_space<semaphore_mem>>) src(%arg11 : memref<128x128xf32, #tpu.memory_space<vmem>>) dst(%dma_wait3A_228 : memref<10240x128xf32, #tpu.memory_space<vmem_shared>>)
      } else {
      }
      %add3A_215 = arith.constant 1 : i32
      %add3A_216 = arith.addi %add3A_196, %add3A_215 : i32
      %lt3A_217 = arith.constant 40 : i32
      %lt3A_218 = arith.cmpi slt, %add3A_216, %lt3A_217 : i32
      %convert_element_type3A_219 = arith.extui %lt3A_218 : i1 to i32
      %cond3A_220 = arith.constant 0 : i32
      %cond3A_221 = arith.cmpi ne, %convert_element_type3A_219, %cond3A_220 : i32
      scf.if %cond3A_221 {
        %add3A_222 = arith.constant 1 : i32
        %add3A_223 = arith.addi %add3A_196, %add3A_222 : i32
        %dma_start3A_224 = arith.constant 0 : i32
        %dma_start3A_225 = tpu.memref_slice %arg9[%add3A_223, %dma_start3A_224] : memref<40x128xi32, #tpu.memory_space<vmem>> -> memref<1x128xi32, #tpu.memory_space<vmem>>
        %dma_start3A_226 = tpu.memref_squeeze %dma_start3A_225 : memref<1x128xi32, #tpu.memory_space<vmem>> -> memref<128xi32, #tpu.memory_space<vmem>>
        %dma_start3A_227 = arith.constant 0 : i32
        %dma_start3A_228 = arith.constant 0 : i32
        %dma_start3A_229 = tpu.memref_slice %arg2[%dma_start3A_227, %dma_start3A_228] : memref<10000x128xf32, #tpu.memory_space<hbm>> -> memref<10000x128xf32, #tpu.memory_space<hbm>>
        tpu.enqueue_indirect_dma source(%dma_start3A_229 : memref<10000x128xf32, #tpu.memory_space<hbm>>) target(%arg11 : memref<128x128xf32, #tpu.memory_space<vmem>>) offsets(%dma_start3A_226 : memref<128xi32, #tpu.memory_space<vmem>>) semaphore(%arg14 : memref<!tpu.dma_semaphore, #tpu.memory_space<semaphore_mem>>)
      } else {
      }
    }
    %scan3A_13 = arith.constant 20 : i32
    %dma_wait3A = arith.constant 0 : i32
    %dma_wait3A_14 = arith.constant 0 : i32
    %dma_wait3A_15 = tpu.memref_slice %arg10[%dma_wait3A, %dma_wait3A_14] : memref<40x128xi32, #tpu.memory_space<vmem>> -> memref<1x128xi32, #tpu.memory_space<vmem>>
    %dma_wait3A_16 = tpu.memref_squeeze %dma_wait3A_15 : memref<1x128xi32, #tpu.memory_space<vmem>> -> memref<128xi32, #tpu.memory_space<vmem>>
    %dma_wait3A_17 = arith.constant 0 : i32
    %dma_wait3A_18 = arith.constant 0 : i32
    %dma_wait3A_19 = tpu.memref_slice %arg13[%dma_wait3A_17, %dma_wait3A_18] : memref<10240x128xf32, #tpu.memory_space<vmem_shared>> -> memref<10240x128xf32, #tpu.memory_space<vmem_shared>>
    tpu.wait_indirect_dma semaphore(%arg17 : memref<!tpu.dma_semaphore, #tpu.memory_space<semaphore_mem>>) src(%arg12 : memref<128x128xf32, #tpu.memory_space<vmem>>) dst(%dma_wait3A_19 : memref<10240x128xf32, #tpu.memory_space<vmem_shared>>)
    "tpu.region"() ({
      %run_scoped3A = tpu.sem_alloc : memref<!tpu.dma_semaphore, #tpu.memory_space<semaphore_mem>>
      %dma_start3A_167 = arith.constant 40 : i32
      %dma_start3A_168 = arith.constant 0 : i32
      %dma_start3A_169 = tpu.memref_slice %arg3[%add3A, %dma_start3A_167, %dma_start3A_168] : memref<32x80x128xi32, #tpu.memory_space<hbm>> -> memref<1x40x128xi32, #tpu.memory_space<hbm>>
      %dma_start3A_170 = tpu.memref_squeeze %dma_start3A_169 : memref<1x40x128xi32, #tpu.memory_space<hbm>> -> memref<40x128xi32, #tpu.memory_space<hbm>>
      %dma_start3A_171 = arith.constant 40 : i32
      %dma_start3A_172 = arith.constant 0 : i32
      %dma_start3A_173 = tpu.memref_slice %arg3[%add3A, %dma_start3A_171, %dma_start3A_172] : memref<32x80x128xi32, #tpu.memory_space<hbm>> -> memref<1x40x128xi32, #tpu.memory_space<hbm>>
      %dma_start3A_174 = tpu.memref_squeeze %dma_start3A_173 : memref<1x40x128xi32, #tpu.memory_space<hbm>> -> memref<40x128xi32, #tpu.memory_space<hbm>>
      tpu.enqueue_dma source(%dma_start3A_174 : memref<40x128xi32, #tpu.memory_space<hbm>>) target(%arg9 : memref<40x128xi32, #tpu.memory_space<vmem>>) target_semaphore(%run_scoped3A : memref<!tpu.dma_semaphore, #tpu.memory_space<semaphore_mem>>)
      %dma_wait3A_175 = arith.constant 40 : i32
      %dma_wait3A_176 = arith.constant 0 : i32
      %dma_wait3A_177 = tpu.memref_slice %arg3[%add3A, %dma_wait3A_175, %dma_wait3A_176] : memref<32x80x128xi32, #tpu.memory_space<hbm>> -> memref<1x40x128xi32, #tpu.memory_space<hbm>>
      %dma_wait3A_178 = tpu.memref_squeeze %dma_wait3A_177 : memref<1x40x128xi32, #tpu.memory_space<hbm>> -> memref<40x128xi32, #tpu.memory_space<hbm>>
      %dma_wait3A_179 = arith.constant 40 : i32
      %dma_wait3A_180 = arith.constant 0 : i32
      %dma_wait3A_181 = tpu.memref_slice %arg3[%add3A, %dma_wait3A_179, %dma_wait3A_180] : memref<32x80x128xi32, #tpu.memory_space<hbm>> -> memref<1x40x128xi32, #tpu.memory_space<hbm>>
      %dma_wait3A_182 = tpu.memref_squeeze %dma_wait3A_181 : memref<1x40x128xi32, #tpu.memory_space<hbm>> -> memref<40x128xi32, #tpu.memory_space<hbm>>
      tpu.wait_dma2 semaphore(%run_scoped3A : memref<!tpu.dma_semaphore, #tpu.memory_space<semaphore_mem>>) src(%dma_wait3A_182 : memref<40x128xi32, #tpu.memory_space<hbm>>) dst(%arg9 : memref<40x128xi32, #tpu.memory_space<vmem>>)
      tpu.yield
    }) : () -> ()
    "tpu.region"() ({
      %run_scoped3A = tpu.sem_alloc : memref<!tpu.dma_semaphore, #tpu.memory_space<semaphore_mem>>
      %dma_start3A_167 = arith.constant 40 : i32
      %dma_start3A_168 = arith.constant 0 : i32
      %dma_start3A_169 = tpu.memref_slice %arg4[%add3A, %dma_start3A_167, %dma_start3A_168] : memref<32x80x128xi32, #tpu.memory_space<hbm>> -> memref<1x40x128xi32, #tpu.memory_space<hbm>>
      %dma_start3A_170 = tpu.memref_squeeze %dma_start3A_169 : memref<1x40x128xi32, #tpu.memory_space<hbm>> -> memref<40x128xi32, #tpu.memory_space<hbm>>
      %dma_start3A_171 = arith.constant 40 : i32
      %dma_start3A_172 = arith.constant 0 : i32
      %dma_start3A_173 = tpu.memref_slice %arg4[%add3A, %dma_start3A_171, %dma_start3A_172] : memref<32x80x128xi32, #tpu.memory_space<hbm>> -> memref<1x40x128xi32, #tpu.memory_space<hbm>>
      %dma_start3A_174 = tpu.memref_squeeze %dma_start3A_173 : memref<1x40x128xi32, #tpu.memory_space<hbm>> -> memref<40x128xi32, #tpu.memory_space<hbm>>
      tpu.enqueue_dma source(%dma_start3A_174 : memref<40x128xi32, #tpu.memory_space<hbm>>) target(%arg10 : memref<40x128xi32, #tpu.memory_space<vmem>>) target_semaphore(%run_scoped3A : memref<!tpu.dma_semaphore, #tpu.memory_space<semaphore_mem>>)
      %dma_wait3A_175 = arith.constant 40 : i32
      %dma_wait3A_176 = arith.constant 0 : i32
      %dma_wait3A_177 = tpu.memref_slice %arg4[%add3A, %dma_wait3A_175, %dma_wait3A_176] : memref<32x80x128xi32, #tpu.memory_space<hbm>> -> memref<1x40x128xi32, #tpu.memory_space<hbm>>
      %dma_wait3A_178 = tpu.memref_squeeze %dma_wait3A_177 : memref<1x40x128xi32, #tpu.memory_space<hbm>> -> memref<40x128xi32, #tpu.memory_space<hbm>>
      %dma_wait3A_179 = arith.constant 40 : i32
      %dma_wait3A_180 = arith.constant 0 : i32
      %dma_wait3A_181 = tpu.memref_slice %arg4[%add3A, %dma_wait3A_179, %dma_wait3A_180] : memref<32x80x128xi32, #tpu.memory_space<hbm>> -> memref<1x40x128xi32, #tpu.memory_space<hbm>>
      %dma_wait3A_182 = tpu.memref_squeeze %dma_wait3A_181 : memref<1x40x128xi32, #tpu.memory_space<hbm>> -> memref<40x128xi32, #tpu.memory_space<hbm>>
      tpu.wait_dma2 semaphore(%run_scoped3A : memref<!tpu.dma_semaphore, #tpu.memory_space<semaphore_mem>>) src(%dma_wait3A_182 : memref<40x128xi32, #tpu.memory_space<hbm>>) dst(%arg10 : memref<40x128xi32, #tpu.memory_space<vmem>>)
      tpu.yield
    }) : () -> ()
    %dma_start3A_20 = arith.constant 0 : i32
    %dma_start3A_21 = arith.constant 0 : i32
    %dma_start3A_22 = tpu.memref_slice %arg9[%dma_start3A_20, %dma_start3A_21] : memref<40x128xi32, #tpu.memory_space<vmem>> -> memref<1x128xi32, #tpu.memory_space<vmem>>
    %dma_start3A_23 = tpu.memref_squeeze %dma_start3A_22 : memref<1x128xi32, #tpu.memory_space<vmem>> -> memref<128xi32, #tpu.memory_space<vmem>>
    %dma_start3A_24 = arith.constant 0 : i32
    %dma_start3A_25 = arith.constant 0 : i32
    %dma_start3A_26 = tpu.memref_slice %arg2[%dma_start3A_24, %dma_start3A_25] : memref<10000x128xf32, #tpu.memory_space<hbm>> -> memref<10000x128xf32, #tpu.memory_space<hbm>>
    tpu.enqueue_indirect_dma source(%dma_start3A_26 : memref<10000x128xf32, #tpu.memory_space<hbm>>) target(%arg11 : memref<128x128xf32, #tpu.memory_space<vmem>>) offsets(%dma_start3A_23 : memref<128xi32, #tpu.memory_space<vmem>>) semaphore(%arg14 : memref<!tpu.dma_semaphore, #tpu.memory_space<semaphore_mem>>)
    %scan3A_27 = arith.constant 0 : i32
    %scan3A_28 = arith.constant 0 : i32
    %scan3A_29 = arith.constant 20 : i32
    %scan3A_30 = arith.addi %scan3A_28, %scan3A_29 : i32
    %scan3A_31 = arith.constant 1 : i32
    scf.for %scan3A_167 = %scan3A_28 to %scan3A_30 step %scan3A_31  : i32 {
      %mul3A_168 = arith.constant 2 : i32
      %mul3A_169 = arith.muli %mul3A_168, %scan3A_167 : i32
      %add3A_170 = arith.constant 0 : i32
      %add3A_171 = arith.addi %mul3A_169, %add3A_170 : i32
      %dma_wait3A_172 = arith.constant 0 : i32
      %dma_wait3A_173 = arith.constant 0 : i32
      %dma_wait3A_174 = tpu.memref_slice %arg9[%dma_wait3A_172, %dma_wait3A_173] : memref<40x128xi32, #tpu.memory_space<vmem>> -> memref<1x128xi32, #tpu.memory_space<vmem>>
      %dma_wait3A_175 = tpu.memref_squeeze %dma_wait3A_174 : memref<1x128xi32, #tpu.memory_space<vmem>> -> memref<128xi32, #tpu.memory_space<vmem>>
      %dma_wait3A_176 = arith.constant 0 : i32
      %dma_wait3A_177 = arith.constant 0 : i32
      %dma_wait3A_178 = tpu.memref_slice %arg2[%dma_wait3A_176, %dma_wait3A_177] : memref<10000x128xf32, #tpu.memory_space<hbm>> -> memref<10000x128xf32, #tpu.memory_space<hbm>>
      tpu.wait_indirect_dma semaphore(%arg14 : memref<!tpu.dma_semaphore, #tpu.memory_space<semaphore_mem>>) src(%dma_wait3A_178 : memref<10000x128xf32, #tpu.memory_space<hbm>>) dst(%arg11 : memref<128x128xf32, #tpu.memory_space<vmem>>)
      %dma_start3A_179 = arith.constant 0 : i32
      %dma_start3A_180 = tpu.memref_slice %arg10[%add3A_171, %dma_start3A_179] : memref<40x128xi32, #tpu.memory_space<vmem>> -> memref<1x128xi32, #tpu.memory_space<vmem>>
      %dma_start3A_181 = tpu.memref_squeeze %dma_start3A_180 : memref<1x128xi32, #tpu.memory_space<vmem>> -> memref<128xi32, #tpu.memory_space<vmem>>
      %dma_start3A_182 = arith.constant 0 : i32
      %dma_start3A_183 = arith.constant 0 : i32
      %dma_start3A_184 = tpu.memref_slice %arg13[%dma_start3A_182, %dma_start3A_183] : memref<10240x128xf32, #tpu.memory_space<vmem_shared>> -> memref<10240x128xf32, #tpu.memory_space<vmem_shared>>
      tpu.enqueue_indirect_dma source(%arg11 : memref<128x128xf32, #tpu.memory_space<vmem>>) target(%dma_start3A_184 : memref<10240x128xf32, #tpu.memory_space<vmem_shared>>) offsets(%dma_start3A_181 : memref<128xi32, #tpu.memory_space<vmem>>) semaphore(%arg16 : memref<!tpu.dma_semaphore, #tpu.memory_space<semaphore_mem>>) {add = true}
      %ge3A = arith.constant 1 : i32
      %ge3A_185 = arith.cmpi sge, %add3A_171, %ge3A : i32
      %convert_element_type3A = arith.extui %ge3A_185 : i1 to i32
      %cond3A = arith.constant 0 : i32
      %cond3A_186 = arith.cmpi ne, %convert_element_type3A, %cond3A : i32
      scf.if %cond3A_186 {
        %dma_wait3A_222 = arith.constant 0 : i32
        %dma_wait3A_223 = arith.constant 0 : i32
        %dma_wait3A_224 = tpu.memref_slice %arg10[%dma_wait3A_222, %dma_wait3A_223] : memref<40x128xi32, #tpu.memory_space<vmem>> -> memref<1x128xi32, #tpu.memory_space<vmem>>
        %dma_wait3A_225 = tpu.memref_squeeze %dma_wait3A_224 : memref<1x128xi32, #tpu.memory_space<vmem>> -> memref<128xi32, #tpu.memory_space<vmem>>
        %dma_wait3A_226 = arith.constant 0 : i32
        %dma_wait3A_227 = arith.constant 0 : i32
        %dma_wait3A_228 = tpu.memref_slice %arg13[%dma_wait3A_226, %dma_wait3A_227] : memref<10240x128xf32, #tpu.memory_space<vmem_shared>> -> memref<10240x128xf32, #tpu.memory_space<vmem_shared>>
        tpu.wait_indirect_dma semaphore(%arg17 : memref<!tpu.dma_semaphore, #tpu.memory_space<semaphore_mem>>) src(%arg12 : memref<128x128xf32, #tpu.memory_space<vmem>>) dst(%dma_wait3A_228 : memref<10240x128xf32, #tpu.memory_space<vmem_shared>>)
      } else {
      }
      %add3A_187 = arith.constant 1 : i32
      %add3A_188 = arith.addi %add3A_171, %add3A_187 : i32
      %lt3A = arith.constant 40 : i32
      %lt3A_189 = arith.cmpi slt, %add3A_188, %lt3A : i32
      %convert_element_type3A_190 = arith.extui %lt3A_189 : i1 to i32
      %cond3A_191 = arith.constant 0 : i32
      %cond3A_192 = arith.cmpi ne, %convert_element_type3A_190, %cond3A_191 : i32
      scf.if %cond3A_192 {
        %add3A_222 = arith.constant 1 : i32
        %add3A_223 = arith.addi %add3A_171, %add3A_222 : i32
        %dma_start3A_224 = arith.constant 0 : i32
        %dma_start3A_225 = tpu.memref_slice %arg9[%add3A_223, %dma_start3A_224] : memref<40x128xi32, #tpu.memory_space<vmem>> -> memref<1x128xi32, #tpu.memory_space<vmem>>
        %dma_start3A_226 = tpu.memref_squeeze %dma_start3A_225 : memref<1x128xi32, #tpu.memory_space<vmem>> -> memref<128xi32, #tpu.memory_space<vmem>>
        %dma_start3A_227 = arith.constant 0 : i32
        %dma_start3A_228 = arith.constant 0 : i32
        %dma_start3A_229 = tpu.memref_slice %arg2[%dma_start3A_227, %dma_start3A_228] : memref<10000x128xf32, #tpu.memory_space<hbm>> -> memref<10000x128xf32, #tpu.memory_space<hbm>>
        tpu.enqueue_indirect_dma source(%dma_start3A_229 : memref<10000x128xf32, #tpu.memory_space<hbm>>) target(%arg12 : memref<128x128xf32, #tpu.memory_space<vmem>>) offsets(%dma_start3A_226 : memref<128xi32, #tpu.memory_space<vmem>>) semaphore(%arg15 : memref<!tpu.dma_semaphore, #tpu.memory_space<semaphore_mem>>)
      } else {
      }
      %mul3A_193 = arith.constant 2 : i32
      %mul3A_194 = arith.muli %mul3A_193, %scan3A_167 : i32
      %add3A_195 = arith.constant 1 : i32
      %add3A_196 = arith.addi %mul3A_194, %add3A_195 : i32
      %dma_wait3A_197 = arith.constant 0 : i32
      %dma_wait3A_198 = arith.constant 0 : i32
      %dma_wait3A_199 = tpu.memref_slice %arg9[%dma_wait3A_197, %dma_wait3A_198] : memref<40x128xi32, #tpu.memory_space<vmem>> -> memref<1x128xi32, #tpu.memory_space<vmem>>
      %dma_wait3A_200 = tpu.memref_squeeze %dma_wait3A_199 : memref<1x128xi32, #tpu.memory_space<vmem>> -> memref<128xi32, #tpu.memory_space<vmem>>
      %dma_wait3A_201 = arith.constant 0 : i32
      %dma_wait3A_202 = arith.constant 0 : i32
      %dma_wait3A_203 = tpu.memref_slice %arg2[%dma_wait3A_201, %dma_wait3A_202] : memref<10000x128xf32, #tpu.memory_space<hbm>> -> memref<10000x128xf32, #tpu.memory_space<hbm>>
      tpu.wait_indirect_dma semaphore(%arg15 : memref<!tpu.dma_semaphore, #tpu.memory_space<semaphore_mem>>) src(%dma_wait3A_203 : memref<10000x128xf32, #tpu.memory_space<hbm>>) dst(%arg12 : memref<128x128xf32, #tpu.memory_space<vmem>>)
      %dma_start3A_204 = arith.constant 0 : i32
      %dma_start3A_205 = tpu.memref_slice %arg10[%add3A_196, %dma_start3A_204] : memref<40x128xi32, #tpu.memory_space<vmem>> -> memref<1x128xi32, #tpu.memory_space<vmem>>
      %dma_start3A_206 = tpu.memref_squeeze %dma_start3A_205 : memref<1x128xi32, #tpu.memory_space<vmem>> -> memref<128xi32, #tpu.memory_space<vmem>>
      %dma_start3A_207 = arith.constant 0 : i32
      %dma_start3A_208 = arith.constant 0 : i32
      %dma_start3A_209 = tpu.memref_slice %arg13[%dma_start3A_207, %dma_start3A_208] : memref<10240x128xf32, #tpu.memory_space<vmem_shared>> -> memref<10240x128xf32, #tpu.memory_space<vmem_shared>>
      tpu.enqueue_indirect_dma source(%arg12 : memref<128x128xf32, #tpu.memory_space<vmem>>) target(%dma_start3A_209 : memref<10240x128xf32, #tpu.memory_space<vmem_shared>>) offsets(%dma_start3A_206 : memref<128xi32, #tpu.memory_space<vmem>>) semaphore(%arg17 : memref<!tpu.dma_semaphore, #tpu.memory_space<semaphore_mem>>) {add = true}
      %ge3A_210 = arith.constant 1 : i32
      %ge3A_211 = arith.cmpi sge, %add3A_196, %ge3A_210 : i32
      %convert_element_type3A_212 = arith.extui %ge3A_211 : i1 to i32
      %cond3A_213 = arith.constant 0 : i32
      %cond3A_214 = arith.cmpi ne, %convert_element_type3A_212, %cond3A_213 : i32
      scf.if %cond3A_214 {
        %dma_wait3A_222 = arith.constant 0 : i32
        %dma_wait3A_223 = arith.constant 0 : i32
        %dma_wait3A_224 = tpu.memref_slice %arg10[%dma_wait3A_222, %dma_wait3A_223] : memref<40x128xi32, #tpu.memory_space<vmem>> -> memref<1x128xi32, #tpu.memory_space<vmem>>
        %dma_wait3A_225 = tpu.memref_squeeze %dma_wait3A_224 : memref<1x128xi32, #tpu.memory_space<vmem>> -> memref<128xi32, #tpu.memory_space<vmem>>
        %dma_wait3A_226 = arith.constant 0 : i32
        %dma_wait3A_227 = arith.constant 0 : i32
        %dma_wait3A_228 = tpu.memref_slice %arg13[%dma_wait3A_226, %dma_wait3A_227] : memref<10240x128xf32, #tpu.memory_space<vmem_shared>> -> memref<10240x128xf32, #tpu.memory_space<vmem_shared>>
        tpu.wait_indirect_dma semaphore(%arg16 : memref<!tpu.dma_semaphore, #tpu.memory_space<semaphore_mem>>) src(%arg11 : memref<128x128xf32, #tpu.memory_space<vmem>>) dst(%dma_wait3A_228 : memref<10240x128xf32, #tpu.memory_space<vmem_shared>>)
      } else {
      }
      %add3A_215 = arith.constant 1 : i32
      %add3A_216 = arith.addi %add3A_196, %add3A_215 : i32
      %lt3A_217 = arith.constant 40 : i32
      %lt3A_218 = arith.cmpi slt, %add3A_216, %lt3A_217 : i32
      %convert_element_type3A_219 = arith.extui %lt3A_218 : i1 to i32
      %cond3A_220 = arith.constant 0 : i32
      %cond3A_221 = arith.cmpi ne, %convert_element_type3A_219, %cond3A_220 : i32
      scf.if %cond3A_221 {
        %add3A_222 = arith.constant 1 : i32
        %add3A_223 = arith.addi %add3A_196, %add3A_222 : i32
        %dma_start3A_224 = arith.constant 0 : i32
        %dma_start3A_225 = tpu.memref_slice %arg9[%add3A_223, %dma_start3A_224] : memref<40x128xi32, #tpu.memory_space<vmem>> -> memref<1x128xi32, #tpu.memory_space<vmem>>
        %dma_start3A_226 = tpu.memref_squeeze %dma_start3A_225 : memref<1x128xi32, #tpu.memory_space<vmem>> -> memref<128xi32, #tpu.memory_space<vmem>>
        %dma_start3A_227 = arith.constant 0 : i32
        %dma_start3A_228 = arith.constant 0 : i32
        %dma_start3A_229 = tpu.memref_slice %arg2[%dma_start3A_227, %dma_start3A_228] : memref<10000x128xf32, #tpu.memory_space<hbm>> -> memref<10000x128xf32, #tpu.memory_space<hbm>>
        tpu.enqueue_indirect_dma source(%dma_start3A_229 : memref<10000x128xf32, #tpu.memory_space<hbm>>) target(%arg11 : memref<128x128xf32, #tpu.memory_space<vmem>>) offsets(%dma_start3A_226 : memref<128xi32, #tpu.memory_space<vmem>>) semaphore(%arg14 : memref<!tpu.dma_semaphore, #tpu.memory_space<semaphore_mem>>)
      } else {
      }
    }
    %scan3A_32 = arith.constant 20 : i32
    %dma_wait3A_33 = arith.constant 0 : i32
    %dma_wait3A_34 = arith.constant 0 : i32
    %dma_wait3A_35 = tpu.memref_slice %arg10[%dma_wait3A_33, %dma_wait3A_34] : memref<40x128xi32, #tpu.memory_space<vmem>> -> memref<1x128xi32, #tpu.memory_space<vmem>>
    %dma_wait3A_36 = tpu.memref_squeeze %dma_wait3A_35 : memref<1x128xi32, #tpu.memory_space<vmem>> -> memref<128xi32, #tpu.memory_space<vmem>>
    %dma_wait3A_37 = arith.constant 0 : i32
    %dma_wait3A_38 = arith.constant 0 : i32
    %dma_wait3A_39 = tpu.memref_slice %arg13[%dma_wait3A_37, %dma_wait3A_38] : memref<10240x128xf32, #tpu.memory_space<vmem_shared>> -> memref<10240x128xf32, #tpu.memory_space<vmem_shared>>
    tpu.wait_indirect_dma semaphore(%arg17 : memref<!tpu.dma_semaphore, #tpu.memory_space<semaphore_mem>>) src(%arg12 : memref<128x128xf32, #tpu.memory_space<vmem>>) dst(%dma_wait3A_39 : memref<10240x128xf32, #tpu.memory_space<vmem_shared>>)
    %barrier3A_40 = arith.constant 0 : index
    tpu.barrier barrier_id(%barrier3A_40)
    "tpu.region"() ({
      %run_scoped3A = tpu.sem_alloc : memref<!tpu.dma_semaphore, #tpu.memory_space<semaphore_mem>>
      %dma_start3A_167 = arith.constant 0 : i32
      %dma_start3A_168 = arith.constant 0 : i32
      %dma_start3A_169 = tpu.memref_slice %arg7[%arg0, %dma_start3A_167, %dma_start3A_168] : memref<2x10240x128xf32, #tpu.memory_space<hbm>> -> memref<1x10240x128xf32, #tpu.memory_space<hbm>>
      %dma_start3A_170 = tpu.memref_squeeze %dma_start3A_169 : memref<1x10240x128xf32, #tpu.memory_space<hbm>> -> memref<10240x128xf32, #tpu.memory_space<hbm>>
      %dma_start3A_171 = arith.constant 0 : i32
      %dma_start3A_172 = tpu.memref_slice %dma_start3A_170[%mul3A_2, %dma_start3A_171] : memref<10240x128xf32, #tpu.memory_space<hbm>> -> memref<640x128xf32, #tpu.memory_space<hbm>>
      %dma_start3A_173 = arith.constant 0 : i32
      %dma_start3A_174 = tpu.memref_slice %arg13[%mul3A_2, %dma_start3A_173] : memref<10240x128xf32, #tpu.memory_space<vmem_shared>> -> memref<640x128xf32, #tpu.memory_space<vmem_shared>>
      tpu.enqueue_dma source(%dma_start3A_174 : memref<640x128xf32, #tpu.memory_space<vmem_shared>>) target(%dma_start3A_172 : memref<640x128xf32, #tpu.memory_space<hbm>>) target_semaphore(%run_scoped3A : memref<!tpu.dma_semaphore, #tpu.memory_space<semaphore_mem>>)
      %dma_wait3A_175 = arith.constant 0 : i32
      %dma_wait3A_176 = arith.constant 0 : i32
      %dma_wait3A_177 = tpu.memref_slice %arg7[%arg0, %dma_wait3A_175, %dma_wait3A_176] : memref<2x10240x128xf32, #tpu.memory_space<hbm>> -> memref<1x10240x128xf32, #tpu.memory_space<hbm>>
      %dma_wait3A_178 = tpu.memref_squeeze %dma_wait3A_177 : memref<1x10240x128xf32, #tpu.memory_space<hbm>> -> memref<10240x128xf32, #tpu.memory_space<hbm>>
      %dma_wait3A_179 = arith.constant 0 : i32
      %dma_wait3A_180 = tpu.memref_slice %dma_wait3A_178[%mul3A_2, %dma_wait3A_179] : memref<10240x128xf32, #tpu.memory_space<hbm>> -> memref<640x128xf32, #tpu.memory_space<hbm>>
      %dma_wait3A_181 = arith.constant 0 : i32
      %dma_wait3A_182 = tpu.memref_slice %arg13[%mul3A_2, %dma_wait3A_181] : memref<10240x128xf32, #tpu.memory_space<vmem_shared>> -> memref<640x128xf32, #tpu.memory_space<vmem_shared>>
      tpu.wait_dma2 semaphore(%run_scoped3A : memref<!tpu.dma_semaphore, #tpu.memory_space<semaphore_mem>>) src(%dma_wait3A_182 : memref<640x128xf32, #tpu.memory_space<vmem_shared>>) dst(%dma_wait3A_180 : memref<640x128xf32, #tpu.memory_space<hbm>>)
      tpu.yield
    }) : () -> ()
    "tpu.region"() ({
      %run_scoped3A = tpu.sem_alloc : memref<!tpu.dma_semaphore, #tpu.memory_space<semaphore_mem>>
      %dma_start3A_167 = arith.constant 0 : i32
      %dma_start3A_168 = tpu.memref_slice %arg13[%mul3A_2, %dma_start3A_167] : memref<10240x128xf32, #tpu.memory_space<vmem_shared>> -> memref<640x128xf32, #tpu.memory_space<vmem_shared>>
      %dma_start3A_169 = arith.constant 0 : i32
      %dma_start3A_170 = tpu.memref_slice %arg5[%mul3A_2, %dma_start3A_169] : memref<10240x128xf32, #tpu.memory_space<hbm>> -> memref<640x128xf32, #tpu.memory_space<hbm>>
      tpu.enqueue_dma source(%dma_start3A_170 : memref<640x128xf32, #tpu.memory_space<hbm>>) target(%dma_start3A_168 : memref<640x128xf32, #tpu.memory_space<vmem_shared>>) target_semaphore(%run_scoped3A : memref<!tpu.dma_semaphore, #tpu.memory_space<semaphore_mem>>)
      %dma_wait3A_171 = arith.constant 0 : i32
      %dma_wait3A_172 = tpu.memref_slice %arg13[%mul3A_2, %dma_wait3A_171] : memref<10240x128xf32, #tpu.memory_space<vmem_shared>> -> memref<640x128xf32, #tpu.memory_space<vmem_shared>>
      %dma_wait3A_173 = arith.constant 0 : i32
      %dma_wait3A_174 = tpu.memref_slice %arg5[%mul3A_2, %dma_wait3A_173] : memref<10240x128xf32, #tpu.memory_space<hbm>> -> memref<640x128xf32, #tpu.memory_space<hbm>>
      tpu.wait_dma2 semaphore(%run_scoped3A : memref<!tpu.dma_semaphore, #tpu.memory_space<semaphore_mem>>) src(%dma_wait3A_174 : memref<640x128xf32, #tpu.memory_space<hbm>>) dst(%dma_wait3A_172 : memref<640x128xf32, #tpu.memory_space<vmem_shared>>)
      tpu.yield
    }) : () -> ()
    "tpu.region"() ({
      %run_scoped3A = tpu.sem_alloc : memref<!tpu.dma_semaphore, #tpu.memory_space<semaphore_mem>>
      tpu.enqueue_dma source(%arg6 : memref<128x128xf32, #tpu.memory_space<hbm>>) target(%arg11 : memref<128x128xf32, #tpu.memory_space<vmem>>) target_semaphore(%run_scoped3A : memref<!tpu.dma_semaphore, #tpu.memory_space<semaphore_mem>>)
      tpu.wait_dma2 semaphore(%run_scoped3A : memref<!tpu.dma_semaphore, #tpu.memory_space<semaphore_mem>>) src(%arg6 : memref<128x128xf32, #tpu.memory_space<hbm>>) dst(%arg11 : memref<128x128xf32, #tpu.memory_space<vmem>>)
      tpu.yield
    }) : () -> ()
    %barrier3A_41 = arith.constant 0 : index
    tpu.barrier barrier_id(%barrier3A_41)
    %dma_start3A_42 = arith.constant 0 : i32
    %dma_start3A_43 = arith.constant 0 : i32
    %dma_start3A_44 = tpu.memref_slice %arg10[%dma_start3A_42, %dma_start3A_43] : memref<40x128xi32, #tpu.memory_space<vmem>> -> memref<1x128xi32, #tpu.memory_space<vmem>>
    %dma_start3A_45 = tpu.memref_squeeze %dma_start3A_44 : memref<1x128xi32, #tpu.memory_space<vmem>> -> memref<128xi32, #tpu.memory_space<vmem>>
    %dma_start3A_46 = arith.constant 0 : i32
    %dma_start3A_47 = arith.constant 0 : i32
    %dma_start3A_48 = tpu.memref_slice %arg13[%dma_start3A_46, %dma_start3A_47] : memref<10240x128xf32, #tpu.memory_space<vmem_shared>> -> memref<10240x128xf32, #tpu.memory_space<vmem_shared>>
    tpu.enqueue_indirect_dma source(%arg11 : memref<128x128xf32, #tpu.memory_space<vmem>>) target(%dma_start3A_48 : memref<10240x128xf32, #tpu.memory_space<vmem_shared>>) offsets(%dma_start3A_45 : memref<128xi32, #tpu.memory_space<vmem>>) semaphore(%arg16 : memref<!tpu.dma_semaphore, #tpu.memory_space<semaphore_mem>>) {add = true}
    %dma_start3A_49 = arith.constant 1 : i32
    %dma_start3A_50 = arith.constant 0 : i32
    %dma_start3A_51 = tpu.memref_slice %arg10[%dma_start3A_49, %dma_start3A_50] : memref<40x128xi32, #tpu.memory_space<vmem>> -> memref<1x128xi32, #tpu.memory_space<vmem>>
    %dma_start3A_52 = tpu.memref_squeeze %dma_start3A_51 : memref<1x128xi32, #tpu.memory_space<vmem>> -> memref<128xi32, #tpu.memory_space<vmem>>
    %dma_start3A_53 = arith.constant 0 : i32
    %dma_start3A_54 = arith.constant 0 : i32
    %dma_start3A_55 = tpu.memref_slice %arg13[%dma_start3A_53, %dma_start3A_54] : memref<10240x128xf32, #tpu.memory_space<vmem_shared>> -> memref<10240x128xf32, #tpu.memory_space<vmem_shared>>
    tpu.enqueue_indirect_dma source(%arg11 : memref<128x128xf32, #tpu.memory_space<vmem>>) target(%dma_start3A_55 : memref<10240x128xf32, #tpu.memory_space<vmem_shared>>) offsets(%dma_start3A_52 : memref<128xi32, #tpu.memory_space<vmem>>) semaphore(%arg16 : memref<!tpu.dma_semaphore, #tpu.memory_space<semaphore_mem>>) {add = true}
    %dma_start3A_56 = arith.constant 2 : i32
    %dma_start3A_57 = arith.constant 0 : i32
    %dma_start3A_58 = tpu.memref_slice %arg10[%dma_start3A_56, %dma_start3A_57] : memref<40x128xi32, #tpu.memory_space<vmem>> -> memref<1x128xi32, #tpu.memory_space<vmem>>
    %dma_start3A_59 = tpu.memref_squeeze %dma_start3A_58 : memref<1x128xi32, #tpu.memory_space<vmem>> -> memref<128xi32, #tpu.memory_space<vmem>>
    %dma_start3A_60 = arith.constant 0 : i32
    %dma_start3A_61 = arith.constant 0 : i32
    %dma_start3A_62 = tpu.memref_slice %arg13[%dma_start3A_60, %dma_start3A_61] : memref<10240x128xf32, #tpu.memory_space<vmem_shared>> -> memref<10240x128xf32, #tpu.memory_space<vmem_shared>>
    tpu.enqueue_indirect_dma source(%arg11 : memref<128x128xf32, #tpu.memory_space<vmem>>) target(%dma_start3A_62 : memref<10240x128xf32, #tpu.memory_space<vmem_shared>>) offsets(%dma_start3A_59 : memref<128xi32, #tpu.memory_space<vmem>>) semaphore(%arg16 : memref<!tpu.dma_semaphore, #tpu.memory_space<semaphore_mem>>) {add = true}
    %dma_start3A_63 = arith.constant 3 : i32
    %dma_start3A_64 = arith.constant 0 : i32
    %dma_start3A_65 = tpu.memref_slice %arg10[%dma_start3A_63, %dma_start3A_64] : memref<40x128xi32, #tpu.memory_space<vmem>> -> memref<1x128xi32, #tpu.memory_space<vmem>>
    %dma_start3A_66 = tpu.memref_squeeze %dma_start3A_65 : memref<1x128xi32, #tpu.memory_space<vmem>> -> memref<128xi32, #tpu.memory_space<vmem>>
    %dma_start3A_67 = arith.constant 0 : i32
    %dma_start3A_68 = arith.constant 0 : i32
    %dma_start3A_69 = tpu.memref_slice %arg13[%dma_start3A_67, %dma_start3A_68] : memref<10240x128xf32, #tpu.memory_space<vmem_shared>> -> memref<10240x128xf32, #tpu.memory_space<vmem_shared>>
    tpu.enqueue_indirect_dma source(%arg11 : memref<128x128xf32, #tpu.memory_space<vmem>>) target(%dma_start3A_69 : memref<10240x128xf32, #tpu.memory_space<vmem_shared>>) offsets(%dma_start3A_66 : memref<128xi32, #tpu.memory_space<vmem>>) semaphore(%arg16 : memref<!tpu.dma_semaphore, #tpu.memory_space<semaphore_mem>>) {add = true}
    %scan3A_70 = arith.constant 0 : i32
    %scan3A_71 = arith.constant 0 : i32
    %scan3A_72 = arith.constant 36 : i32
    %scan3A_73 = arith.addi %scan3A_71, %scan3A_72 : i32
    %scan3A_74 = arith.constant 1 : i32
    scf.for %scan3A_167 = %scan3A_71 to %scan3A_73 step %scan3A_74  : i32 {
      %dma_wait3A_168 = arith.constant 0 : i32
      %dma_wait3A_169 = arith.constant 0 : i32
      %dma_wait3A_170 = tpu.memref_slice %arg10[%dma_wait3A_168, %dma_wait3A_169] : memref<40x128xi32, #tpu.memory_space<vmem>> -> memref<1x128xi32, #tpu.memory_space<vmem>>
      %dma_wait3A_171 = tpu.memref_squeeze %dma_wait3A_170 : memref<1x128xi32, #tpu.memory_space<vmem>> -> memref<128xi32, #tpu.memory_space<vmem>>
      %dma_wait3A_172 = arith.constant 0 : i32
      %dma_wait3A_173 = arith.constant 0 : i32
      %dma_wait3A_174 = tpu.memref_slice %arg13[%dma_wait3A_172, %dma_wait3A_173] : memref<10240x128xf32, #tpu.memory_space<vmem_shared>> -> memref<10240x128xf32, #tpu.memory_space<vmem_shared>>
      tpu.wait_indirect_dma semaphore(%arg16 : memref<!tpu.dma_semaphore, #tpu.memory_space<semaphore_mem>>) src(%arg11 : memref<128x128xf32, #tpu.memory_space<vmem>>) dst(%dma_wait3A_174 : memref<10240x128xf32, #tpu.memory_space<vmem_shared>>)
      %add3A_175 = arith.constant 4 : i32
      %add3A_176 = arith.addi %scan3A_167, %add3A_175 : i32
      %dma_start3A_177 = arith.constant 0 : i32
      %dma_start3A_178 = tpu.memref_slice %arg10[%add3A_176, %dma_start3A_177] : memref<40x128xi32, #tpu.memory_space<vmem>> -> memref<1x128xi32, #tpu.memory_space<vmem>>
      %dma_start3A_179 = tpu.memref_squeeze %dma_start3A_178 : memref<1x128xi32, #tpu.memory_space<vmem>> -> memref<128xi32, #tpu.memory_space<vmem>>
      %dma_start3A_180 = arith.constant 0 : i32
      %dma_start3A_181 = arith.constant 0 : i32
      %dma_start3A_182 = tpu.memref_slice %arg13[%dma_start3A_180, %dma_start3A_181] : memref<10240x128xf32, #tpu.memory_space<vmem_shared>> -> memref<10240x128xf32, #tpu.memory_space<vmem_shared>>
      tpu.enqueue_indirect_dma source(%arg11 : memref<128x128xf32, #tpu.memory_space<vmem>>) target(%dma_start3A_182 : memref<10240x128xf32, #tpu.memory_space<vmem_shared>>) offsets(%dma_start3A_179 : memref<128xi32, #tpu.memory_space<vmem>>) semaphore(%arg16 : memref<!tpu.dma_semaphore, #tpu.memory_space<semaphore_mem>>) {add = true}
    }
    %scan3A_75 = arith.constant 36 : i32
    %dma_wait3A_76 = arith.constant 0 : i32
    %dma_wait3A_77 = arith.constant 0 : i32
    %dma_wait3A_78 = tpu.memref_slice %arg10[%dma_wait3A_76, %dma_wait3A_77] : memref<40x128xi32, #tpu.memory_space<vmem>> -> memref<1x128xi32, #tpu.memory_space<vmem>>
    %dma_wait3A_79 = tpu.memref_squeeze %dma_wait3A_78 : memref<1x128xi32, #tpu.memory_space<vmem>> -> memref<128xi32, #tpu.memory_space<vmem>>
    %dma_wait3A_80 = arith.constant 0 : i32
    %dma_wait3A_81 = arith.constant 0 : i32
    %dma_wait3A_82 = tpu.memref_slice %arg13[%dma_wait3A_80, %dma_wait3A_81] : memref<10240x128xf32, #tpu.memory_space<vmem_shared>> -> memref<10240x128xf32, #tpu.memory_space<vmem_shared>>
    tpu.wait_indirect_dma semaphore(%arg16 : memref<!tpu.dma_semaphore, #tpu.memory_space<semaphore_mem>>) src(%arg11 : memref<128x128xf32, #tpu.memory_space<vmem>>) dst(%dma_wait3A_82 : memref<10240x128xf32, #tpu.memory_space<vmem_shared>>)
    %dma_wait3A_83 = arith.constant 0 : i32
    %dma_wait3A_84 = arith.constant 0 : i32
    %dma_wait3A_85 = tpu.memref_slice %arg10[%dma_wait3A_83, %dma_wait3A_84] : memref<40x128xi32, #tpu.memory_space<vmem>> -> memref<1x128xi32, #tpu.memory_space<vmem>>
    %dma_wait3A_86 = tpu.memref_squeeze %dma_wait3A_85 : memref<1x128xi32, #tpu.memory_space<vmem>> -> memref<128xi32, #tpu.memory_space<vmem>>
    %dma_wait3A_87 = arith.constant 0 : i32
    %dma_wait3A_88 = arith.constant 0 : i32
    %dma_wait3A_89 = tpu.memref_slice %arg13[%dma_wait3A_87, %dma_wait3A_88] : memref<10240x128xf32, #tpu.memory_space<vmem_shared>> -> memref<10240x128xf32, #tpu.memory_space<vmem_shared>>
    tpu.wait_indirect_dma semaphore(%arg16 : memref<!tpu.dma_semaphore, #tpu.memory_space<semaphore_mem>>) src(%arg11 : memref<128x128xf32, #tpu.memory_space<vmem>>) dst(%dma_wait3A_89 : memref<10240x128xf32, #tpu.memory_space<vmem_shared>>)
    %dma_wait3A_90 = arith.constant 0 : i32
    %dma_wait3A_91 = arith.constant 0 : i32
    %dma_wait3A_92 = tpu.memref_slice %arg10[%dma_wait3A_90, %dma_wait3A_91] : memref<40x128xi32, #tpu.memory_space<vmem>> -> memref<1x128xi32, #tpu.memory_space<vmem>>
    %dma_wait3A_93 = tpu.memref_squeeze %dma_wait3A_92 : memref<1x128xi32, #tpu.memory_space<vmem>> -> memref<128xi32, #tpu.memory_space<vmem>>
    %dma_wait3A_94 = arith.constant 0 : i32
    %dma_wait3A_95 = arith.constant 0 : i32
    %dma_wait3A_96 = tpu.memref_slice %arg13[%dma_wait3A_94, %dma_wait3A_95] : memref<10240x128xf32, #tpu.memory_space<vmem_shared>> -> memref<10240x128xf32, #tpu.memory_space<vmem_shared>>
    tpu.wait_indirect_dma semaphore(%arg16 : memref<!tpu.dma_semaphore, #tpu.memory_space<semaphore_mem>>) src(%arg11 : memref<128x128xf32, #tpu.memory_space<vmem>>) dst(%dma_wait3A_96 : memref<10240x128xf32, #tpu.memory_space<vmem_shared>>)
    %dma_wait3A_97 = arith.constant 0 : i32
    %dma_wait3A_98 = arith.constant 0 : i32
    %dma_wait3A_99 = tpu.memref_slice %arg10[%dma_wait3A_97, %dma_wait3A_98] : memref<40x128xi32, #tpu.memory_space<vmem>> -> memref<1x128xi32, #tpu.memory_space<vmem>>
    %dma_wait3A_100 = tpu.memref_squeeze %dma_wait3A_99 : memref<1x128xi32, #tpu.memory_space<vmem>> -> memref<128xi32, #tpu.memory_space<vmem>>
    %dma_wait3A_101 = arith.constant 0 : i32
    %dma_wait3A_102 = arith.constant 0 : i32
    %dma_wait3A_103 = tpu.memref_slice %arg13[%dma_wait3A_101, %dma_wait3A_102] : memref<10240x128xf32, #tpu.memory_space<vmem_shared>> -> memref<10240x128xf32, #tpu.memory_space<vmem_shared>>
    tpu.wait_indirect_dma semaphore(%arg16 : memref<!tpu.dma_semaphore, #tpu.memory_space<semaphore_mem>>) src(%arg11 : memref<128x128xf32, #tpu.memory_space<vmem>>) dst(%dma_wait3A_103 : memref<10240x128xf32, #tpu.memory_space<vmem_shared>>)
    "tpu.region"() ({
      %run_scoped3A = tpu.sem_alloc : memref<!tpu.dma_semaphore, #tpu.memory_space<semaphore_mem>>
      %dma_start3A_167 = arith.constant 0 : i32
      %dma_start3A_168 = arith.constant 0 : i32
      %dma_start3A_169 = tpu.memref_slice %arg4[%add3A, %dma_start3A_167, %dma_start3A_168] : memref<32x80x128xi32, #tpu.memory_space<hbm>> -> memref<1x40x128xi32, #tpu.memory_space<hbm>>
      %dma_start3A_170 = tpu.memref_squeeze %dma_start3A_169 : memref<1x40x128xi32, #tpu.memory_space<hbm>> -> memref<40x128xi32, #tpu.memory_space<hbm>>
      %dma_start3A_171 = arith.constant 0 : i32
      %dma_start3A_172 = arith.constant 0 : i32
      %dma_start3A_173 = tpu.memref_slice %arg4[%add3A, %dma_start3A_171, %dma_start3A_172] : memref<32x80x128xi32, #tpu.memory_space<hbm>> -> memref<1x40x128xi32, #tpu.memory_space<hbm>>
      %dma_start3A_174 = tpu.memref_squeeze %dma_start3A_173 : memref<1x40x128xi32, #tpu.memory_space<hbm>> -> memref<40x128xi32, #tpu.memory_space<hbm>>
      tpu.enqueue_dma source(%dma_start3A_174 : memref<40x128xi32, #tpu.memory_space<hbm>>) target(%arg10 : memref<40x128xi32, #tpu.memory_space<vmem>>) target_semaphore(%run_scoped3A : memref<!tpu.dma_semaphore, #tpu.memory_space<semaphore_mem>>)
      %dma_wait3A_175 = arith.constant 0 : i32
      %dma_wait3A_176 = arith.constant 0 : i32
      %dma_wait3A_177 = tpu.memref_slice %arg4[%add3A, %dma_wait3A_175, %dma_wait3A_176] : memref<32x80x128xi32, #tpu.memory_space<hbm>> -> memref<1x40x128xi32, #tpu.memory_space<hbm>>
      %dma_wait3A_178 = tpu.memref_squeeze %dma_wait3A_177 : memref<1x40x128xi32, #tpu.memory_space<hbm>> -> memref<40x128xi32, #tpu.memory_space<hbm>>
      %dma_wait3A_179 = arith.constant 0 : i32
      %dma_wait3A_180 = arith.constant 0 : i32
      %dma_wait3A_181 = tpu.memref_slice %arg4[%add3A, %dma_wait3A_179, %dma_wait3A_180] : memref<32x80x128xi32, #tpu.memory_space<hbm>> -> memref<1x40x128xi32, #tpu.memory_space<hbm>>
      %dma_wait3A_182 = tpu.memref_squeeze %dma_wait3A_181 : memref<1x40x128xi32, #tpu.memory_space<hbm>> -> memref<40x128xi32, #tpu.memory_space<hbm>>
      tpu.wait_dma2 semaphore(%run_scoped3A : memref<!tpu.dma_semaphore, #tpu.memory_space<semaphore_mem>>) src(%dma_wait3A_182 : memref<40x128xi32, #tpu.memory_space<hbm>>) dst(%arg10 : memref<40x128xi32, #tpu.memory_space<vmem>>)
      tpu.yield
    }) : () -> ()
    %dma_start3A_104 = arith.constant 0 : i32
    %dma_start3A_105 = arith.constant 0 : i32
    %dma_start3A_106 = tpu.memref_slice %arg10[%dma_start3A_104, %dma_start3A_105] : memref<40x128xi32, #tpu.memory_space<vmem>> -> memref<1x128xi32, #tpu.memory_space<vmem>>
    %dma_start3A_107 = tpu.memref_squeeze %dma_start3A_106 : memref<1x128xi32, #tpu.memory_space<vmem>> -> memref<128xi32, #tpu.memory_space<vmem>>
    %dma_start3A_108 = arith.constant 0 : i32
    %dma_start3A_109 = arith.constant 0 : i32
    %dma_start3A_110 = tpu.memref_slice %arg13[%dma_start3A_108, %dma_start3A_109] : memref<10240x128xf32, #tpu.memory_space<vmem_shared>> -> memref<10240x128xf32, #tpu.memory_space<vmem_shared>>
    tpu.enqueue_indirect_dma source(%arg11 : memref<128x128xf32, #tpu.memory_space<vmem>>) target(%dma_start3A_110 : memref<10240x128xf32, #tpu.memory_space<vmem_shared>>) offsets(%dma_start3A_107 : memref<128xi32, #tpu.memory_space<vmem>>) semaphore(%arg16 : memref<!tpu.dma_semaphore, #tpu.memory_space<semaphore_mem>>) {add = true}
    %dma_start3A_111 = arith.constant 1 : i32
    %dma_start3A_112 = arith.constant 0 : i32
    %dma_start3A_113 = tpu.memref_slice %arg10[%dma_start3A_111, %dma_start3A_112] : memref<40x128xi32, #tpu.memory_space<vmem>> -> memref<1x128xi32, #tpu.memory_space<vmem>>
    %dma_start3A_114 = tpu.memref_squeeze %dma_start3A_113 : memref<1x128xi32, #tpu.memory_space<vmem>> -> memref<128xi32, #tpu.memory_space<vmem>>
    %dma_start3A_115 = arith.constant 0 : i32
    %dma_start3A_116 = arith.constant 0 : i32
    %dma_start3A_117 = tpu.memref_slice %arg13[%dma_start3A_115, %dma_start3A_116] : memref<10240x128xf32, #tpu.memory_space<vmem_shared>> -> memref<10240x128xf32, #tpu.memory_space<vmem_shared>>
    tpu.enqueue_indirect_dma source(%arg11 : memref<128x128xf32, #tpu.memory_space<vmem>>) target(%dma_start3A_117 : memref<10240x128xf32, #tpu.memory_space<vmem_shared>>) offsets(%dma_start3A_114 : memref<128xi32, #tpu.memory_space<vmem>>) semaphore(%arg16 : memref<!tpu.dma_semaphore, #tpu.memory_space<semaphore_mem>>) {add = true}
    %dma_start3A_118 = arith.constant 2 : i32
    %dma_start3A_119 = arith.constant 0 : i32
    %dma_start3A_120 = tpu.memref_slice %arg10[%dma_start3A_118, %dma_start3A_119] : memref<40x128xi32, #tpu.memory_space<vmem>> -> memref<1x128xi32, #tpu.memory_space<vmem>>
    %dma_start3A_121 = tpu.memref_squeeze %dma_start3A_120 : memref<1x128xi32, #tpu.memory_space<vmem>> -> memref<128xi32, #tpu.memory_space<vmem>>
    %dma_start3A_122 = arith.constant 0 : i32
    %dma_start3A_123 = arith.constant 0 : i32
    %dma_start3A_124 = tpu.memref_slice %arg13[%dma_start3A_122, %dma_start3A_123] : memref<10240x128xf32, #tpu.memory_space<vmem_shared>> -> memref<10240x128xf32, #tpu.memory_space<vmem_shared>>
    tpu.enqueue_indirect_dma source(%arg11 : memref<128x128xf32, #tpu.memory_space<vmem>>) target(%dma_start3A_124 : memref<10240x128xf32, #tpu.memory_space<vmem_shared>>) offsets(%dma_start3A_121 : memref<128xi32, #tpu.memory_space<vmem>>) semaphore(%arg16 : memref<!tpu.dma_semaphore, #tpu.memory_space<semaphore_mem>>) {add = true}
    %dma_start3A_125 = arith.constant 3 : i32
    %dma_start3A_126 = arith.constant 0 : i32
    %dma_start3A_127 = tpu.memref_slice %arg10[%dma_start3A_125, %dma_start3A_126] : memref<40x128xi32, #tpu.memory_space<vmem>> -> memref<1x128xi32, #tpu.memory_space<vmem>>
    %dma_start3A_128 = tpu.memref_squeeze %dma_start3A_127 : memref<1x128xi32, #tpu.memory_space<vmem>> -> memref<128xi32, #tpu.memory_space<vmem>>
    %dma_start3A_129 = arith.constant 0 : i32
    %dma_start3A_130 = arith.constant 0 : i32
    %dma_start3A_131 = tpu.memref_slice %arg13[%dma_start3A_129, %dma_start3A_130] : memref<10240x128xf32, #tpu.memory_space<vmem_shared>> -> memref<10240x128xf32, #tpu.memory_space<vmem_shared>>
    tpu.enqueue_indirect_dma source(%arg11 : memref<128x128xf32, #tpu.memory_space<vmem>>) target(%dma_start3A_131 : memref<10240x128xf32, #tpu.memory_space<vmem_shared>>) offsets(%dma_start3A_128 : memref<128xi32, #tpu.memory_space<vmem>>) semaphore(%arg16 : memref<!tpu.dma_semaphore, #tpu.memory_space<semaphore_mem>>) {add = true}
    %scan3A_132 = arith.constant 0 : i32
    %scan3A_133 = arith.constant 0 : i32
    %scan3A_134 = arith.constant 36 : i32
    %scan3A_135 = arith.addi %scan3A_133, %scan3A_134 : i32
    %scan3A_136 = arith.constant 1 : i32
    scf.for %scan3A_167 = %scan3A_133 to %scan3A_135 step %scan3A_136  : i32 {
      %dma_wait3A_168 = arith.constant 0 : i32
      %dma_wait3A_169 = arith.constant 0 : i32
      %dma_wait3A_170 = tpu.memref_slice %arg10[%dma_wait3A_168, %dma_wait3A_169] : memref<40x128xi32, #tpu.memory_space<vmem>> -> memref<1x128xi32, #tpu.memory_space<vmem>>
      %dma_wait3A_171 = tpu.memref_squeeze %dma_wait3A_170 : memref<1x128xi32, #tpu.memory_space<vmem>> -> memref<128xi32, #tpu.memory_space<vmem>>
      %dma_wait3A_172 = arith.constant 0 : i32
      %dma_wait3A_173 = arith.constant 0 : i32
      %dma_wait3A_174 = tpu.memref_slice %arg13[%dma_wait3A_172, %dma_wait3A_173] : memref<10240x128xf32, #tpu.memory_space<vmem_shared>> -> memref<10240x128xf32, #tpu.memory_space<vmem_shared>>
      tpu.wait_indirect_dma semaphore(%arg16 : memref<!tpu.dma_semaphore, #tpu.memory_space<semaphore_mem>>) src(%arg11 : memref<128x128xf32, #tpu.memory_space<vmem>>) dst(%dma_wait3A_174 : memref<10240x128xf32, #tpu.memory_space<vmem_shared>>)
      %add3A_175 = arith.constant 4 : i32
      %add3A_176 = arith.addi %scan3A_167, %add3A_175 : i32
      %dma_start3A_177 = arith.constant 0 : i32
      %dma_start3A_178 = tpu.memref_slice %arg10[%add3A_176, %dma_start3A_177] : memref<40x128xi32, #tpu.memory_space<vmem>> -> memref<1x128xi32, #tpu.memory_space<vmem>>
      %dma_start3A_179 = tpu.memref_squeeze %dma_start3A_178 : memref<1x128xi32, #tpu.memory_space<vmem>> -> memref<128xi32, #tpu.memory_space<vmem>>
      %dma_start3A_180 = arith.constant 0 : i32
      %dma_start3A_181 = arith.constant 0 : i32
      %dma_start3A_182 = tpu.memref_slice %arg13[%dma_start3A_180, %dma_start3A_181] : memref<10240x128xf32, #tpu.memory_space<vmem_shared>> -> memref<10240x128xf32, #tpu.memory_space<vmem_shared>>
      tpu.enqueue_indirect_dma source(%arg11 : memref<128x128xf32, #tpu.memory_space<vmem>>) target(%dma_start3A_182 : memref<10240x128xf32, #tpu.memory_space<vmem_shared>>) offsets(%dma_start3A_179 : memref<128xi32, #tpu.memory_space<vmem>>) semaphore(%arg16 : memref<!tpu.dma_semaphore, #tpu.memory_space<semaphore_mem>>) {add = true}
    }
    %scan3A_137 = arith.constant 36 : i32
    %dma_wait3A_138 = arith.constant 0 : i32
    %dma_wait3A_139 = arith.constant 0 : i32
    %dma_wait3A_140 = tpu.memref_slice %arg10[%dma_wait3A_138, %dma_wait3A_139] : memref<40x128xi32, #tpu.memory_space<vmem>> -> memref<1x128xi32, #tpu.memory_space<vmem>>
    %dma_wait3A_141 = tpu.memref_squeeze %dma_wait3A_140 : memref<1x128xi32, #tpu.memory_space<vmem>> -> memref<128xi32, #tpu.memory_space<vmem>>
    %dma_wait3A_142 = arith.constant 0 : i32
    %dma_wait3A_143 = arith.constant 0 : i32
    %dma_wait3A_144 = tpu.memref_slice %arg13[%dma_wait3A_142, %dma_wait3A_143] : memref<10240x128xf32, #tpu.memory_space<vmem_shared>> -> memref<10240x128xf32, #tpu.memory_space<vmem_shared>>
    tpu.wait_indirect_dma semaphore(%arg16 : memref<!tpu.dma_semaphore, #tpu.memory_space<semaphore_mem>>) src(%arg11 : memref<128x128xf32, #tpu.memory_space<vmem>>) dst(%dma_wait3A_144 : memref<10240x128xf32, #tpu.memory_space<vmem_shared>>)
    %dma_wait3A_145 = arith.constant 0 : i32
    %dma_wait3A_146 = arith.constant 0 : i32
    %dma_wait3A_147 = tpu.memref_slice %arg10[%dma_wait3A_145, %dma_wait3A_146] : memref<40x128xi32, #tpu.memory_space<vmem>> -> memref<1x128xi32, #tpu.memory_space<vmem>>
    %dma_wait3A_148 = tpu.memref_squeeze %dma_wait3A_147 : memref<1x128xi32, #tpu.memory_space<vmem>> -> memref<128xi32, #tpu.memory_space<vmem>>
    %dma_wait3A_149 = arith.constant 0 : i32
    %dma_wait3A_150 = arith.constant 0 : i32
    %dma_wait3A_151 = tpu.memref_slice %arg13[%dma_wait3A_149, %dma_wait3A_150] : memref<10240x128xf32, #tpu.memory_space<vmem_shared>> -> memref<10240x128xf32, #tpu.memory_space<vmem_shared>>
    tpu.wait_indirect_dma semaphore(%arg16 : memref<!tpu.dma_semaphore, #tpu.memory_space<semaphore_mem>>) src(%arg11 : memref<128x128xf32, #tpu.memory_space<vmem>>) dst(%dma_wait3A_151 : memref<10240x128xf32, #tpu.memory_space<vmem_shared>>)
    %dma_wait3A_152 = arith.constant 0 : i32
    %dma_wait3A_153 = arith.constant 0 : i32
    %dma_wait3A_154 = tpu.memref_slice %arg10[%dma_wait3A_152, %dma_wait3A_153] : memref<40x128xi32, #tpu.memory_space<vmem>> -> memref<1x128xi32, #tpu.memory_space<vmem>>
    %dma_wait3A_155 = tpu.memref_squeeze %dma_wait3A_154 : memref<1x128xi32, #tpu.memory_space<vmem>> -> memref<128xi32, #tpu.memory_space<vmem>>
    %dma_wait3A_156 = arith.constant 0 : i32
    %dma_wait3A_157 = arith.constant 0 : i32
    %dma_wait3A_158 = tpu.memref_slice %arg13[%dma_wait3A_156, %dma_wait3A_157] : memref<10240x128xf32, #tpu.memory_space<vmem_shared>> -> memref<10240x128xf32, #tpu.memory_space<vmem_shared>>
    tpu.wait_indirect_dma semaphore(%arg16 : memref<!tpu.dma_semaphore, #tpu.memory_space<semaphore_mem>>) src(%arg11 : memref<128x128xf32, #tpu.memory_space<vmem>>) dst(%dma_wait3A_158 : memref<10240x128xf32, #tpu.memory_space<vmem_shared>>)
    %dma_wait3A_159 = arith.constant 0 : i32
    %dma_wait3A_160 = arith.constant 0 : i32
    %dma_wait3A_161 = tpu.memref_slice %arg10[%dma_wait3A_159, %dma_wait3A_160] : memref<40x128xi32, #tpu.memory_space<vmem>> -> memref<1x128xi32, #tpu.memory_space<vmem>>
    %dma_wait3A_162 = tpu.memref_squeeze %dma_wait3A_161 : memref<1x128xi32, #tpu.memory_space<vmem>> -> memref<128xi32, #tpu.memory_space<vmem>>
    %dma_wait3A_163 = arith.constant 0 : i32
    %dma_wait3A_164 = arith.constant 0 : i32
    %dma_wait3A_165 = tpu.memref_slice %arg13[%dma_wait3A_163, %dma_wait3A_164] : memref<10240x128xf32, #tpu.memory_space<vmem_shared>> -> memref<10240x128xf32, #tpu.memory_space<vmem_shared>>
    tpu.wait_indirect_dma semaphore(%arg16 : memref<!tpu.dma_semaphore, #tpu.memory_space<semaphore_mem>>) src(%arg11 : memref<128x128xf32, #tpu.memory_space<vmem>>) dst(%dma_wait3A_165 : memref<10240x128xf32, #tpu.memory_space<vmem_shared>>)
    %barrier3A_166 = arith.constant 0 : index
    tpu.barrier barrier_id(%barrier3A_166)
    "tpu.region"() ({
      %run_scoped3A = tpu.sem_alloc : memref<!tpu.dma_semaphore, #tpu.memory_space<semaphore_mem>>
      %dma_start3A_167 = arith.constant 0 : i32
      %dma_start3A_168 = arith.constant 0 : i32
      %dma_start3A_169 = tpu.memref_slice %arg8[%arg0, %dma_start3A_167, %dma_start3A_168] : memref<2x10240x128xf32, #tpu.memory_space<hbm>> -> memref<1x10240x128xf32, #tpu.memory_space<hbm>>
      %dma_start3A_170 = tpu.memref_squeeze %dma_start3A_169 : memref<1x10240x128xf32, #tpu.memory_space<hbm>> -> memref<10240x128xf32, #tpu.memory_space<hbm>>
      %dma_start3A_171 = arith.constant 0 : i32
      %dma_start3A_172 = tpu.memref_slice %dma_start3A_170[%mul3A_2, %dma_start3A_171] : memref<10240x128xf32, #tpu.memory_space<hbm>> -> memref<640x128xf32, #tpu.memory_space<hbm>>
      %dma_start3A_173 = arith.constant 0 : i32
      %dma_start3A_174 = tpu.memref_slice %arg13[%mul3A_2, %dma_start3A_173] : memref<10240x128xf32, #tpu.memory_space<vmem_shared>> -> memref<640x128xf32, #tpu.memory_space<vmem_shared>>
      tpu.enqueue_dma source(%dma_start3A_174 : memref<640x128xf32, #tpu.memory_space<vmem_shared>>) target(%dma_start3A_172 : memref<640x128xf32, #tpu.memory_space<hbm>>) target_semaphore(%run_scoped3A : memref<!tpu.dma_semaphore, #tpu.memory_space<semaphore_mem>>)
      %dma_wait3A_175 = arith.constant 0 : i32
      %dma_wait3A_176 = arith.constant 0 : i32
      %dma_wait3A_177 = tpu.memref_slice %arg8[%arg0, %dma_wait3A_175, %dma_wait3A_176] : memref<2x10240x128xf32, #tpu.memory_space<hbm>> -> memref<1x10240x128xf32, #tpu.memory_space<hbm>>
      %dma_wait3A_178 = tpu.memref_squeeze %dma_wait3A_177 : memref<1x10240x128xf32, #tpu.memory_space<hbm>> -> memref<10240x128xf32, #tpu.memory_space<hbm>>
      %dma_wait3A_179 = arith.constant 0 : i32
      %dma_wait3A_180 = tpu.memref_slice %dma_wait3A_178[%mul3A_2, %dma_wait3A_179] : memref<10240x128xf32, #tpu.memory_space<hbm>> -> memref<640x128xf32, #tpu.memory_space<hbm>>
      %dma_wait3A_181 = arith.constant 0 : i32
      %dma_wait3A_182 = tpu.memref_slice %arg13[%mul3A_2, %dma_wait3A_181] : memref<10240x128xf32, #tpu.memory_space<vmem_shared>> -> memref<640x128xf32, #tpu.memory_space<vmem_shared>>
      tpu.wait_dma2 semaphore(%run_scoped3A : memref<!tpu.dma_semaphore, #tpu.memory_space<semaphore_mem>>) src(%dma_wait3A_182 : memref<640x128xf32, #tpu.memory_space<vmem_shared>>) dst(%dma_wait3A_180 : memref<640x128xf32, #tpu.memory_space<hbm>>)
      tpu.yield
    }) : () -> ()
    return
  }
}

#map = affine_map<(d0, d1) -> (0, 0)>
#map1 = affine_map<(d0, d1) -> (0, 0, 0)>
module attributes {stable_mosaic.version = 14 : i64} {
  func.func @_sc_agg(%arg0: i32, %arg1: i32, %arg2: memref<10000x128xf32, #tpu.memory_space<hbm>>, %arg3: memref<32x80x128xi32, #tpu.memory_space<hbm>>, %arg4: memref<32x80x128xi32, #tpu.memory_space<hbm>>, %arg5: memref<10240x128xf32, #tpu.memory_space<hbm>>, %arg6: memref<2x10240x128xf32, #tpu.memory_space<hbm>>, %arg7: memref<40x128xi32, #tpu.memory_space<vmem>>, %arg8: memref<40x128xi32, #tpu.memory_space<vmem>>, %arg9: memref<128x128xf32, #tpu.memory_space<vmem>>, %arg10: memref<128x128xf32, #tpu.memory_space<vmem>>, %arg11: memref<10240x128xf32, #tpu.memory_space<vmem_shared>>, %arg12: memref<!tpu.dma_semaphore, #tpu.memory_space<semaphore_mem>>, %arg13: memref<!tpu.dma_semaphore, #tpu.memory_space<semaphore_mem>>, %arg14: memref<!tpu.dma_semaphore, #tpu.memory_space<semaphore_mem>>, %arg15: memref<!tpu.dma_semaphore, #tpu.memory_space<semaphore_mem>>) attributes {dimension_semantics = [#tpu.dimension_semantics<core_parallel>, #tpu.dimension_semantics<subcore_parallel>], iteration_bounds = array<i64: 2, 16>, scalar_prefetch = 0 : i64, scratch_operands = 9 : i64, tpu.core_type = #tpu.core_type<sc_vector_subcore>, window_params = [{transform_indices = #map}, {transform_indices = #map1}, {transform_indices = #map1}, {transform_indices = #map}, {transform_indices = #map1}]} {
    %mul3A = arith.constant 16 : i32
    %mul3A_0 = arith.muli %arg0, %mul3A : i32
    %add3A = arith.addi %mul3A_0, %arg1 : i32
    %mul3A_1 = arith.constant 640 : i32
    %mul3A_2 = arith.muli %arg1, %mul3A_1 : i32
    "tpu.region"() ({
      %run_scoped3A = tpu.sem_alloc : memref<!tpu.dma_semaphore, #tpu.memory_space<semaphore_mem>>
      %dma_start3A_41 = arith.constant 0 : i32
      %dma_start3A_42 = tpu.memref_slice %arg11[%mul3A_2, %dma_start3A_41] : memref<10240x128xf32, #tpu.memory_space<vmem_shared>> -> memref<640x128xf32, #tpu.memory_space<vmem_shared>>
      %dma_start3A_43 = arith.constant 0 : i32
      %dma_start3A_44 = tpu.memref_slice %arg5[%mul3A_2, %dma_start3A_43] : memref<10240x128xf32, #tpu.memory_space<hbm>> -> memref<640x128xf32, #tpu.memory_space<hbm>>
      tpu.enqueue_dma source(%dma_start3A_44 : memref<640x128xf32, #tpu.memory_space<hbm>>) target(%dma_start3A_42 : memref<640x128xf32, #tpu.memory_space<vmem_shared>>) target_semaphore(%run_scoped3A : memref<!tpu.dma_semaphore, #tpu.memory_space<semaphore_mem>>)
      %dma_wait3A_45 = arith.constant 0 : i32
      %dma_wait3A_46 = tpu.memref_slice %arg11[%mul3A_2, %dma_wait3A_45] : memref<10240x128xf32, #tpu.memory_space<vmem_shared>> -> memref<640x128xf32, #tpu.memory_space<vmem_shared>>
      %dma_wait3A_47 = arith.constant 0 : i32
      %dma_wait3A_48 = tpu.memref_slice %arg5[%mul3A_2, %dma_wait3A_47] : memref<10240x128xf32, #tpu.memory_space<hbm>> -> memref<640x128xf32, #tpu.memory_space<hbm>>
      tpu.wait_dma2 semaphore(%run_scoped3A : memref<!tpu.dma_semaphore, #tpu.memory_space<semaphore_mem>>) src(%dma_wait3A_48 : memref<640x128xf32, #tpu.memory_space<hbm>>) dst(%dma_wait3A_46 : memref<640x128xf32, #tpu.memory_space<vmem_shared>>)
      tpu.yield
    }) : () -> ()
    %barrier3A = arith.constant 0 : index
    tpu.barrier barrier_id(%barrier3A)
    "tpu.region"() ({
      %run_scoped3A = tpu.sem_alloc : memref<!tpu.dma_semaphore, #tpu.memory_space<semaphore_mem>>
      %dma_start3A_41 = arith.constant 0 : i32
      %dma_start3A_42 = arith.constant 0 : i32
      %dma_start3A_43 = tpu.memref_slice %arg3[%add3A, %dma_start3A_41, %dma_start3A_42] : memref<32x80x128xi32, #tpu.memory_space<hbm>> -> memref<1x40x128xi32, #tpu.memory_space<hbm>>
      %dma_start3A_44 = tpu.memref_squeeze %dma_start3A_43 : memref<1x40x128xi32, #tpu.memory_space<hbm>> -> memref<40x128xi32, #tpu.memory_space<hbm>>
      %dma_start3A_45 = arith.constant 0 : i32
      %dma_start3A_46 = arith.constant 0 : i32
      %dma_start3A_47 = tpu.memref_slice %arg3[%add3A, %dma_start3A_45, %dma_start3A_46] : memref<32x80x128xi32, #tpu.memory_space<hbm>> -> memref<1x40x128xi32, #tpu.memory_space<hbm>>
      %dma_start3A_48 = tpu.memref_squeeze %dma_start3A_47 : memref<1x40x128xi32, #tpu.memory_space<hbm>> -> memref<40x128xi32, #tpu.memory_space<hbm>>
      tpu.enqueue_dma source(%dma_start3A_48 : memref<40x128xi32, #tpu.memory_space<hbm>>) target(%arg7 : memref<40x128xi32, #tpu.memory_space<vmem>>) target_semaphore(%run_scoped3A : memref<!tpu.dma_semaphore, #tpu.memory_space<semaphore_mem>>)
      %dma_wait3A_49 = arith.constant 0 : i32
      %dma_wait3A_50 = arith.constant 0 : i32
      %dma_wait3A_51 = tpu.memref_slice %arg3[%add3A, %dma_wait3A_49, %dma_wait3A_50] : memref<32x80x128xi32, #tpu.memory_space<hbm>> -> memref<1x40x128xi32, #tpu.memory_space<hbm>>
      %dma_wait3A_52 = tpu.memref_squeeze %dma_wait3A_51 : memref<1x40x128xi32, #tpu.memory_space<hbm>> -> memref<40x128xi32, #tpu.memory_space<hbm>>
      %dma_wait3A_53 = arith.constant 0 : i32
      %dma_wait3A_54 = arith.constant 0 : i32
      %dma_wait3A_55 = tpu.memref_slice %arg3[%add3A, %dma_wait3A_53, %dma_wait3A_54] : memref<32x80x128xi32, #tpu.memory_space<hbm>> -> memref<1x40x128xi32, #tpu.memory_space<hbm>>
      %dma_wait3A_56 = tpu.memref_squeeze %dma_wait3A_55 : memref<1x40x128xi32, #tpu.memory_space<hbm>> -> memref<40x128xi32, #tpu.memory_space<hbm>>
      tpu.wait_dma2 semaphore(%run_scoped3A : memref<!tpu.dma_semaphore, #tpu.memory_space<semaphore_mem>>) src(%dma_wait3A_56 : memref<40x128xi32, #tpu.memory_space<hbm>>) dst(%arg7 : memref<40x128xi32, #tpu.memory_space<vmem>>)
      tpu.yield
    }) : () -> ()
    "tpu.region"() ({
      %run_scoped3A = tpu.sem_alloc : memref<!tpu.dma_semaphore, #tpu.memory_space<semaphore_mem>>
      %dma_start3A_41 = arith.constant 0 : i32
      %dma_start3A_42 = arith.constant 0 : i32
      %dma_start3A_43 = tpu.memref_slice %arg4[%add3A, %dma_start3A_41, %dma_start3A_42] : memref<32x80x128xi32, #tpu.memory_space<hbm>> -> memref<1x40x128xi32, #tpu.memory_space<hbm>>
      %dma_start3A_44 = tpu.memref_squeeze %dma_start3A_43 : memref<1x40x128xi32, #tpu.memory_space<hbm>> -> memref<40x128xi32, #tpu.memory_space<hbm>>
      %dma_start3A_45 = arith.constant 0 : i32
      %dma_start3A_46 = arith.constant 0 : i32
      %dma_start3A_47 = tpu.memref_slice %arg4[%add3A, %dma_start3A_45, %dma_start3A_46] : memref<32x80x128xi32, #tpu.memory_space<hbm>> -> memref<1x40x128xi32, #tpu.memory_space<hbm>>
      %dma_start3A_48 = tpu.memref_squeeze %dma_start3A_47 : memref<1x40x128xi32, #tpu.memory_space<hbm>> -> memref<40x128xi32, #tpu.memory_space<hbm>>
      tpu.enqueue_dma source(%dma_start3A_48 : memref<40x128xi32, #tpu.memory_space<hbm>>) target(%arg8 : memref<40x128xi32, #tpu.memory_space<vmem>>) target_semaphore(%run_scoped3A : memref<!tpu.dma_semaphore, #tpu.memory_space<semaphore_mem>>)
      %dma_wait3A_49 = arith.constant 0 : i32
      %dma_wait3A_50 = arith.constant 0 : i32
      %dma_wait3A_51 = tpu.memref_slice %arg4[%add3A, %dma_wait3A_49, %dma_wait3A_50] : memref<32x80x128xi32, #tpu.memory_space<hbm>> -> memref<1x40x128xi32, #tpu.memory_space<hbm>>
      %dma_wait3A_52 = tpu.memref_squeeze %dma_wait3A_51 : memref<1x40x128xi32, #tpu.memory_space<hbm>> -> memref<40x128xi32, #tpu.memory_space<hbm>>
      %dma_wait3A_53 = arith.constant 0 : i32
      %dma_wait3A_54 = arith.constant 0 : i32
      %dma_wait3A_55 = tpu.memref_slice %arg4[%add3A, %dma_wait3A_53, %dma_wait3A_54] : memref<32x80x128xi32, #tpu.memory_space<hbm>> -> memref<1x40x128xi32, #tpu.memory_space<hbm>>
      %dma_wait3A_56 = tpu.memref_squeeze %dma_wait3A_55 : memref<1x40x128xi32, #tpu.memory_space<hbm>> -> memref<40x128xi32, #tpu.memory_space<hbm>>
      tpu.wait_dma2 semaphore(%run_scoped3A : memref<!tpu.dma_semaphore, #tpu.memory_space<semaphore_mem>>) src(%dma_wait3A_56 : memref<40x128xi32, #tpu.memory_space<hbm>>) dst(%arg8 : memref<40x128xi32, #tpu.memory_space<vmem>>)
      tpu.yield
    }) : () -> ()
    %dma_start3A = arith.constant 0 : i32
    %dma_start3A_3 = arith.constant 0 : i32
    %dma_start3A_4 = tpu.memref_slice %arg7[%dma_start3A, %dma_start3A_3] : memref<40x128xi32, #tpu.memory_space<vmem>> -> memref<1x128xi32, #tpu.memory_space<vmem>>
    %dma_start3A_5 = tpu.memref_squeeze %dma_start3A_4 : memref<1x128xi32, #tpu.memory_space<vmem>> -> memref<128xi32, #tpu.memory_space<vmem>>
    %dma_start3A_6 = arith.constant 0 : i32
    %dma_start3A_7 = arith.constant 0 : i32
    %dma_start3A_8 = tpu.memref_slice %arg2[%dma_start3A_6, %dma_start3A_7] : memref<10000x128xf32, #tpu.memory_space<hbm>> -> memref<10000x128xf32, #tpu.memory_space<hbm>>
    tpu.enqueue_indirect_dma source(%dma_start3A_8 : memref<10000x128xf32, #tpu.memory_space<hbm>>) target(%arg9 : memref<128x128xf32, #tpu.memory_space<vmem>>) offsets(%dma_start3A_5 : memref<128xi32, #tpu.memory_space<vmem>>) semaphore(%arg12 : memref<!tpu.dma_semaphore, #tpu.memory_space<semaphore_mem>>)
    %scan3A = arith.constant 0 : i32
    %scan3A_9 = arith.constant 0 : i32
    %scan3A_10 = arith.constant 20 : i32
    %scan3A_11 = arith.addi %scan3A_9, %scan3A_10 : i32
    %scan3A_12 = arith.constant 1 : i32
    scf.for %scan3A_41 = %scan3A_9 to %scan3A_11 step %scan3A_12  : i32 {
      %mul3A_42 = arith.constant 2 : i32
      %mul3A_43 = arith.muli %mul3A_42, %scan3A_41 : i32
      %add3A_44 = arith.constant 0 : i32
      %add3A_45 = arith.addi %mul3A_43, %add3A_44 : i32
      %dma_wait3A_46 = arith.constant 0 : i32
      %dma_wait3A_47 = arith.constant 0 : i32
      %dma_wait3A_48 = tpu.memref_slice %arg7[%dma_wait3A_46, %dma_wait3A_47] : memref<40x128xi32, #tpu.memory_space<vmem>> -> memref<1x128xi32, #tpu.memory_space<vmem>>
      %dma_wait3A_49 = tpu.memref_squeeze %dma_wait3A_48 : memref<1x128xi32, #tpu.memory_space<vmem>> -> memref<128xi32, #tpu.memory_space<vmem>>
      %dma_wait3A_50 = arith.constant 0 : i32
      %dma_wait3A_51 = arith.constant 0 : i32
      %dma_wait3A_52 = tpu.memref_slice %arg2[%dma_wait3A_50, %dma_wait3A_51] : memref<10000x128xf32, #tpu.memory_space<hbm>> -> memref<10000x128xf32, #tpu.memory_space<hbm>>
      tpu.wait_indirect_dma semaphore(%arg12 : memref<!tpu.dma_semaphore, #tpu.memory_space<semaphore_mem>>) src(%dma_wait3A_52 : memref<10000x128xf32, #tpu.memory_space<hbm>>) dst(%arg9 : memref<128x128xf32, #tpu.memory_space<vmem>>)
      %dma_start3A_53 = arith.constant 0 : i32
      %dma_start3A_54 = tpu.memref_slice %arg8[%add3A_45, %dma_start3A_53] : memref<40x128xi32, #tpu.memory_space<vmem>> -> memref<1x128xi32, #tpu.memory_space<vmem>>
      %dma_start3A_55 = tpu.memref_squeeze %dma_start3A_54 : memref<1x128xi32, #tpu.memory_space<vmem>> -> memref<128xi32, #tpu.memory_space<vmem>>
      %dma_start3A_56 = arith.constant 0 : i32
      %dma_start3A_57 = arith.constant 0 : i32
      %dma_start3A_58 = tpu.memref_slice %arg11[%dma_start3A_56, %dma_start3A_57] : memref<10240x128xf32, #tpu.memory_space<vmem_shared>> -> memref<10240x128xf32, #tpu.memory_space<vmem_shared>>
      tpu.enqueue_indirect_dma source(%arg9 : memref<128x128xf32, #tpu.memory_space<vmem>>) target(%dma_start3A_58 : memref<10240x128xf32, #tpu.memory_space<vmem_shared>>) offsets(%dma_start3A_55 : memref<128xi32, #tpu.memory_space<vmem>>) semaphore(%arg14 : memref<!tpu.dma_semaphore, #tpu.memory_space<semaphore_mem>>) {add = true}
      %ge3A = arith.constant 1 : i32
      %ge3A_59 = arith.cmpi sge, %add3A_45, %ge3A : i32
      %convert_element_type3A = arith.extui %ge3A_59 : i1 to i32
      %cond3A = arith.constant 0 : i32
      %cond3A_60 = arith.cmpi ne, %convert_element_type3A, %cond3A : i32
      scf.if %cond3A_60 {
        %dma_wait3A_96 = arith.constant 0 : i32
        %dma_wait3A_97 = arith.constant 0 : i32
        %dma_wait3A_98 = tpu.memref_slice %arg8[%dma_wait3A_96, %dma_wait3A_97] : memref<40x128xi32, #tpu.memory_space<vmem>> -> memref<1x128xi32, #tpu.memory_space<vmem>>
        %dma_wait3A_99 = tpu.memref_squeeze %dma_wait3A_98 : memref<1x128xi32, #tpu.memory_space<vmem>> -> memref<128xi32, #tpu.memory_space<vmem>>
        %dma_wait3A_100 = arith.constant 0 : i32
        %dma_wait3A_101 = arith.constant 0 : i32
        %dma_wait3A_102 = tpu.memref_slice %arg11[%dma_wait3A_100, %dma_wait3A_101] : memref<10240x128xf32, #tpu.memory_space<vmem_shared>> -> memref<10240x128xf32, #tpu.memory_space<vmem_shared>>
        tpu.wait_indirect_dma semaphore(%arg15 : memref<!tpu.dma_semaphore, #tpu.memory_space<semaphore_mem>>) src(%arg10 : memref<128x128xf32, #tpu.memory_space<vmem>>) dst(%dma_wait3A_102 : memref<10240x128xf32, #tpu.memory_space<vmem_shared>>)
      } else {
      }
      %add3A_61 = arith.constant 1 : i32
      %add3A_62 = arith.addi %add3A_45, %add3A_61 : i32
      %lt3A = arith.constant 40 : i32
      %lt3A_63 = arith.cmpi slt, %add3A_62, %lt3A : i32
      %convert_element_type3A_64 = arith.extui %lt3A_63 : i1 to i32
      %cond3A_65 = arith.constant 0 : i32
      %cond3A_66 = arith.cmpi ne, %convert_element_type3A_64, %cond3A_65 : i32
      scf.if %cond3A_66 {
        %add3A_96 = arith.constant 1 : i32
        %add3A_97 = arith.addi %add3A_45, %add3A_96 : i32
        %dma_start3A_98 = arith.constant 0 : i32
        %dma_start3A_99 = tpu.memref_slice %arg7[%add3A_97, %dma_start3A_98] : memref<40x128xi32, #tpu.memory_space<vmem>> -> memref<1x128xi32, #tpu.memory_space<vmem>>
        %dma_start3A_100 = tpu.memref_squeeze %dma_start3A_99 : memref<1x128xi32, #tpu.memory_space<vmem>> -> memref<128xi32, #tpu.memory_space<vmem>>
        %dma_start3A_101 = arith.constant 0 : i32
        %dma_start3A_102 = arith.constant 0 : i32
        %dma_start3A_103 = tpu.memref_slice %arg2[%dma_start3A_101, %dma_start3A_102] : memref<10000x128xf32, #tpu.memory_space<hbm>> -> memref<10000x128xf32, #tpu.memory_space<hbm>>
        tpu.enqueue_indirect_dma source(%dma_start3A_103 : memref<10000x128xf32, #tpu.memory_space<hbm>>) target(%arg10 : memref<128x128xf32, #tpu.memory_space<vmem>>) offsets(%dma_start3A_100 : memref<128xi32, #tpu.memory_space<vmem>>) semaphore(%arg13 : memref<!tpu.dma_semaphore, #tpu.memory_space<semaphore_mem>>)
      } else {
      }
      %mul3A_67 = arith.constant 2 : i32
      %mul3A_68 = arith.muli %mul3A_67, %scan3A_41 : i32
      %add3A_69 = arith.constant 1 : i32
      %add3A_70 = arith.addi %mul3A_68, %add3A_69 : i32
      %dma_wait3A_71 = arith.constant 0 : i32
      %dma_wait3A_72 = arith.constant 0 : i32
      %dma_wait3A_73 = tpu.memref_slice %arg7[%dma_wait3A_71, %dma_wait3A_72] : memref<40x128xi32, #tpu.memory_space<vmem>> -> memref<1x128xi32, #tpu.memory_space<vmem>>
      %dma_wait3A_74 = tpu.memref_squeeze %dma_wait3A_73 : memref<1x128xi32, #tpu.memory_space<vmem>> -> memref<128xi32, #tpu.memory_space<vmem>>
      %dma_wait3A_75 = arith.constant 0 : i32
      %dma_wait3A_76 = arith.constant 0 : i32
      %dma_wait3A_77 = tpu.memref_slice %arg2[%dma_wait3A_75, %dma_wait3A_76] : memref<10000x128xf32, #tpu.memory_space<hbm>> -> memref<10000x128xf32, #tpu.memory_space<hbm>>
      tpu.wait_indirect_dma semaphore(%arg13 : memref<!tpu.dma_semaphore, #tpu.memory_space<semaphore_mem>>) src(%dma_wait3A_77 : memref<10000x128xf32, #tpu.memory_space<hbm>>) dst(%arg10 : memref<128x128xf32, #tpu.memory_space<vmem>>)
      %dma_start3A_78 = arith.constant 0 : i32
      %dma_start3A_79 = tpu.memref_slice %arg8[%add3A_70, %dma_start3A_78] : memref<40x128xi32, #tpu.memory_space<vmem>> -> memref<1x128xi32, #tpu.memory_space<vmem>>
      %dma_start3A_80 = tpu.memref_squeeze %dma_start3A_79 : memref<1x128xi32, #tpu.memory_space<vmem>> -> memref<128xi32, #tpu.memory_space<vmem>>
      %dma_start3A_81 = arith.constant 0 : i32
      %dma_start3A_82 = arith.constant 0 : i32
      %dma_start3A_83 = tpu.memref_slice %arg11[%dma_start3A_81, %dma_start3A_82] : memref<10240x128xf32, #tpu.memory_space<vmem_shared>> -> memref<10240x128xf32, #tpu.memory_space<vmem_shared>>
      tpu.enqueue_indirect_dma source(%arg10 : memref<128x128xf32, #tpu.memory_space<vmem>>) target(%dma_start3A_83 : memref<10240x128xf32, #tpu.memory_space<vmem_shared>>) offsets(%dma_start3A_80 : memref<128xi32, #tpu.memory_space<vmem>>) semaphore(%arg15 : memref<!tpu.dma_semaphore, #tpu.memory_space<semaphore_mem>>) {add = true}
      %ge3A_84 = arith.constant 1 : i32
      %ge3A_85 = arith.cmpi sge, %add3A_70, %ge3A_84 : i32
      %convert_element_type3A_86 = arith.extui %ge3A_85 : i1 to i32
      %cond3A_87 = arith.constant 0 : i32
      %cond3A_88 = arith.cmpi ne, %convert_element_type3A_86, %cond3A_87 : i32
      scf.if %cond3A_88 {
        %dma_wait3A_96 = arith.constant 0 : i32
        %dma_wait3A_97 = arith.constant 0 : i32
        %dma_wait3A_98 = tpu.memref_slice %arg8[%dma_wait3A_96, %dma_wait3A_97] : memref<40x128xi32, #tpu.memory_space<vmem>> -> memref<1x128xi32, #tpu.memory_space<vmem>>
        %dma_wait3A_99 = tpu.memref_squeeze %dma_wait3A_98 : memref<1x128xi32, #tpu.memory_space<vmem>> -> memref<128xi32, #tpu.memory_space<vmem>>
        %dma_wait3A_100 = arith.constant 0 : i32
        %dma_wait3A_101 = arith.constant 0 : i32
        %dma_wait3A_102 = tpu.memref_slice %arg11[%dma_wait3A_100, %dma_wait3A_101] : memref<10240x128xf32, #tpu.memory_space<vmem_shared>> -> memref<10240x128xf32, #tpu.memory_space<vmem_shared>>
        tpu.wait_indirect_dma semaphore(%arg14 : memref<!tpu.dma_semaphore, #tpu.memory_space<semaphore_mem>>) src(%arg9 : memref<128x128xf32, #tpu.memory_space<vmem>>) dst(%dma_wait3A_102 : memref<10240x128xf32, #tpu.memory_space<vmem_shared>>)
      } else {
      }
      %add3A_89 = arith.constant 1 : i32
      %add3A_90 = arith.addi %add3A_70, %add3A_89 : i32
      %lt3A_91 = arith.constant 40 : i32
      %lt3A_92 = arith.cmpi slt, %add3A_90, %lt3A_91 : i32
      %convert_element_type3A_93 = arith.extui %lt3A_92 : i1 to i32
      %cond3A_94 = arith.constant 0 : i32
      %cond3A_95 = arith.cmpi ne, %convert_element_type3A_93, %cond3A_94 : i32
      scf.if %cond3A_95 {
        %add3A_96 = arith.constant 1 : i32
        %add3A_97 = arith.addi %add3A_70, %add3A_96 : i32
        %dma_start3A_98 = arith.constant 0 : i32
        %dma_start3A_99 = tpu.memref_slice %arg7[%add3A_97, %dma_start3A_98] : memref<40x128xi32, #tpu.memory_space<vmem>> -> memref<1x128xi32, #tpu.memory_space<vmem>>
        %dma_start3A_100 = tpu.memref_squeeze %dma_start3A_99 : memref<1x128xi32, #tpu.memory_space<vmem>> -> memref<128xi32, #tpu.memory_space<vmem>>
        %dma_start3A_101 = arith.constant 0 : i32
        %dma_start3A_102 = arith.constant 0 : i32
        %dma_start3A_103 = tpu.memref_slice %arg2[%dma_start3A_101, %dma_start3A_102] : memref<10000x128xf32, #tpu.memory_space<hbm>> -> memref<10000x128xf32, #tpu.memory_space<hbm>>
        tpu.enqueue_indirect_dma source(%dma_start3A_103 : memref<10000x128xf32, #tpu.memory_space<hbm>>) target(%arg9 : memref<128x128xf32, #tpu.memory_space<vmem>>) offsets(%dma_start3A_100 : memref<128xi32, #tpu.memory_space<vmem>>) semaphore(%arg12 : memref<!tpu.dma_semaphore, #tpu.memory_space<semaphore_mem>>)
      } else {
      }
    }
    %scan3A_13 = arith.constant 20 : i32
    %dma_wait3A = arith.constant 0 : i32
    %dma_wait3A_14 = arith.constant 0 : i32
    %dma_wait3A_15 = tpu.memref_slice %arg8[%dma_wait3A, %dma_wait3A_14] : memref<40x128xi32, #tpu.memory_space<vmem>> -> memref<1x128xi32, #tpu.memory_space<vmem>>
    %dma_wait3A_16 = tpu.memref_squeeze %dma_wait3A_15 : memref<1x128xi32, #tpu.memory_space<vmem>> -> memref<128xi32, #tpu.memory_space<vmem>>
    %dma_wait3A_17 = arith.constant 0 : i32
    %dma_wait3A_18 = arith.constant 0 : i32
    %dma_wait3A_19 = tpu.memref_slice %arg11[%dma_wait3A_17, %dma_wait3A_18] : memref<10240x128xf32, #tpu.memory_space<vmem_shared>> -> memref<10240x128xf32, #tpu.memory_space<vmem_shared>>
    tpu.wait_indirect_dma semaphore(%arg15 : memref<!tpu.dma_semaphore, #tpu.memory_space<semaphore_mem>>) src(%arg10 : memref<128x128xf32, #tpu.memory_space<vmem>>) dst(%dma_wait3A_19 : memref<10240x128xf32, #tpu.memory_space<vmem_shared>>)
    "tpu.region"() ({
      %run_scoped3A = tpu.sem_alloc : memref<!tpu.dma_semaphore, #tpu.memory_space<semaphore_mem>>
      %dma_start3A_41 = arith.constant 40 : i32
      %dma_start3A_42 = arith.constant 0 : i32
      %dma_start3A_43 = tpu.memref_slice %arg3[%add3A, %dma_start3A_41, %dma_start3A_42] : memref<32x80x128xi32, #tpu.memory_space<hbm>> -> memref<1x40x128xi32, #tpu.memory_space<hbm>>
      %dma_start3A_44 = tpu.memref_squeeze %dma_start3A_43 : memref<1x40x128xi32, #tpu.memory_space<hbm>> -> memref<40x128xi32, #tpu.memory_space<hbm>>
      %dma_start3A_45 = arith.constant 40 : i32
      %dma_start3A_46 = arith.constant 0 : i32
      %dma_start3A_47 = tpu.memref_slice %arg3[%add3A, %dma_start3A_45, %dma_start3A_46] : memref<32x80x128xi32, #tpu.memory_space<hbm>> -> memref<1x40x128xi32, #tpu.memory_space<hbm>>
      %dma_start3A_48 = tpu.memref_squeeze %dma_start3A_47 : memref<1x40x128xi32, #tpu.memory_space<hbm>> -> memref<40x128xi32, #tpu.memory_space<hbm>>
      tpu.enqueue_dma source(%dma_start3A_48 : memref<40x128xi32, #tpu.memory_space<hbm>>) target(%arg7 : memref<40x128xi32, #tpu.memory_space<vmem>>) target_semaphore(%run_scoped3A : memref<!tpu.dma_semaphore, #tpu.memory_space<semaphore_mem>>)
      %dma_wait3A_49 = arith.constant 40 : i32
      %dma_wait3A_50 = arith.constant 0 : i32
      %dma_wait3A_51 = tpu.memref_slice %arg3[%add3A, %dma_wait3A_49, %dma_wait3A_50] : memref<32x80x128xi32, #tpu.memory_space<hbm>> -> memref<1x40x128xi32, #tpu.memory_space<hbm>>
      %dma_wait3A_52 = tpu.memref_squeeze %dma_wait3A_51 : memref<1x40x128xi32, #tpu.memory_space<hbm>> -> memref<40x128xi32, #tpu.memory_space<hbm>>
      %dma_wait3A_53 = arith.constant 40 : i32
      %dma_wait3A_54 = arith.constant 0 : i32
      %dma_wait3A_55 = tpu.memref_slice %arg3[%add3A, %dma_wait3A_53, %dma_wait3A_54] : memref<32x80x128xi32, #tpu.memory_space<hbm>> -> memref<1x40x128xi32, #tpu.memory_space<hbm>>
      %dma_wait3A_56 = tpu.memref_squeeze %dma_wait3A_55 : memref<1x40x128xi32, #tpu.memory_space<hbm>> -> memref<40x128xi32, #tpu.memory_space<hbm>>
      tpu.wait_dma2 semaphore(%run_scoped3A : memref<!tpu.dma_semaphore, #tpu.memory_space<semaphore_mem>>) src(%dma_wait3A_56 : memref<40x128xi32, #tpu.memory_space<hbm>>) dst(%arg7 : memref<40x128xi32, #tpu.memory_space<vmem>>)
      tpu.yield
    }) : () -> ()
    "tpu.region"() ({
      %run_scoped3A = tpu.sem_alloc : memref<!tpu.dma_semaphore, #tpu.memory_space<semaphore_mem>>
      %dma_start3A_41 = arith.constant 40 : i32
      %dma_start3A_42 = arith.constant 0 : i32
      %dma_start3A_43 = tpu.memref_slice %arg4[%add3A, %dma_start3A_41, %dma_start3A_42] : memref<32x80x128xi32, #tpu.memory_space<hbm>> -> memref<1x40x128xi32, #tpu.memory_space<hbm>>
      %dma_start3A_44 = tpu.memref_squeeze %dma_start3A_43 : memref<1x40x128xi32, #tpu.memory_space<hbm>> -> memref<40x128xi32, #tpu.memory_space<hbm>>
      %dma_start3A_45 = arith.constant 40 : i32
      %dma_start3A_46 = arith.constant 0 : i32
      %dma_start3A_47 = tpu.memref_slice %arg4[%add3A, %dma_start3A_45, %dma_start3A_46] : memref<32x80x128xi32, #tpu.memory_space<hbm>> -> memref<1x40x128xi32, #tpu.memory_space<hbm>>
      %dma_start3A_48 = tpu.memref_squeeze %dma_start3A_47 : memref<1x40x128xi32, #tpu.memory_space<hbm>> -> memref<40x128xi32, #tpu.memory_space<hbm>>
      tpu.enqueue_dma source(%dma_start3A_48 : memref<40x128xi32, #tpu.memory_space<hbm>>) target(%arg8 : memref<40x128xi32, #tpu.memory_space<vmem>>) target_semaphore(%run_scoped3A : memref<!tpu.dma_semaphore, #tpu.memory_space<semaphore_mem>>)
      %dma_wait3A_49 = arith.constant 40 : i32
      %dma_wait3A_50 = arith.constant 0 : i32
      %dma_wait3A_51 = tpu.memref_slice %arg4[%add3A, %dma_wait3A_49, %dma_wait3A_50] : memref<32x80x128xi32, #tpu.memory_space<hbm>> -> memref<1x40x128xi32, #tpu.memory_space<hbm>>
      %dma_wait3A_52 = tpu.memref_squeeze %dma_wait3A_51 : memref<1x40x128xi32, #tpu.memory_space<hbm>> -> memref<40x128xi32, #tpu.memory_space<hbm>>
      %dma_wait3A_53 = arith.constant 40 : i32
      %dma_wait3A_54 = arith.constant 0 : i32
      %dma_wait3A_55 = tpu.memref_slice %arg4[%add3A, %dma_wait3A_53, %dma_wait3A_54] : memref<32x80x128xi32, #tpu.memory_space<hbm>> -> memref<1x40x128xi32, #tpu.memory_space<hbm>>
      %dma_wait3A_56 = tpu.memref_squeeze %dma_wait3A_55 : memref<1x40x128xi32, #tpu.memory_space<hbm>> -> memref<40x128xi32, #tpu.memory_space<hbm>>
      tpu.wait_dma2 semaphore(%run_scoped3A : memref<!tpu.dma_semaphore, #tpu.memory_space<semaphore_mem>>) src(%dma_wait3A_56 : memref<40x128xi32, #tpu.memory_space<hbm>>) dst(%arg8 : memref<40x128xi32, #tpu.memory_space<vmem>>)
      tpu.yield
    }) : () -> ()
    %dma_start3A_20 = arith.constant 0 : i32
    %dma_start3A_21 = arith.constant 0 : i32
    %dma_start3A_22 = tpu.memref_slice %arg7[%dma_start3A_20, %dma_start3A_21] : memref<40x128xi32, #tpu.memory_space<vmem>> -> memref<1x128xi32, #tpu.memory_space<vmem>>
    %dma_start3A_23 = tpu.memref_squeeze %dma_start3A_22 : memref<1x128xi32, #tpu.memory_space<vmem>> -> memref<128xi32, #tpu.memory_space<vmem>>
    %dma_start3A_24 = arith.constant 0 : i32
    %dma_start3A_25 = arith.constant 0 : i32
    %dma_start3A_26 = tpu.memref_slice %arg2[%dma_start3A_24, %dma_start3A_25] : memref<10000x128xf32, #tpu.memory_space<hbm>> -> memref<10000x128xf32, #tpu.memory_space<hbm>>
    tpu.enqueue_indirect_dma source(%dma_start3A_26 : memref<10000x128xf32, #tpu.memory_space<hbm>>) target(%arg9 : memref<128x128xf32, #tpu.memory_space<vmem>>) offsets(%dma_start3A_23 : memref<128xi32, #tpu.memory_space<vmem>>) semaphore(%arg12 : memref<!tpu.dma_semaphore, #tpu.memory_space<semaphore_mem>>)
    %scan3A_27 = arith.constant 0 : i32
    %scan3A_28 = arith.constant 0 : i32
    %scan3A_29 = arith.constant 20 : i32
    %scan3A_30 = arith.addi %scan3A_28, %scan3A_29 : i32
    %scan3A_31 = arith.constant 1 : i32
    scf.for %scan3A_41 = %scan3A_28 to %scan3A_30 step %scan3A_31  : i32 {
      %mul3A_42 = arith.constant 2 : i32
      %mul3A_43 = arith.muli %mul3A_42, %scan3A_41 : i32
      %add3A_44 = arith.constant 0 : i32
      %add3A_45 = arith.addi %mul3A_43, %add3A_44 : i32
      %dma_wait3A_46 = arith.constant 0 : i32
      %dma_wait3A_47 = arith.constant 0 : i32
      %dma_wait3A_48 = tpu.memref_slice %arg7[%dma_wait3A_46, %dma_wait3A_47] : memref<40x128xi32, #tpu.memory_space<vmem>> -> memref<1x128xi32, #tpu.memory_space<vmem>>
      %dma_wait3A_49 = tpu.memref_squeeze %dma_wait3A_48 : memref<1x128xi32, #tpu.memory_space<vmem>> -> memref<128xi32, #tpu.memory_space<vmem>>
      %dma_wait3A_50 = arith.constant 0 : i32
      %dma_wait3A_51 = arith.constant 0 : i32
      %dma_wait3A_52 = tpu.memref_slice %arg2[%dma_wait3A_50, %dma_wait3A_51] : memref<10000x128xf32, #tpu.memory_space<hbm>> -> memref<10000x128xf32, #tpu.memory_space<hbm>>
      tpu.wait_indirect_dma semaphore(%arg12 : memref<!tpu.dma_semaphore, #tpu.memory_space<semaphore_mem>>) src(%dma_wait3A_52 : memref<10000x128xf32, #tpu.memory_space<hbm>>) dst(%arg9 : memref<128x128xf32, #tpu.memory_space<vmem>>)
      %dma_start3A_53 = arith.constant 0 : i32
      %dma_start3A_54 = tpu.memref_slice %arg8[%add3A_45, %dma_start3A_53] : memref<40x128xi32, #tpu.memory_space<vmem>> -> memref<1x128xi32, #tpu.memory_space<vmem>>
      %dma_start3A_55 = tpu.memref_squeeze %dma_start3A_54 : memref<1x128xi32, #tpu.memory_space<vmem>> -> memref<128xi32, #tpu.memory_space<vmem>>
      %dma_start3A_56 = arith.constant 0 : i32
      %dma_start3A_57 = arith.constant 0 : i32
      %dma_start3A_58 = tpu.memref_slice %arg11[%dma_start3A_56, %dma_start3A_57] : memref<10240x128xf32, #tpu.memory_space<vmem_shared>> -> memref<10240x128xf32, #tpu.memory_space<vmem_shared>>
      tpu.enqueue_indirect_dma source(%arg9 : memref<128x128xf32, #tpu.memory_space<vmem>>) target(%dma_start3A_58 : memref<10240x128xf32, #tpu.memory_space<vmem_shared>>) offsets(%dma_start3A_55 : memref<128xi32, #tpu.memory_space<vmem>>) semaphore(%arg14 : memref<!tpu.dma_semaphore, #tpu.memory_space<semaphore_mem>>) {add = true}
      %ge3A = arith.constant 1 : i32
      %ge3A_59 = arith.cmpi sge, %add3A_45, %ge3A : i32
      %convert_element_type3A = arith.extui %ge3A_59 : i1 to i32
      %cond3A = arith.constant 0 : i32
      %cond3A_60 = arith.cmpi ne, %convert_element_type3A, %cond3A : i32
      scf.if %cond3A_60 {
        %dma_wait3A_96 = arith.constant 0 : i32
        %dma_wait3A_97 = arith.constant 0 : i32
        %dma_wait3A_98 = tpu.memref_slice %arg8[%dma_wait3A_96, %dma_wait3A_97] : memref<40x128xi32, #tpu.memory_space<vmem>> -> memref<1x128xi32, #tpu.memory_space<vmem>>
        %dma_wait3A_99 = tpu.memref_squeeze %dma_wait3A_98 : memref<1x128xi32, #tpu.memory_space<vmem>> -> memref<128xi32, #tpu.memory_space<vmem>>
        %dma_wait3A_100 = arith.constant 0 : i32
        %dma_wait3A_101 = arith.constant 0 : i32
        %dma_wait3A_102 = tpu.memref_slice %arg11[%dma_wait3A_100, %dma_wait3A_101] : memref<10240x128xf32, #tpu.memory_space<vmem_shared>> -> memref<10240x128xf32, #tpu.memory_space<vmem_shared>>
        tpu.wait_indirect_dma semaphore(%arg15 : memref<!tpu.dma_semaphore, #tpu.memory_space<semaphore_mem>>) src(%arg10 : memref<128x128xf32, #tpu.memory_space<vmem>>) dst(%dma_wait3A_102 : memref<10240x128xf32, #tpu.memory_space<vmem_shared>>)
      } else {
      }
      %add3A_61 = arith.constant 1 : i32
      %add3A_62 = arith.addi %add3A_45, %add3A_61 : i32
      %lt3A = arith.constant 40 : i32
      %lt3A_63 = arith.cmpi slt, %add3A_62, %lt3A : i32
      %convert_element_type3A_64 = arith.extui %lt3A_63 : i1 to i32
      %cond3A_65 = arith.constant 0 : i32
      %cond3A_66 = arith.cmpi ne, %convert_element_type3A_64, %cond3A_65 : i32
      scf.if %cond3A_66 {
        %add3A_96 = arith.constant 1 : i32
        %add3A_97 = arith.addi %add3A_45, %add3A_96 : i32
        %dma_start3A_98 = arith.constant 0 : i32
        %dma_start3A_99 = tpu.memref_slice %arg7[%add3A_97, %dma_start3A_98] : memref<40x128xi32, #tpu.memory_space<vmem>> -> memref<1x128xi32, #tpu.memory_space<vmem>>
        %dma_start3A_100 = tpu.memref_squeeze %dma_start3A_99 : memref<1x128xi32, #tpu.memory_space<vmem>> -> memref<128xi32, #tpu.memory_space<vmem>>
        %dma_start3A_101 = arith.constant 0 : i32
        %dma_start3A_102 = arith.constant 0 : i32
        %dma_start3A_103 = tpu.memref_slice %arg2[%dma_start3A_101, %dma_start3A_102] : memref<10000x128xf32, #tpu.memory_space<hbm>> -> memref<10000x128xf32, #tpu.memory_space<hbm>>
        tpu.enqueue_indirect_dma source(%dma_start3A_103 : memref<10000x128xf32, #tpu.memory_space<hbm>>) target(%arg10 : memref<128x128xf32, #tpu.memory_space<vmem>>) offsets(%dma_start3A_100 : memref<128xi32, #tpu.memory_space<vmem>>) semaphore(%arg13 : memref<!tpu.dma_semaphore, #tpu.memory_space<semaphore_mem>>)
      } else {
      }
      %mul3A_67 = arith.constant 2 : i32
      %mul3A_68 = arith.muli %mul3A_67, %scan3A_41 : i32
      %add3A_69 = arith.constant 1 : i32
      %add3A_70 = arith.addi %mul3A_68, %add3A_69 : i32
      %dma_wait3A_71 = arith.constant 0 : i32
      %dma_wait3A_72 = arith.constant 0 : i32
      %dma_wait3A_73 = tpu.memref_slice %arg7[%dma_wait3A_71, %dma_wait3A_72] : memref<40x128xi32, #tpu.memory_space<vmem>> -> memref<1x128xi32, #tpu.memory_space<vmem>>
      %dma_wait3A_74 = tpu.memref_squeeze %dma_wait3A_73 : memref<1x128xi32, #tpu.memory_space<vmem>> -> memref<128xi32, #tpu.memory_space<vmem>>
      %dma_wait3A_75 = arith.constant 0 : i32
      %dma_wait3A_76 = arith.constant 0 : i32
      %dma_wait3A_77 = tpu.memref_slice %arg2[%dma_wait3A_75, %dma_wait3A_76] : memref<10000x128xf32, #tpu.memory_space<hbm>> -> memref<10000x128xf32, #tpu.memory_space<hbm>>
      tpu.wait_indirect_dma semaphore(%arg13 : memref<!tpu.dma_semaphore, #tpu.memory_space<semaphore_mem>>) src(%dma_wait3A_77 : memref<10000x128xf32, #tpu.memory_space<hbm>>) dst(%arg10 : memref<128x128xf32, #tpu.memory_space<vmem>>)
      %dma_start3A_78 = arith.constant 0 : i32
      %dma_start3A_79 = tpu.memref_slice %arg8[%add3A_70, %dma_start3A_78] : memref<40x128xi32, #tpu.memory_space<vmem>> -> memref<1x128xi32, #tpu.memory_space<vmem>>
      %dma_start3A_80 = tpu.memref_squeeze %dma_start3A_79 : memref<1x128xi32, #tpu.memory_space<vmem>> -> memref<128xi32, #tpu.memory_space<vmem>>
      %dma_start3A_81 = arith.constant 0 : i32
      %dma_start3A_82 = arith.constant 0 : i32
      %dma_start3A_83 = tpu.memref_slice %arg11[%dma_start3A_81, %dma_start3A_82] : memref<10240x128xf32, #tpu.memory_space<vmem_shared>> -> memref<10240x128xf32, #tpu.memory_space<vmem_shared>>
      tpu.enqueue_indirect_dma source(%arg10 : memref<128x128xf32, #tpu.memory_space<vmem>>) target(%dma_start3A_83 : memref<10240x128xf32, #tpu.memory_space<vmem_shared>>) offsets(%dma_start3A_80 : memref<128xi32, #tpu.memory_space<vmem>>) semaphore(%arg15 : memref<!tpu.dma_semaphore, #tpu.memory_space<semaphore_mem>>) {add = true}
      %ge3A_84 = arith.constant 1 : i32
      %ge3A_85 = arith.cmpi sge, %add3A_70, %ge3A_84 : i32
      %convert_element_type3A_86 = arith.extui %ge3A_85 : i1 to i32
      %cond3A_87 = arith.constant 0 : i32
      %cond3A_88 = arith.cmpi ne, %convert_element_type3A_86, %cond3A_87 : i32
      scf.if %cond3A_88 {
        %dma_wait3A_96 = arith.constant 0 : i32
        %dma_wait3A_97 = arith.constant 0 : i32
        %dma_wait3A_98 = tpu.memref_slice %arg8[%dma_wait3A_96, %dma_wait3A_97] : memref<40x128xi32, #tpu.memory_space<vmem>> -> memref<1x128xi32, #tpu.memory_space<vmem>>
        %dma_wait3A_99 = tpu.memref_squeeze %dma_wait3A_98 : memref<1x128xi32, #tpu.memory_space<vmem>> -> memref<128xi32, #tpu.memory_space<vmem>>
        %dma_wait3A_100 = arith.constant 0 : i32
        %dma_wait3A_101 = arith.constant 0 : i32
        %dma_wait3A_102 = tpu.memref_slice %arg11[%dma_wait3A_100, %dma_wait3A_101] : memref<10240x128xf32, #tpu.memory_space<vmem_shared>> -> memref<10240x128xf32, #tpu.memory_space<vmem_shared>>
        tpu.wait_indirect_dma semaphore(%arg14 : memref<!tpu.dma_semaphore, #tpu.memory_space<semaphore_mem>>) src(%arg9 : memref<128x128xf32, #tpu.memory_space<vmem>>) dst(%dma_wait3A_102 : memref<10240x128xf32, #tpu.memory_space<vmem_shared>>)
      } else {
      }
      %add3A_89 = arith.constant 1 : i32
      %add3A_90 = arith.addi %add3A_70, %add3A_89 : i32
      %lt3A_91 = arith.constant 40 : i32
      %lt3A_92 = arith.cmpi slt, %add3A_90, %lt3A_91 : i32
      %convert_element_type3A_93 = arith.extui %lt3A_92 : i1 to i32
      %cond3A_94 = arith.constant 0 : i32
      %cond3A_95 = arith.cmpi ne, %convert_element_type3A_93, %cond3A_94 : i32
      scf.if %cond3A_95 {
        %add3A_96 = arith.constant 1 : i32
        %add3A_97 = arith.addi %add3A_70, %add3A_96 : i32
        %dma_start3A_98 = arith.constant 0 : i32
        %dma_start3A_99 = tpu.memref_slice %arg7[%add3A_97, %dma_start3A_98] : memref<40x128xi32, #tpu.memory_space<vmem>> -> memref<1x128xi32, #tpu.memory_space<vmem>>
        %dma_start3A_100 = tpu.memref_squeeze %dma_start3A_99 : memref<1x128xi32, #tpu.memory_space<vmem>> -> memref<128xi32, #tpu.memory_space<vmem>>
        %dma_start3A_101 = arith.constant 0 : i32
        %dma_start3A_102 = arith.constant 0 : i32
        %dma_start3A_103 = tpu.memref_slice %arg2[%dma_start3A_101, %dma_start3A_102] : memref<10000x128xf32, #tpu.memory_space<hbm>> -> memref<10000x128xf32, #tpu.memory_space<hbm>>
        tpu.enqueue_indirect_dma source(%dma_start3A_103 : memref<10000x128xf32, #tpu.memory_space<hbm>>) target(%arg9 : memref<128x128xf32, #tpu.memory_space<vmem>>) offsets(%dma_start3A_100 : memref<128xi32, #tpu.memory_space<vmem>>) semaphore(%arg12 : memref<!tpu.dma_semaphore, #tpu.memory_space<semaphore_mem>>)
      } else {
      }
    }
    %scan3A_32 = arith.constant 20 : i32
    %dma_wait3A_33 = arith.constant 0 : i32
    %dma_wait3A_34 = arith.constant 0 : i32
    %dma_wait3A_35 = tpu.memref_slice %arg8[%dma_wait3A_33, %dma_wait3A_34] : memref<40x128xi32, #tpu.memory_space<vmem>> -> memref<1x128xi32, #tpu.memory_space<vmem>>
    %dma_wait3A_36 = tpu.memref_squeeze %dma_wait3A_35 : memref<1x128xi32, #tpu.memory_space<vmem>> -> memref<128xi32, #tpu.memory_space<vmem>>
    %dma_wait3A_37 = arith.constant 0 : i32
    %dma_wait3A_38 = arith.constant 0 : i32
    %dma_wait3A_39 = tpu.memref_slice %arg11[%dma_wait3A_37, %dma_wait3A_38] : memref<10240x128xf32, #tpu.memory_space<vmem_shared>> -> memref<10240x128xf32, #tpu.memory_space<vmem_shared>>
    tpu.wait_indirect_dma semaphore(%arg15 : memref<!tpu.dma_semaphore, #tpu.memory_space<semaphore_mem>>) src(%arg10 : memref<128x128xf32, #tpu.memory_space<vmem>>) dst(%dma_wait3A_39 : memref<10240x128xf32, #tpu.memory_space<vmem_shared>>)
    %barrier3A_40 = arith.constant 0 : index
    tpu.barrier barrier_id(%barrier3A_40)
    "tpu.region"() ({
      %run_scoped3A = tpu.sem_alloc : memref<!tpu.dma_semaphore, #tpu.memory_space<semaphore_mem>>
      %dma_start3A_41 = arith.constant 0 : i32
      %dma_start3A_42 = arith.constant 0 : i32
      %dma_start3A_43 = tpu.memref_slice %arg6[%arg0, %dma_start3A_41, %dma_start3A_42] : memref<2x10240x128xf32, #tpu.memory_space<hbm>> -> memref<1x10240x128xf32, #tpu.memory_space<hbm>>
      %dma_start3A_44 = tpu.memref_squeeze %dma_start3A_43 : memref<1x10240x128xf32, #tpu.memory_space<hbm>> -> memref<10240x128xf32, #tpu.memory_space<hbm>>
      %dma_start3A_45 = arith.constant 0 : i32
      %dma_start3A_46 = tpu.memref_slice %dma_start3A_44[%mul3A_2, %dma_start3A_45] : memref<10240x128xf32, #tpu.memory_space<hbm>> -> memref<640x128xf32, #tpu.memory_space<hbm>>
      %dma_start3A_47 = arith.constant 0 : i32
      %dma_start3A_48 = tpu.memref_slice %arg11[%mul3A_2, %dma_start3A_47] : memref<10240x128xf32, #tpu.memory_space<vmem_shared>> -> memref<640x128xf32, #tpu.memory_space<vmem_shared>>
      tpu.enqueue_dma source(%dma_start3A_48 : memref<640x128xf32, #tpu.memory_space<vmem_shared>>) target(%dma_start3A_46 : memref<640x128xf32, #tpu.memory_space<hbm>>) target_semaphore(%run_scoped3A : memref<!tpu.dma_semaphore, #tpu.memory_space<semaphore_mem>>)
      %dma_wait3A_49 = arith.constant 0 : i32
      %dma_wait3A_50 = arith.constant 0 : i32
      %dma_wait3A_51 = tpu.memref_slice %arg6[%arg0, %dma_wait3A_49, %dma_wait3A_50] : memref<2x10240x128xf32, #tpu.memory_space<hbm>> -> memref<1x10240x128xf32, #tpu.memory_space<hbm>>
      %dma_wait3A_52 = tpu.memref_squeeze %dma_wait3A_51 : memref<1x10240x128xf32, #tpu.memory_space<hbm>> -> memref<10240x128xf32, #tpu.memory_space<hbm>>
      %dma_wait3A_53 = arith.constant 0 : i32
      %dma_wait3A_54 = tpu.memref_slice %dma_wait3A_52[%mul3A_2, %dma_wait3A_53] : memref<10240x128xf32, #tpu.memory_space<hbm>> -> memref<640x128xf32, #tpu.memory_space<hbm>>
      %dma_wait3A_55 = arith.constant 0 : i32
      %dma_wait3A_56 = tpu.memref_slice %arg11[%mul3A_2, %dma_wait3A_55] : memref<10240x128xf32, #tpu.memory_space<vmem_shared>> -> memref<640x128xf32, #tpu.memory_space<vmem_shared>>
      tpu.wait_dma2 semaphore(%run_scoped3A : memref<!tpu.dma_semaphore, #tpu.memory_space<semaphore_mem>>) src(%dma_wait3A_56 : memref<640x128xf32, #tpu.memory_space<vmem_shared>>) dst(%dma_wait3A_54 : memref<640x128xf32, #tpu.memory_space<hbm>>)
      tpu.yield
    }) : () -> ()
    return
  }
}

#map = affine_map<(d0, d1) -> (0, 0)>
#map1 = affine_map<(d0, d1) -> (0, 0, 0)>
module attributes {stable_mosaic.version = 14 : i64} {
  func.func @_sc_agg(%arg0: i32, %arg1: i32, %arg2: memref<10000x128xf32, #tpu.memory_space<hbm>>, %arg3: memref<32x80x128xi32, #tpu.memory_space<hbm>>, %arg4: memref<32x80x128xi32, #tpu.memory_space<hbm>>, %arg5: memref<10240x128xf32, #tpu.memory_space<hbm>>, %arg6: memref<2x10240x128xf32, #tpu.memory_space<hbm>>, %arg7: memref<40x128xi32, #tpu.memory_space<vmem>>, %arg8: memref<40x128xi32, #tpu.memory_space<vmem>>, %arg9: memref<128x128xf32, #tpu.memory_space<vmem>>, %arg10: memref<128x128xf32, #tpu.memory_space<vmem>>, %arg11: memref<10240x128xf32, #tpu.memory_space<vmem_shared>>, %arg12: memref<!tpu.dma_semaphore, #tpu.memory_space<semaphore_mem>>, %arg13: memref<!tpu.dma_semaphore, #tpu.memory_space<semaphore_mem>>, %arg14: memref<!tpu.dma_semaphore, #tpu.memory_space<semaphore_mem>>, %arg15: memref<!tpu.dma_semaphore, #tpu.memory_space<semaphore_mem>>) attributes {dimension_semantics = [#tpu.dimension_semantics<core_parallel>, #tpu.dimension_semantics<subcore_parallel>], iteration_bounds = array<i64: 2, 16>, scalar_prefetch = 0 : i64, scratch_operands = 9 : i64, tpu.core_type = #tpu.core_type<sc_vector_subcore>, window_params = [{transform_indices = #map}, {transform_indices = #map1}, {transform_indices = #map1}, {transform_indices = #map}, {transform_indices = #map1}]} {
    %mul3A = arith.constant 16 : i32
    %mul3A_0 = arith.muli %arg0, %mul3A : i32
    %add3A = arith.addi %mul3A_0, %arg1 : i32
    %mul3A_1 = arith.constant 640 : i32
    %mul3A_2 = arith.muli %arg1, %mul3A_1 : i32
    "tpu.region"() ({
      %run_scoped3A = tpu.sem_alloc : memref<!tpu.dma_semaphore, #tpu.memory_space<semaphore_mem>>
      %dma_start3A_41 = arith.constant 0 : i32
      %dma_start3A_42 = tpu.memref_slice %arg11[%mul3A_2, %dma_start3A_41] : memref<10240x128xf32, #tpu.memory_space<vmem_shared>> -> memref<640x128xf32, #tpu.memory_space<vmem_shared>>
      %dma_start3A_43 = arith.constant 0 : i32
      %dma_start3A_44 = tpu.memref_slice %arg5[%mul3A_2, %dma_start3A_43] : memref<10240x128xf32, #tpu.memory_space<hbm>> -> memref<640x128xf32, #tpu.memory_space<hbm>>
      tpu.enqueue_dma source(%dma_start3A_44 : memref<640x128xf32, #tpu.memory_space<hbm>>) target(%dma_start3A_42 : memref<640x128xf32, #tpu.memory_space<vmem_shared>>) target_semaphore(%run_scoped3A : memref<!tpu.dma_semaphore, #tpu.memory_space<semaphore_mem>>)
      %dma_wait3A_45 = arith.constant 0 : i32
      %dma_wait3A_46 = tpu.memref_slice %arg11[%mul3A_2, %dma_wait3A_45] : memref<10240x128xf32, #tpu.memory_space<vmem_shared>> -> memref<640x128xf32, #tpu.memory_space<vmem_shared>>
      %dma_wait3A_47 = arith.constant 0 : i32
      %dma_wait3A_48 = tpu.memref_slice %arg5[%mul3A_2, %dma_wait3A_47] : memref<10240x128xf32, #tpu.memory_space<hbm>> -> memref<640x128xf32, #tpu.memory_space<hbm>>
      tpu.wait_dma2 semaphore(%run_scoped3A : memref<!tpu.dma_semaphore, #tpu.memory_space<semaphore_mem>>) src(%dma_wait3A_48 : memref<640x128xf32, #tpu.memory_space<hbm>>) dst(%dma_wait3A_46 : memref<640x128xf32, #tpu.memory_space<vmem_shared>>)
      tpu.yield
    }) : () -> ()
    %barrier3A = arith.constant 0 : index
    tpu.barrier barrier_id(%barrier3A)
    "tpu.region"() ({
      %run_scoped3A = tpu.sem_alloc : memref<!tpu.dma_semaphore, #tpu.memory_space<semaphore_mem>>
      %dma_start3A_41 = arith.constant 0 : i32
      %dma_start3A_42 = arith.constant 0 : i32
      %dma_start3A_43 = tpu.memref_slice %arg3[%add3A, %dma_start3A_41, %dma_start3A_42] : memref<32x80x128xi32, #tpu.memory_space<hbm>> -> memref<1x40x128xi32, #tpu.memory_space<hbm>>
      %dma_start3A_44 = tpu.memref_squeeze %dma_start3A_43 : memref<1x40x128xi32, #tpu.memory_space<hbm>> -> memref<40x128xi32, #tpu.memory_space<hbm>>
      %dma_start3A_45 = arith.constant 0 : i32
      %dma_start3A_46 = arith.constant 0 : i32
      %dma_start3A_47 = tpu.memref_slice %arg3[%add3A, %dma_start3A_45, %dma_start3A_46] : memref<32x80x128xi32, #tpu.memory_space<hbm>> -> memref<1x40x128xi32, #tpu.memory_space<hbm>>
      %dma_start3A_48 = tpu.memref_squeeze %dma_start3A_47 : memref<1x40x128xi32, #tpu.memory_space<hbm>> -> memref<40x128xi32, #tpu.memory_space<hbm>>
      tpu.enqueue_dma source(%dma_start3A_48 : memref<40x128xi32, #tpu.memory_space<hbm>>) target(%arg7 : memref<40x128xi32, #tpu.memory_space<vmem>>) target_semaphore(%run_scoped3A : memref<!tpu.dma_semaphore, #tpu.memory_space<semaphore_mem>>)
      %dma_wait3A_49 = arith.constant 0 : i32
      %dma_wait3A_50 = arith.constant 0 : i32
      %dma_wait3A_51 = tpu.memref_slice %arg3[%add3A, %dma_wait3A_49, %dma_wait3A_50] : memref<32x80x128xi32, #tpu.memory_space<hbm>> -> memref<1x40x128xi32, #tpu.memory_space<hbm>>
      %dma_wait3A_52 = tpu.memref_squeeze %dma_wait3A_51 : memref<1x40x128xi32, #tpu.memory_space<hbm>> -> memref<40x128xi32, #tpu.memory_space<hbm>>
      %dma_wait3A_53 = arith.constant 0 : i32
      %dma_wait3A_54 = arith.constant 0 : i32
      %dma_wait3A_55 = tpu.memref_slice %arg3[%add3A, %dma_wait3A_53, %dma_wait3A_54] : memref<32x80x128xi32, #tpu.memory_space<hbm>> -> memref<1x40x128xi32, #tpu.memory_space<hbm>>
      %dma_wait3A_56 = tpu.memref_squeeze %dma_wait3A_55 : memref<1x40x128xi32, #tpu.memory_space<hbm>> -> memref<40x128xi32, #tpu.memory_space<hbm>>
      tpu.wait_dma2 semaphore(%run_scoped3A : memref<!tpu.dma_semaphore, #tpu.memory_space<semaphore_mem>>) src(%dma_wait3A_56 : memref<40x128xi32, #tpu.memory_space<hbm>>) dst(%arg7 : memref<40x128xi32, #tpu.memory_space<vmem>>)
      tpu.yield
    }) : () -> ()
    "tpu.region"() ({
      %run_scoped3A = tpu.sem_alloc : memref<!tpu.dma_semaphore, #tpu.memory_space<semaphore_mem>>
      %dma_start3A_41 = arith.constant 0 : i32
      %dma_start3A_42 = arith.constant 0 : i32
      %dma_start3A_43 = tpu.memref_slice %arg4[%add3A, %dma_start3A_41, %dma_start3A_42] : memref<32x80x128xi32, #tpu.memory_space<hbm>> -> memref<1x40x128xi32, #tpu.memory_space<hbm>>
      %dma_start3A_44 = tpu.memref_squeeze %dma_start3A_43 : memref<1x40x128xi32, #tpu.memory_space<hbm>> -> memref<40x128xi32, #tpu.memory_space<hbm>>
      %dma_start3A_45 = arith.constant 0 : i32
      %dma_start3A_46 = arith.constant 0 : i32
      %dma_start3A_47 = tpu.memref_slice %arg4[%add3A, %dma_start3A_45, %dma_start3A_46] : memref<32x80x128xi32, #tpu.memory_space<hbm>> -> memref<1x40x128xi32, #tpu.memory_space<hbm>>
      %dma_start3A_48 = tpu.memref_squeeze %dma_start3A_47 : memref<1x40x128xi32, #tpu.memory_space<hbm>> -> memref<40x128xi32, #tpu.memory_space<hbm>>
      tpu.enqueue_dma source(%dma_start3A_48 : memref<40x128xi32, #tpu.memory_space<hbm>>) target(%arg8 : memref<40x128xi32, #tpu.memory_space<vmem>>) target_semaphore(%run_scoped3A : memref<!tpu.dma_semaphore, #tpu.memory_space<semaphore_mem>>)
      %dma_wait3A_49 = arith.constant 0 : i32
      %dma_wait3A_50 = arith.constant 0 : i32
      %dma_wait3A_51 = tpu.memref_slice %arg4[%add3A, %dma_wait3A_49, %dma_wait3A_50] : memref<32x80x128xi32, #tpu.memory_space<hbm>> -> memref<1x40x128xi32, #tpu.memory_space<hbm>>
      %dma_wait3A_52 = tpu.memref_squeeze %dma_wait3A_51 : memref<1x40x128xi32, #tpu.memory_space<hbm>> -> memref<40x128xi32, #tpu.memory_space<hbm>>
      %dma_wait3A_53 = arith.constant 0 : i32
      %dma_wait3A_54 = arith.constant 0 : i32
      %dma_wait3A_55 = tpu.memref_slice %arg4[%add3A, %dma_wait3A_53, %dma_wait3A_54] : memref<32x80x128xi32, #tpu.memory_space<hbm>> -> memref<1x40x128xi32, #tpu.memory_space<hbm>>
      %dma_wait3A_56 = tpu.memref_squeeze %dma_wait3A_55 : memref<1x40x128xi32, #tpu.memory_space<hbm>> -> memref<40x128xi32, #tpu.memory_space<hbm>>
      tpu.wait_dma2 semaphore(%run_scoped3A : memref<!tpu.dma_semaphore, #tpu.memory_space<semaphore_mem>>) src(%dma_wait3A_56 : memref<40x128xi32, #tpu.memory_space<hbm>>) dst(%arg8 : memref<40x128xi32, #tpu.memory_space<vmem>>)
      tpu.yield
    }) : () -> ()
    %dma_start3A = arith.constant 0 : i32
    %dma_start3A_3 = arith.constant 0 : i32
    %dma_start3A_4 = tpu.memref_slice %arg7[%dma_start3A, %dma_start3A_3] : memref<40x128xi32, #tpu.memory_space<vmem>> -> memref<1x128xi32, #tpu.memory_space<vmem>>
    %dma_start3A_5 = tpu.memref_squeeze %dma_start3A_4 : memref<1x128xi32, #tpu.memory_space<vmem>> -> memref<128xi32, #tpu.memory_space<vmem>>
    %dma_start3A_6 = arith.constant 0 : i32
    %dma_start3A_7 = arith.constant 0 : i32
    %dma_start3A_8 = tpu.memref_slice %arg2[%dma_start3A_6, %dma_start3A_7] : memref<10000x128xf32, #tpu.memory_space<hbm>> -> memref<10000x128xf32, #tpu.memory_space<hbm>>
    tpu.enqueue_indirect_dma source(%dma_start3A_8 : memref<10000x128xf32, #tpu.memory_space<hbm>>) target(%arg9 : memref<128x128xf32, #tpu.memory_space<vmem>>) offsets(%dma_start3A_5 : memref<128xi32, #tpu.memory_space<vmem>>) semaphore(%arg12 : memref<!tpu.dma_semaphore, #tpu.memory_space<semaphore_mem>>)
    %scan3A = arith.constant 0 : i32
    %scan3A_9 = arith.constant 0 : i32
    %scan3A_10 = arith.constant 20 : i32
    %scan3A_11 = arith.addi %scan3A_9, %scan3A_10 : i32
    %scan3A_12 = arith.constant 1 : i32
    scf.for %scan3A_41 = %scan3A_9 to %scan3A_11 step %scan3A_12  : i32 {
      %mul3A_42 = arith.constant 2 : i32
      %mul3A_43 = arith.muli %mul3A_42, %scan3A_41 : i32
      %add3A_44 = arith.constant 0 : i32
      %add3A_45 = arith.addi %mul3A_43, %add3A_44 : i32
      %dma_wait3A_46 = arith.constant 0 : i32
      %dma_wait3A_47 = arith.constant 0 : i32
      %dma_wait3A_48 = tpu.memref_slice %arg7[%dma_wait3A_46, %dma_wait3A_47] : memref<40x128xi32, #tpu.memory_space<vmem>> -> memref<1x128xi32, #tpu.memory_space<vmem>>
      %dma_wait3A_49 = tpu.memref_squeeze %dma_wait3A_48 : memref<1x128xi32, #tpu.memory_space<vmem>> -> memref<128xi32, #tpu.memory_space<vmem>>
      %dma_wait3A_50 = arith.constant 0 : i32
      %dma_wait3A_51 = arith.constant 0 : i32
      %dma_wait3A_52 = tpu.memref_slice %arg2[%dma_wait3A_50, %dma_wait3A_51] : memref<10000x128xf32, #tpu.memory_space<hbm>> -> memref<10000x128xf32, #tpu.memory_space<hbm>>
      tpu.wait_indirect_dma semaphore(%arg12 : memref<!tpu.dma_semaphore, #tpu.memory_space<semaphore_mem>>) src(%dma_wait3A_52 : memref<10000x128xf32, #tpu.memory_space<hbm>>) dst(%arg9 : memref<128x128xf32, #tpu.memory_space<vmem>>)
      %dma_start3A_53 = arith.constant 0 : i32
      %dma_start3A_54 = tpu.memref_slice %arg8[%add3A_45, %dma_start3A_53] : memref<40x128xi32, #tpu.memory_space<vmem>> -> memref<1x128xi32, #tpu.memory_space<vmem>>
      %dma_start3A_55 = tpu.memref_squeeze %dma_start3A_54 : memref<1x128xi32, #tpu.memory_space<vmem>> -> memref<128xi32, #tpu.memory_space<vmem>>
      %dma_start3A_56 = arith.constant 0 : i32
      %dma_start3A_57 = arith.constant 0 : i32
      %dma_start3A_58 = tpu.memref_slice %arg11[%dma_start3A_56, %dma_start3A_57] : memref<10240x128xf32, #tpu.memory_space<vmem_shared>> -> memref<10240x128xf32, #tpu.memory_space<vmem_shared>>
      tpu.enqueue_indirect_dma source(%arg9 : memref<128x128xf32, #tpu.memory_space<vmem>>) target(%dma_start3A_58 : memref<10240x128xf32, #tpu.memory_space<vmem_shared>>) offsets(%dma_start3A_55 : memref<128xi32, #tpu.memory_space<vmem>>) semaphore(%arg14 : memref<!tpu.dma_semaphore, #tpu.memory_space<semaphore_mem>>) {add = true}
      %ge3A = arith.constant 1 : i32
      %ge3A_59 = arith.cmpi sge, %add3A_45, %ge3A : i32
      %convert_element_type3A = arith.extui %ge3A_59 : i1 to i32
      %cond3A = arith.constant 0 : i32
      %cond3A_60 = arith.cmpi ne, %convert_element_type3A, %cond3A : i32
      scf.if %cond3A_60 {
        %dma_wait3A_96 = arith.constant 0 : i32
        %dma_wait3A_97 = arith.constant 0 : i32
        %dma_wait3A_98 = tpu.memref_slice %arg8[%dma_wait3A_96, %dma_wait3A_97] : memref<40x128xi32, #tpu.memory_space<vmem>> -> memref<1x128xi32, #tpu.memory_space<vmem>>
        %dma_wait3A_99 = tpu.memref_squeeze %dma_wait3A_98 : memref<1x128xi32, #tpu.memory_space<vmem>> -> memref<128xi32, #tpu.memory_space<vmem>>
        %dma_wait3A_100 = arith.constant 0 : i32
        %dma_wait3A_101 = arith.constant 0 : i32
        %dma_wait3A_102 = tpu.memref_slice %arg11[%dma_wait3A_100, %dma_wait3A_101] : memref<10240x128xf32, #tpu.memory_space<vmem_shared>> -> memref<10240x128xf32, #tpu.memory_space<vmem_shared>>
        tpu.wait_indirect_dma semaphore(%arg15 : memref<!tpu.dma_semaphore, #tpu.memory_space<semaphore_mem>>) src(%arg10 : memref<128x128xf32, #tpu.memory_space<vmem>>) dst(%dma_wait3A_102 : memref<10240x128xf32, #tpu.memory_space<vmem_shared>>)
      } else {
      }
      %add3A_61 = arith.constant 1 : i32
      %add3A_62 = arith.addi %add3A_45, %add3A_61 : i32
      %lt3A = arith.constant 40 : i32
      %lt3A_63 = arith.cmpi slt, %add3A_62, %lt3A : i32
      %convert_element_type3A_64 = arith.extui %lt3A_63 : i1 to i32
      %cond3A_65 = arith.constant 0 : i32
      %cond3A_66 = arith.cmpi ne, %convert_element_type3A_64, %cond3A_65 : i32
      scf.if %cond3A_66 {
        %add3A_96 = arith.constant 1 : i32
        %add3A_97 = arith.addi %add3A_45, %add3A_96 : i32
        %dma_start3A_98 = arith.constant 0 : i32
        %dma_start3A_99 = tpu.memref_slice %arg7[%add3A_97, %dma_start3A_98] : memref<40x128xi32, #tpu.memory_space<vmem>> -> memref<1x128xi32, #tpu.memory_space<vmem>>
        %dma_start3A_100 = tpu.memref_squeeze %dma_start3A_99 : memref<1x128xi32, #tpu.memory_space<vmem>> -> memref<128xi32, #tpu.memory_space<vmem>>
        %dma_start3A_101 = arith.constant 0 : i32
        %dma_start3A_102 = arith.constant 0 : i32
        %dma_start3A_103 = tpu.memref_slice %arg2[%dma_start3A_101, %dma_start3A_102] : memref<10000x128xf32, #tpu.memory_space<hbm>> -> memref<10000x128xf32, #tpu.memory_space<hbm>>
        tpu.enqueue_indirect_dma source(%dma_start3A_103 : memref<10000x128xf32, #tpu.memory_space<hbm>>) target(%arg10 : memref<128x128xf32, #tpu.memory_space<vmem>>) offsets(%dma_start3A_100 : memref<128xi32, #tpu.memory_space<vmem>>) semaphore(%arg13 : memref<!tpu.dma_semaphore, #tpu.memory_space<semaphore_mem>>)
      } else {
      }
      %mul3A_67 = arith.constant 2 : i32
      %mul3A_68 = arith.muli %mul3A_67, %scan3A_41 : i32
      %add3A_69 = arith.constant 1 : i32
      %add3A_70 = arith.addi %mul3A_68, %add3A_69 : i32
      %dma_wait3A_71 = arith.constant 0 : i32
      %dma_wait3A_72 = arith.constant 0 : i32
      %dma_wait3A_73 = tpu.memref_slice %arg7[%dma_wait3A_71, %dma_wait3A_72] : memref<40x128xi32, #tpu.memory_space<vmem>> -> memref<1x128xi32, #tpu.memory_space<vmem>>
      %dma_wait3A_74 = tpu.memref_squeeze %dma_wait3A_73 : memref<1x128xi32, #tpu.memory_space<vmem>> -> memref<128xi32, #tpu.memory_space<vmem>>
      %dma_wait3A_75 = arith.constant 0 : i32
      %dma_wait3A_76 = arith.constant 0 : i32
      %dma_wait3A_77 = tpu.memref_slice %arg2[%dma_wait3A_75, %dma_wait3A_76] : memref<10000x128xf32, #tpu.memory_space<hbm>> -> memref<10000x128xf32, #tpu.memory_space<hbm>>
      tpu.wait_indirect_dma semaphore(%arg13 : memref<!tpu.dma_semaphore, #tpu.memory_space<semaphore_mem>>) src(%dma_wait3A_77 : memref<10000x128xf32, #tpu.memory_space<hbm>>) dst(%arg10 : memref<128x128xf32, #tpu.memory_space<vmem>>)
      %dma_start3A_78 = arith.constant 0 : i32
      %dma_start3A_79 = tpu.memref_slice %arg8[%add3A_70, %dma_start3A_78] : memref<40x128xi32, #tpu.memory_space<vmem>> -> memref<1x128xi32, #tpu.memory_space<vmem>>
      %dma_start3A_80 = tpu.memref_squeeze %dma_start3A_79 : memref<1x128xi32, #tpu.memory_space<vmem>> -> memref<128xi32, #tpu.memory_space<vmem>>
      %dma_start3A_81 = arith.constant 0 : i32
      %dma_start3A_82 = arith.constant 0 : i32
      %dma_start3A_83 = tpu.memref_slice %arg11[%dma_start3A_81, %dma_start3A_82] : memref<10240x128xf32, #tpu.memory_space<vmem_shared>> -> memref<10240x128xf32, #tpu.memory_space<vmem_shared>>
      tpu.enqueue_indirect_dma source(%arg10 : memref<128x128xf32, #tpu.memory_space<vmem>>) target(%dma_start3A_83 : memref<10240x128xf32, #tpu.memory_space<vmem_shared>>) offsets(%dma_start3A_80 : memref<128xi32, #tpu.memory_space<vmem>>) semaphore(%arg15 : memref<!tpu.dma_semaphore, #tpu.memory_space<semaphore_mem>>) {add = true}
      %ge3A_84 = arith.constant 1 : i32
      %ge3A_85 = arith.cmpi sge, %add3A_70, %ge3A_84 : i32
      %convert_element_type3A_86 = arith.extui %ge3A_85 : i1 to i32
      %cond3A_87 = arith.constant 0 : i32
      %cond3A_88 = arith.cmpi ne, %convert_element_type3A_86, %cond3A_87 : i32
      scf.if %cond3A_88 {
        %dma_wait3A_96 = arith.constant 0 : i32
        %dma_wait3A_97 = arith.constant 0 : i32
        %dma_wait3A_98 = tpu.memref_slice %arg8[%dma_wait3A_96, %dma_wait3A_97] : memref<40x128xi32, #tpu.memory_space<vmem>> -> memref<1x128xi32, #tpu.memory_space<vmem>>
        %dma_wait3A_99 = tpu.memref_squeeze %dma_wait3A_98 : memref<1x128xi32, #tpu.memory_space<vmem>> -> memref<128xi32, #tpu.memory_space<vmem>>
        %dma_wait3A_100 = arith.constant 0 : i32
        %dma_wait3A_101 = arith.constant 0 : i32
        %dma_wait3A_102 = tpu.memref_slice %arg11[%dma_wait3A_100, %dma_wait3A_101] : memref<10240x128xf32, #tpu.memory_space<vmem_shared>> -> memref<10240x128xf32, #tpu.memory_space<vmem_shared>>
        tpu.wait_indirect_dma semaphore(%arg14 : memref<!tpu.dma_semaphore, #tpu.memory_space<semaphore_mem>>) src(%arg9 : memref<128x128xf32, #tpu.memory_space<vmem>>) dst(%dma_wait3A_102 : memref<10240x128xf32, #tpu.memory_space<vmem_shared>>)
      } else {
      }
      %add3A_89 = arith.constant 1 : i32
      %add3A_90 = arith.addi %add3A_70, %add3A_89 : i32
      %lt3A_91 = arith.constant 40 : i32
      %lt3A_92 = arith.cmpi slt, %add3A_90, %lt3A_91 : i32
      %convert_element_type3A_93 = arith.extui %lt3A_92 : i1 to i32
      %cond3A_94 = arith.constant 0 : i32
      %cond3A_95 = arith.cmpi ne, %convert_element_type3A_93, %cond3A_94 : i32
      scf.if %cond3A_95 {
        %add3A_96 = arith.constant 1 : i32
        %add3A_97 = arith.addi %add3A_70, %add3A_96 : i32
        %dma_start3A_98 = arith.constant 0 : i32
        %dma_start3A_99 = tpu.memref_slice %arg7[%add3A_97, %dma_start3A_98] : memref<40x128xi32, #tpu.memory_space<vmem>> -> memref<1x128xi32, #tpu.memory_space<vmem>>
        %dma_start3A_100 = tpu.memref_squeeze %dma_start3A_99 : memref<1x128xi32, #tpu.memory_space<vmem>> -> memref<128xi32, #tpu.memory_space<vmem>>
        %dma_start3A_101 = arith.constant 0 : i32
        %dma_start3A_102 = arith.constant 0 : i32
        %dma_start3A_103 = tpu.memref_slice %arg2[%dma_start3A_101, %dma_start3A_102] : memref<10000x128xf32, #tpu.memory_space<hbm>> -> memref<10000x128xf32, #tpu.memory_space<hbm>>
        tpu.enqueue_indirect_dma source(%dma_start3A_103 : memref<10000x128xf32, #tpu.memory_space<hbm>>) target(%arg9 : memref<128x128xf32, #tpu.memory_space<vmem>>) offsets(%dma_start3A_100 : memref<128xi32, #tpu.memory_space<vmem>>) semaphore(%arg12 : memref<!tpu.dma_semaphore, #tpu.memory_space<semaphore_mem>>)
      } else {
      }
    }
    %scan3A_13 = arith.constant 20 : i32
    %dma_wait3A = arith.constant 0 : i32
    %dma_wait3A_14 = arith.constant 0 : i32
    %dma_wait3A_15 = tpu.memref_slice %arg8[%dma_wait3A, %dma_wait3A_14] : memref<40x128xi32, #tpu.memory_space<vmem>> -> memref<1x128xi32, #tpu.memory_space<vmem>>
    %dma_wait3A_16 = tpu.memref_squeeze %dma_wait3A_15 : memref<1x128xi32, #tpu.memory_space<vmem>> -> memref<128xi32, #tpu.memory_space<vmem>>
    %dma_wait3A_17 = arith.constant 0 : i32
    %dma_wait3A_18 = arith.constant 0 : i32
    %dma_wait3A_19 = tpu.memref_slice %arg11[%dma_wait3A_17, %dma_wait3A_18] : memref<10240x128xf32, #tpu.memory_space<vmem_shared>> -> memref<10240x128xf32, #tpu.memory_space<vmem_shared>>
    tpu.wait_indirect_dma semaphore(%arg15 : memref<!tpu.dma_semaphore, #tpu.memory_space<semaphore_mem>>) src(%arg10 : memref<128x128xf32, #tpu.memory_space<vmem>>) dst(%dma_wait3A_19 : memref<10240x128xf32, #tpu.memory_space<vmem_shared>>)
    "tpu.region"() ({
      %run_scoped3A = tpu.sem_alloc : memref<!tpu.dma_semaphore, #tpu.memory_space<semaphore_mem>>
      %dma_start3A_41 = arith.constant 40 : i32
      %dma_start3A_42 = arith.constant 0 : i32
      %dma_start3A_43 = tpu.memref_slice %arg3[%add3A, %dma_start3A_41, %dma_start3A_42] : memref<32x80x128xi32, #tpu.memory_space<hbm>> -> memref<1x40x128xi32, #tpu.memory_space<hbm>>
      %dma_start3A_44 = tpu.memref_squeeze %dma_start3A_43 : memref<1x40x128xi32, #tpu.memory_space<hbm>> -> memref<40x128xi32, #tpu.memory_space<hbm>>
      %dma_start3A_45 = arith.constant 40 : i32
      %dma_start3A_46 = arith.constant 0 : i32
      %dma_start3A_47 = tpu.memref_slice %arg3[%add3A, %dma_start3A_45, %dma_start3A_46] : memref<32x80x128xi32, #tpu.memory_space<hbm>> -> memref<1x40x128xi32, #tpu.memory_space<hbm>>
      %dma_start3A_48 = tpu.memref_squeeze %dma_start3A_47 : memref<1x40x128xi32, #tpu.memory_space<hbm>> -> memref<40x128xi32, #tpu.memory_space<hbm>>
      tpu.enqueue_dma source(%dma_start3A_48 : memref<40x128xi32, #tpu.memory_space<hbm>>) target(%arg7 : memref<40x128xi32, #tpu.memory_space<vmem>>) target_semaphore(%run_scoped3A : memref<!tpu.dma_semaphore, #tpu.memory_space<semaphore_mem>>)
      %dma_wait3A_49 = arith.constant 40 : i32
      %dma_wait3A_50 = arith.constant 0 : i32
      %dma_wait3A_51 = tpu.memref_slice %arg3[%add3A, %dma_wait3A_49, %dma_wait3A_50] : memref<32x80x128xi32, #tpu.memory_space<hbm>> -> memref<1x40x128xi32, #tpu.memory_space<hbm>>
      %dma_wait3A_52 = tpu.memref_squeeze %dma_wait3A_51 : memref<1x40x128xi32, #tpu.memory_space<hbm>> -> memref<40x128xi32, #tpu.memory_space<hbm>>
      %dma_wait3A_53 = arith.constant 40 : i32
      %dma_wait3A_54 = arith.constant 0 : i32
      %dma_wait3A_55 = tpu.memref_slice %arg3[%add3A, %dma_wait3A_53, %dma_wait3A_54] : memref<32x80x128xi32, #tpu.memory_space<hbm>> -> memref<1x40x128xi32, #tpu.memory_space<hbm>>
      %dma_wait3A_56 = tpu.memref_squeeze %dma_wait3A_55 : memref<1x40x128xi32, #tpu.memory_space<hbm>> -> memref<40x128xi32, #tpu.memory_space<hbm>>
      tpu.wait_dma2 semaphore(%run_scoped3A : memref<!tpu.dma_semaphore, #tpu.memory_space<semaphore_mem>>) src(%dma_wait3A_56 : memref<40x128xi32, #tpu.memory_space<hbm>>) dst(%arg7 : memref<40x128xi32, #tpu.memory_space<vmem>>)
      tpu.yield
    }) : () -> ()
    "tpu.region"() ({
      %run_scoped3A = tpu.sem_alloc : memref<!tpu.dma_semaphore, #tpu.memory_space<semaphore_mem>>
      %dma_start3A_41 = arith.constant 40 : i32
      %dma_start3A_42 = arith.constant 0 : i32
      %dma_start3A_43 = tpu.memref_slice %arg4[%add3A, %dma_start3A_41, %dma_start3A_42] : memref<32x80x128xi32, #tpu.memory_space<hbm>> -> memref<1x40x128xi32, #tpu.memory_space<hbm>>
      %dma_start3A_44 = tpu.memref_squeeze %dma_start3A_43 : memref<1x40x128xi32, #tpu.memory_space<hbm>> -> memref<40x128xi32, #tpu.memory_space<hbm>>
      %dma_start3A_45 = arith.constant 40 : i32
      %dma_start3A_46 = arith.constant 0 : i32
      %dma_start3A_47 = tpu.memref_slice %arg4[%add3A, %dma_start3A_45, %dma_start3A_46] : memref<32x80x128xi32, #tpu.memory_space<hbm>> -> memref<1x40x128xi32, #tpu.memory_space<hbm>>
      %dma_start3A_48 = tpu.memref_squeeze %dma_start3A_47 : memref<1x40x128xi32, #tpu.memory_space<hbm>> -> memref<40x128xi32, #tpu.memory_space<hbm>>
      tpu.enqueue_dma source(%dma_start3A_48 : memref<40x128xi32, #tpu.memory_space<hbm>>) target(%arg8 : memref<40x128xi32, #tpu.memory_space<vmem>>) target_semaphore(%run_scoped3A : memref<!tpu.dma_semaphore, #tpu.memory_space<semaphore_mem>>)
      %dma_wait3A_49 = arith.constant 40 : i32
      %dma_wait3A_50 = arith.constant 0 : i32
      %dma_wait3A_51 = tpu.memref_slice %arg4[%add3A, %dma_wait3A_49, %dma_wait3A_50] : memref<32x80x128xi32, #tpu.memory_space<hbm>> -> memref<1x40x128xi32, #tpu.memory_space<hbm>>
      %dma_wait3A_52 = tpu.memref_squeeze %dma_wait3A_51 : memref<1x40x128xi32, #tpu.memory_space<hbm>> -> memref<40x128xi32, #tpu.memory_space<hbm>>
      %dma_wait3A_53 = arith.constant 40 : i32
      %dma_wait3A_54 = arith.constant 0 : i32
      %dma_wait3A_55 = tpu.memref_slice %arg4[%add3A, %dma_wait3A_53, %dma_wait3A_54] : memref<32x80x128xi32, #tpu.memory_space<hbm>> -> memref<1x40x128xi32, #tpu.memory_space<hbm>>
      %dma_wait3A_56 = tpu.memref_squeeze %dma_wait3A_55 : memref<1x40x128xi32, #tpu.memory_space<hbm>> -> memref<40x128xi32, #tpu.memory_space<hbm>>
      tpu.wait_dma2 semaphore(%run_scoped3A : memref<!tpu.dma_semaphore, #tpu.memory_space<semaphore_mem>>) src(%dma_wait3A_56 : memref<40x128xi32, #tpu.memory_space<hbm>>) dst(%arg8 : memref<40x128xi32, #tpu.memory_space<vmem>>)
      tpu.yield
    }) : () -> ()
    %dma_start3A_20 = arith.constant 0 : i32
    %dma_start3A_21 = arith.constant 0 : i32
    %dma_start3A_22 = tpu.memref_slice %arg7[%dma_start3A_20, %dma_start3A_21] : memref<40x128xi32, #tpu.memory_space<vmem>> -> memref<1x128xi32, #tpu.memory_space<vmem>>
    %dma_start3A_23 = tpu.memref_squeeze %dma_start3A_22 : memref<1x128xi32, #tpu.memory_space<vmem>> -> memref<128xi32, #tpu.memory_space<vmem>>
    %dma_start3A_24 = arith.constant 0 : i32
    %dma_start3A_25 = arith.constant 0 : i32
    %dma_start3A_26 = tpu.memref_slice %arg2[%dma_start3A_24, %dma_start3A_25] : memref<10000x128xf32, #tpu.memory_space<hbm>> -> memref<10000x128xf32, #tpu.memory_space<hbm>>
    tpu.enqueue_indirect_dma source(%dma_start3A_26 : memref<10000x128xf32, #tpu.memory_space<hbm>>) target(%arg9 : memref<128x128xf32, #tpu.memory_space<vmem>>) offsets(%dma_start3A_23 : memref<128xi32, #tpu.memory_space<vmem>>) semaphore(%arg12 : memref<!tpu.dma_semaphore, #tpu.memory_space<semaphore_mem>>)
    %scan3A_27 = arith.constant 0 : i32
    %scan3A_28 = arith.constant 0 : i32
    %scan3A_29 = arith.constant 20 : i32
    %scan3A_30 = arith.addi %scan3A_28, %scan3A_29 : i32
    %scan3A_31 = arith.constant 1 : i32
    scf.for %scan3A_41 = %scan3A_28 to %scan3A_30 step %scan3A_31  : i32 {
      %mul3A_42 = arith.constant 2 : i32
      %mul3A_43 = arith.muli %mul3A_42, %scan3A_41 : i32
      %add3A_44 = arith.constant 0 : i32
      %add3A_45 = arith.addi %mul3A_43, %add3A_44 : i32
      %dma_wait3A_46 = arith.constant 0 : i32
      %dma_wait3A_47 = arith.constant 0 : i32
      %dma_wait3A_48 = tpu.memref_slice %arg7[%dma_wait3A_46, %dma_wait3A_47] : memref<40x128xi32, #tpu.memory_space<vmem>> -> memref<1x128xi32, #tpu.memory_space<vmem>>
      %dma_wait3A_49 = tpu.memref_squeeze %dma_wait3A_48 : memref<1x128xi32, #tpu.memory_space<vmem>> -> memref<128xi32, #tpu.memory_space<vmem>>
      %dma_wait3A_50 = arith.constant 0 : i32
      %dma_wait3A_51 = arith.constant 0 : i32
      %dma_wait3A_52 = tpu.memref_slice %arg2[%dma_wait3A_50, %dma_wait3A_51] : memref<10000x128xf32, #tpu.memory_space<hbm>> -> memref<10000x128xf32, #tpu.memory_space<hbm>>
      tpu.wait_indirect_dma semaphore(%arg12 : memref<!tpu.dma_semaphore, #tpu.memory_space<semaphore_mem>>) src(%dma_wait3A_52 : memref<10000x128xf32, #tpu.memory_space<hbm>>) dst(%arg9 : memref<128x128xf32, #tpu.memory_space<vmem>>)
      %dma_start3A_53 = arith.constant 0 : i32
      %dma_start3A_54 = tpu.memref_slice %arg8[%add3A_45, %dma_start3A_53] : memref<40x128xi32, #tpu.memory_space<vmem>> -> memref<1x128xi32, #tpu.memory_space<vmem>>
      %dma_start3A_55 = tpu.memref_squeeze %dma_start3A_54 : memref<1x128xi32, #tpu.memory_space<vmem>> -> memref<128xi32, #tpu.memory_space<vmem>>
      %dma_start3A_56 = arith.constant 0 : i32
      %dma_start3A_57 = arith.constant 0 : i32
      %dma_start3A_58 = tpu.memref_slice %arg11[%dma_start3A_56, %dma_start3A_57] : memref<10240x128xf32, #tpu.memory_space<vmem_shared>> -> memref<10240x128xf32, #tpu.memory_space<vmem_shared>>
      tpu.enqueue_indirect_dma source(%arg9 : memref<128x128xf32, #tpu.memory_space<vmem>>) target(%dma_start3A_58 : memref<10240x128xf32, #tpu.memory_space<vmem_shared>>) offsets(%dma_start3A_55 : memref<128xi32, #tpu.memory_space<vmem>>) semaphore(%arg14 : memref<!tpu.dma_semaphore, #tpu.memory_space<semaphore_mem>>) {add = true}
      %ge3A = arith.constant 1 : i32
      %ge3A_59 = arith.cmpi sge, %add3A_45, %ge3A : i32
      %convert_element_type3A = arith.extui %ge3A_59 : i1 to i32
      %cond3A = arith.constant 0 : i32
      %cond3A_60 = arith.cmpi ne, %convert_element_type3A, %cond3A : i32
      scf.if %cond3A_60 {
        %dma_wait3A_96 = arith.constant 0 : i32
        %dma_wait3A_97 = arith.constant 0 : i32
        %dma_wait3A_98 = tpu.memref_slice %arg8[%dma_wait3A_96, %dma_wait3A_97] : memref<40x128xi32, #tpu.memory_space<vmem>> -> memref<1x128xi32, #tpu.memory_space<vmem>>
        %dma_wait3A_99 = tpu.memref_squeeze %dma_wait3A_98 : memref<1x128xi32, #tpu.memory_space<vmem>> -> memref<128xi32, #tpu.memory_space<vmem>>
        %dma_wait3A_100 = arith.constant 0 : i32
        %dma_wait3A_101 = arith.constant 0 : i32
        %dma_wait3A_102 = tpu.memref_slice %arg11[%dma_wait3A_100, %dma_wait3A_101] : memref<10240x128xf32, #tpu.memory_space<vmem_shared>> -> memref<10240x128xf32, #tpu.memory_space<vmem_shared>>
        tpu.wait_indirect_dma semaphore(%arg15 : memref<!tpu.dma_semaphore, #tpu.memory_space<semaphore_mem>>) src(%arg10 : memref<128x128xf32, #tpu.memory_space<vmem>>) dst(%dma_wait3A_102 : memref<10240x128xf32, #tpu.memory_space<vmem_shared>>)
      } else {
      }
      %add3A_61 = arith.constant 1 : i32
      %add3A_62 = arith.addi %add3A_45, %add3A_61 : i32
      %lt3A = arith.constant 40 : i32
      %lt3A_63 = arith.cmpi slt, %add3A_62, %lt3A : i32
      %convert_element_type3A_64 = arith.extui %lt3A_63 : i1 to i32
      %cond3A_65 = arith.constant 0 : i32
      %cond3A_66 = arith.cmpi ne, %convert_element_type3A_64, %cond3A_65 : i32
      scf.if %cond3A_66 {
        %add3A_96 = arith.constant 1 : i32
        %add3A_97 = arith.addi %add3A_45, %add3A_96 : i32
        %dma_start3A_98 = arith.constant 0 : i32
        %dma_start3A_99 = tpu.memref_slice %arg7[%add3A_97, %dma_start3A_98] : memref<40x128xi32, #tpu.memory_space<vmem>> -> memref<1x128xi32, #tpu.memory_space<vmem>>
        %dma_start3A_100 = tpu.memref_squeeze %dma_start3A_99 : memref<1x128xi32, #tpu.memory_space<vmem>> -> memref<128xi32, #tpu.memory_space<vmem>>
        %dma_start3A_101 = arith.constant 0 : i32
        %dma_start3A_102 = arith.constant 0 : i32
        %dma_start3A_103 = tpu.memref_slice %arg2[%dma_start3A_101, %dma_start3A_102] : memref<10000x128xf32, #tpu.memory_space<hbm>> -> memref<10000x128xf32, #tpu.memory_space<hbm>>
        tpu.enqueue_indirect_dma source(%dma_start3A_103 : memref<10000x128xf32, #tpu.memory_space<hbm>>) target(%arg10 : memref<128x128xf32, #tpu.memory_space<vmem>>) offsets(%dma_start3A_100 : memref<128xi32, #tpu.memory_space<vmem>>) semaphore(%arg13 : memref<!tpu.dma_semaphore, #tpu.memory_space<semaphore_mem>>)
      } else {
      }
      %mul3A_67 = arith.constant 2 : i32
      %mul3A_68 = arith.muli %mul3A_67, %scan3A_41 : i32
      %add3A_69 = arith.constant 1 : i32
      %add3A_70 = arith.addi %mul3A_68, %add3A_69 : i32
      %dma_wait3A_71 = arith.constant 0 : i32
      %dma_wait3A_72 = arith.constant 0 : i32
      %dma_wait3A_73 = tpu.memref_slice %arg7[%dma_wait3A_71, %dma_wait3A_72] : memref<40x128xi32, #tpu.memory_space<vmem>> -> memref<1x128xi32, #tpu.memory_space<vmem>>
      %dma_wait3A_74 = tpu.memref_squeeze %dma_wait3A_73 : memref<1x128xi32, #tpu.memory_space<vmem>> -> memref<128xi32, #tpu.memory_space<vmem>>
      %dma_wait3A_75 = arith.constant 0 : i32
      %dma_wait3A_76 = arith.constant 0 : i32
      %dma_wait3A_77 = tpu.memref_slice %arg2[%dma_wait3A_75, %dma_wait3A_76] : memref<10000x128xf32, #tpu.memory_space<hbm>> -> memref<10000x128xf32, #tpu.memory_space<hbm>>
      tpu.wait_indirect_dma semaphore(%arg13 : memref<!tpu.dma_semaphore, #tpu.memory_space<semaphore_mem>>) src(%dma_wait3A_77 : memref<10000x128xf32, #tpu.memory_space<hbm>>) dst(%arg10 : memref<128x128xf32, #tpu.memory_space<vmem>>)
      %dma_start3A_78 = arith.constant 0 : i32
      %dma_start3A_79 = tpu.memref_slice %arg8[%add3A_70, %dma_start3A_78] : memref<40x128xi32, #tpu.memory_space<vmem>> -> memref<1x128xi32, #tpu.memory_space<vmem>>
      %dma_start3A_80 = tpu.memref_squeeze %dma_start3A_79 : memref<1x128xi32, #tpu.memory_space<vmem>> -> memref<128xi32, #tpu.memory_space<vmem>>
      %dma_start3A_81 = arith.constant 0 : i32
      %dma_start3A_82 = arith.constant 0 : i32
      %dma_start3A_83 = tpu.memref_slice %arg11[%dma_start3A_81, %dma_start3A_82] : memref<10240x128xf32, #tpu.memory_space<vmem_shared>> -> memref<10240x128xf32, #tpu.memory_space<vmem_shared>>
      tpu.enqueue_indirect_dma source(%arg10 : memref<128x128xf32, #tpu.memory_space<vmem>>) target(%dma_start3A_83 : memref<10240x128xf32, #tpu.memory_space<vmem_shared>>) offsets(%dma_start3A_80 : memref<128xi32, #tpu.memory_space<vmem>>) semaphore(%arg15 : memref<!tpu.dma_semaphore, #tpu.memory_space<semaphore_mem>>) {add = true}
      %ge3A_84 = arith.constant 1 : i32
      %ge3A_85 = arith.cmpi sge, %add3A_70, %ge3A_84 : i32
      %convert_element_type3A_86 = arith.extui %ge3A_85 : i1 to i32
      %cond3A_87 = arith.constant 0 : i32
      %cond3A_88 = arith.cmpi ne, %convert_element_type3A_86, %cond3A_87 : i32
      scf.if %cond3A_88 {
        %dma_wait3A_96 = arith.constant 0 : i32
        %dma_wait3A_97 = arith.constant 0 : i32
        %dma_wait3A_98 = tpu.memref_slice %arg8[%dma_wait3A_96, %dma_wait3A_97] : memref<40x128xi32, #tpu.memory_space<vmem>> -> memref<1x128xi32, #tpu.memory_space<vmem>>
        %dma_wait3A_99 = tpu.memref_squeeze %dma_wait3A_98 : memref<1x128xi32, #tpu.memory_space<vmem>> -> memref<128xi32, #tpu.memory_space<vmem>>
        %dma_wait3A_100 = arith.constant 0 : i32
        %dma_wait3A_101 = arith.constant 0 : i32
        %dma_wait3A_102 = tpu.memref_slice %arg11[%dma_wait3A_100, %dma_wait3A_101] : memref<10240x128xf32, #tpu.memory_space<vmem_shared>> -> memref<10240x128xf32, #tpu.memory_space<vmem_shared>>
        tpu.wait_indirect_dma semaphore(%arg14 : memref<!tpu.dma_semaphore, #tpu.memory_space<semaphore_mem>>) src(%arg9 : memref<128x128xf32, #tpu.memory_space<vmem>>) dst(%dma_wait3A_102 : memref<10240x128xf32, #tpu.memory_space<vmem_shared>>)
      } else {
      }
      %add3A_89 = arith.constant 1 : i32
      %add3A_90 = arith.addi %add3A_70, %add3A_89 : i32
      %lt3A_91 = arith.constant 40 : i32
      %lt3A_92 = arith.cmpi slt, %add3A_90, %lt3A_91 : i32
      %convert_element_type3A_93 = arith.extui %lt3A_92 : i1 to i32
      %cond3A_94 = arith.constant 0 : i32
      %cond3A_95 = arith.cmpi ne, %convert_element_type3A_93, %cond3A_94 : i32
      scf.if %cond3A_95 {
        %add3A_96 = arith.constant 1 : i32
        %add3A_97 = arith.addi %add3A_70, %add3A_96 : i32
        %dma_start3A_98 = arith.constant 0 : i32
        %dma_start3A_99 = tpu.memref_slice %arg7[%add3A_97, %dma_start3A_98] : memref<40x128xi32, #tpu.memory_space<vmem>> -> memref<1x128xi32, #tpu.memory_space<vmem>>
        %dma_start3A_100 = tpu.memref_squeeze %dma_start3A_99 : memref<1x128xi32, #tpu.memory_space<vmem>> -> memref<128xi32, #tpu.memory_space<vmem>>
        %dma_start3A_101 = arith.constant 0 : i32
        %dma_start3A_102 = arith.constant 0 : i32
        %dma_start3A_103 = tpu.memref_slice %arg2[%dma_start3A_101, %dma_start3A_102] : memref<10000x128xf32, #tpu.memory_space<hbm>> -> memref<10000x128xf32, #tpu.memory_space<hbm>>
        tpu.enqueue_indirect_dma source(%dma_start3A_103 : memref<10000x128xf32, #tpu.memory_space<hbm>>) target(%arg9 : memref<128x128xf32, #tpu.memory_space<vmem>>) offsets(%dma_start3A_100 : memref<128xi32, #tpu.memory_space<vmem>>) semaphore(%arg12 : memref<!tpu.dma_semaphore, #tpu.memory_space<semaphore_mem>>)
      } else {
      }
    }
    %scan3A_32 = arith.constant 20 : i32
    %dma_wait3A_33 = arith.constant 0 : i32
    %dma_wait3A_34 = arith.constant 0 : i32
    %dma_wait3A_35 = tpu.memref_slice %arg8[%dma_wait3A_33, %dma_wait3A_34] : memref<40x128xi32, #tpu.memory_space<vmem>> -> memref<1x128xi32, #tpu.memory_space<vmem>>
    %dma_wait3A_36 = tpu.memref_squeeze %dma_wait3A_35 : memref<1x128xi32, #tpu.memory_space<vmem>> -> memref<128xi32, #tpu.memory_space<vmem>>
    %dma_wait3A_37 = arith.constant 0 : i32
    %dma_wait3A_38 = arith.constant 0 : i32
    %dma_wait3A_39 = tpu.memref_slice %arg11[%dma_wait3A_37, %dma_wait3A_38] : memref<10240x128xf32, #tpu.memory_space<vmem_shared>> -> memref<10240x128xf32, #tpu.memory_space<vmem_shared>>
    tpu.wait_indirect_dma semaphore(%arg15 : memref<!tpu.dma_semaphore, #tpu.memory_space<semaphore_mem>>) src(%arg10 : memref<128x128xf32, #tpu.memory_space<vmem>>) dst(%dma_wait3A_39 : memref<10240x128xf32, #tpu.memory_space<vmem_shared>>)
    %barrier3A_40 = arith.constant 0 : index
    tpu.barrier barrier_id(%barrier3A_40)
    "tpu.region"() ({
      %run_scoped3A = tpu.sem_alloc : memref<!tpu.dma_semaphore, #tpu.memory_space<semaphore_mem>>
      %dma_start3A_41 = arith.constant 0 : i32
      %dma_start3A_42 = arith.constant 0 : i32
      %dma_start3A_43 = tpu.memref_slice %arg6[%arg0, %dma_start3A_41, %dma_start3A_42] : memref<2x10240x128xf32, #tpu.memory_space<hbm>> -> memref<1x10240x128xf32, #tpu.memory_space<hbm>>
      %dma_start3A_44 = tpu.memref_squeeze %dma_start3A_43 : memref<1x10240x128xf32, #tpu.memory_space<hbm>> -> memref<10240x128xf32, #tpu.memory_space<hbm>>
      %dma_start3A_45 = arith.constant 0 : i32
      %dma_start3A_46 = tpu.memref_slice %dma_start3A_44[%mul3A_2, %dma_start3A_45] : memref<10240x128xf32, #tpu.memory_space<hbm>> -> memref<640x128xf32, #tpu.memory_space<hbm>>
      %dma_start3A_47 = arith.constant 0 : i32
      %dma_start3A_48 = tpu.memref_slice %arg11[%mul3A_2, %dma_start3A_47] : memref<10240x128xf32, #tpu.memory_space<vmem_shared>> -> memref<640x128xf32, #tpu.memory_space<vmem_shared>>
      tpu.enqueue_dma source(%dma_start3A_48 : memref<640x128xf32, #tpu.memory_space<vmem_shared>>) target(%dma_start3A_46 : memref<640x128xf32, #tpu.memory_space<hbm>>) target_semaphore(%run_scoped3A : memref<!tpu.dma_semaphore, #tpu.memory_space<semaphore_mem>>)
      %dma_wait3A_49 = arith.constant 0 : i32
      %dma_wait3A_50 = arith.constant 0 : i32
      %dma_wait3A_51 = tpu.memref_slice %arg6[%arg0, %dma_wait3A_49, %dma_wait3A_50] : memref<2x10240x128xf32, #tpu.memory_space<hbm>> -> memref<1x10240x128xf32, #tpu.memory_space<hbm>>
      %dma_wait3A_52 = tpu.memref_squeeze %dma_wait3A_51 : memref<1x10240x128xf32, #tpu.memory_space<hbm>> -> memref<10240x128xf32, #tpu.memory_space<hbm>>
      %dma_wait3A_53 = arith.constant 0 : i32
      %dma_wait3A_54 = tpu.memref_slice %dma_wait3A_52[%mul3A_2, %dma_wait3A_53] : memref<10240x128xf32, #tpu.memory_space<hbm>> -> memref<640x128xf32, #tpu.memory_space<hbm>>
      %dma_wait3A_55 = arith.constant 0 : i32
      %dma_wait3A_56 = tpu.memref_slice %arg11[%mul3A_2, %dma_wait3A_55] : memref<10240x128xf32, #tpu.memory_space<vmem_shared>> -> memref<640x128xf32, #tpu.memory_space<vmem_shared>>
      tpu.wait_dma2 semaphore(%run_scoped3A : memref<!tpu.dma_semaphore, #tpu.memory_space<semaphore_mem>>) src(%dma_wait3A_56 : memref<640x128xf32, #tpu.memory_space<vmem_shared>>) dst(%dma_wait3A_54 : memref<640x128xf32, #tpu.memory_space<hbm>>)
      tpu.yield
    }) : () -> ()
    return
  }
}

module attributes {stable_mosaic.version = 14 : i64} {
  func.func @_tc0_body(%arg0: i32, %arg1: memref<2000x128xf32, #tpu.memory_space<vmem>>, %arg2: memref<2x2000x128xf32, #tpu.memory_space<vmem>>, %arg3: memref<2x2000x128xf32, #tpu.memory_space<vmem>>, %arg4: memref<128x128xf32, #tpu.memory_space<vmem>>, %arg5: memref<128x128xf32, #tpu.memory_space<vmem>>, %arg6: memref<1x128xf32, #tpu.memory_space<vmem>>, %arg7: memref<2000x128xf32, #tpu.memory_space<vmem>>, %arg8: memref<2000x8xf32, #tpu.memory_space<vmem>>) attributes {dimension_semantics = [#tpu.dimension_semantics<arbitrary>], iteration_bounds = array<i64: 5>, scalar_prefetch = 0 : i64, scratch_operands = 0 : i64, tpu.core_type = #tpu.core_type<tc>, window_params = [{transform_indices = @transform_0, window_bounds = array<i64: 2000, 128>}, {transform_indices = @transform_1, window_bounds = array<i64: 2, 2000, 128>}, {transform_indices = @transform_2, window_bounds = array<i64: 2, 2000, 128>}, {pipeline_mode = #tpu.pipeline_mode<synchronous>, transform_indices = @transform_3, window_bounds = array<i64: 128, 128>}, {pipeline_mode = #tpu.pipeline_mode<synchronous>, transform_indices = @transform_4, window_bounds = array<i64: 128, 128>}, {pipeline_mode = #tpu.pipeline_mode<synchronous>, transform_indices = @transform_5, window_bounds = array<i64: 1, 128>}, {transform_indices = @transform_6, window_bounds = array<i64: 2000, 128>}, {transform_indices = @transform_7, window_bounds = array<i64: 2000, 8>}]} {
    %get3A = arith.constant 0 : index
    %get3A_0 = arith.constant 0 : index
    %get3A_1 = arith.constant 0 : index
    %get3A_2 = vector.load %arg3[%get3A, %get3A_0, %get3A_1] : memref<2x2000x128xf32, #tpu.memory_space<vmem>>, vector<1x2000x1xf32>
    %get3A_3 = vector.shape_cast %get3A_2 : vector<1x2000x1xf32> to vector<2000x1xf32>
    %get3A_4 = arith.constant 1 : index
    %get3A_5 = arith.constant 0 : index
    %get3A_6 = arith.constant 0 : index
    %get3A_7 = vector.load %arg3[%get3A_4, %get3A_5, %get3A_6] : memref<2x2000x128xf32, #tpu.memory_space<vmem>>, vector<1x2000x1xf32>
    %get3A_8 = vector.shape_cast %get3A_7 : vector<1x2000x1xf32> to vector<2000x1xf32>
    %add3A = arith.addf %get3A_3, %get3A_8 : vector<2000x1xf32>
    %max3A = arith.constant 1.000000e+00 : f32
    %max3A_9 = vector.broadcast %max3A : f32 to vector<2000x1xf32>
    %max3A_10 = arith.maximumf %add3A, %max3A_9 : vector<2000x1xf32>
    %div3A = arith.constant 1.000000e+00 : f32
    %div3A_11 = vector.broadcast %div3A : f32 to vector<2000x1xf32>
    %div3A_12 = arith.divf %div3A_11, %max3A_10 : vector<2000x1xf32>
    %broadcast_in_dim3A = vector.shape_cast %div3A_12 : vector<2000x1xf32> to vector<2000x1xf32>
    %broadcast_in_dim3A_13 = vector.broadcast %broadcast_in_dim3A : vector<2000x1xf32> to vector<2000x8xf32>
    %swap3A = arith.constant 0 : index
    %swap3A_14 = arith.constant 0 : index
    %swap3A_15 = vector.load %arg8[%swap3A, %swap3A_14] : memref<2000x8xf32, #tpu.memory_space<vmem>>, vector<2000x8xf32>
    tpu.vector_store %arg8[%swap3A, %swap3A_14], %broadcast_in_dim3A_13 {strides = array<i32>} : memref<2000x8xf32, #tpu.memory_space<vmem>>, vector<2000x8xf32>,
    %get3A_16 = arith.constant 0 : index
    %get3A_17 = arith.constant 0 : index
    %get3A_18 = arith.constant 0 : index
    %get3A_19 = vector.load %arg2[%get3A_16, %get3A_17, %get3A_18] : memref<2x2000x128xf32, #tpu.memory_space<vmem>>, vector<1x2000x128xf32>
    %get3A_20 = vector.shape_cast %get3A_19 : vector<1x2000x128xf32> to vector<2000x128xf32>
    %get3A_21 = arith.constant 1 : index
    %get3A_22 = arith.constant 0 : index
    %get3A_23 = arith.constant 0 : index
    %get3A_24 = vector.load %arg2[%get3A_21, %get3A_22, %get3A_23] : memref<2x2000x128xf32, #tpu.memory_space<vmem>>, vector<1x2000x128xf32>
    %get3A_25 = vector.shape_cast %get3A_24 : vector<1x2000x128xf32> to vector<2000x128xf32>
    %add3A_26 = arith.addf %get3A_20, %get3A_25 : vector<2000x128xf32>
    %mul3A = vector.broadcast %div3A_12 : vector<2000x1xf32> to vector<2000x128xf32>
    %mul3A_27 = arith.mulf %add3A_26, %mul3A : vector<2000x128xf32>
    %get3A_28 = arith.constant 0 : index
    %get3A_29 = arith.constant 0 : index
    %get3A_30 = vector.load %arg1[%get3A_28, %get3A_29] : memref<2000x128xf32, #tpu.memory_space<vmem>>, vector<2000x128xf32>
    %get3A_31 = arith.constant 0 : index
    %get3A_32 = arith.constant 0 : index
    %get3A_33 = vector.load %arg4[%get3A_31, %get3A_32] : memref<128x128xf32, #tpu.memory_space<vmem>>, vector<128x128xf32>
    %dot_general3A = arith.constant dense<0.000000e+00> : vector<2000x128xf32>
    %dot_general3A_34 = tpu.matmul %get3A_30, %get3A_33, %dot_general3A {dimension_numbers = #tpu.dot_dimension_numbers<[1], [0], [0], [1], [0, 0, 1, 1], [], []>, transpose_lhs_hint = false} : vector<2000x128xf32>, vector<128x128xf32>, vector<2000x128xf32> -> vector<2000x128xf32>
    %get3A_35 = arith.constant 0 : index
    %get3A_36 = arith.constant 0 : index
    %get3A_37 = vector.load %arg5[%get3A_35, %get3A_36] : memref<128x128xf32, #tpu.memory_space<vmem>>, vector<128x128xf32>
    %dot_general3A_38 = arith.constant dense<0.000000e+00> : vector<2000x128xf32>
    %dot_general3A_39 = tpu.matmul %mul3A_27, %get3A_37, %dot_general3A_38 {dimension_numbers = #tpu.dot_dimension_numbers<[1], [0], [0], [1], [0, 0, 1, 1], [], []>, transpose_lhs_hint = false} : vector<2000x128xf32>, vector<128x128xf32>, vector<2000x128xf32> -> vector<2000x128xf32>
    %add3A_40 = arith.addf %dot_general3A_34, %dot_general3A_39 : vector<2000x128xf32>
    %get3A_41 = arith.constant 0 : index
    %get3A_42 = arith.constant 0 : index
    %get3A_43 = vector.load %arg6[%get3A_41, %get3A_42] : memref<1x128xf32, #tpu.memory_space<vmem>>, vector<1x128xf32>
    %add3A_44 = vector.broadcast %get3A_43 : vector<1x128xf32> to vector<2000x128xf32>
    %add3A_45 = arith.addf %add3A_40, %add3A_44 : vector<2000x128xf32>
    %max3A_46 = arith.constant 0.000000e+00 : f32
    %max3A_47 = vector.broadcast %max3A_46 : f32 to vector<2000x128xf32>
    %max3A_48 = arith.maximumf %add3A_45, %max3A_47 : vector<2000x128xf32>
    %swap3A_49 = arith.constant 0 : index
    %swap3A_50 = arith.constant 0 : index
    %swap3A_51 = vector.load %arg7[%swap3A_49, %swap3A_50] : memref<2000x128xf32, #tpu.memory_space<vmem>>, vector<2000x128xf32>
    tpu.vector_store %arg7[%swap3A_49, %swap3A_50], %max3A_48 {strides = array<i32>} : memref<2000x128xf32, #tpu.memory_space<vmem>>, vector<2000x128xf32>,
    return
  }
  func.func @transform_0(%arg0: i32) -> (i32, i32) {
    %c0_i32 = arith.constant 0 : i32
    %c0_i32_0 = arith.constant 0 : i32
    return %arg0, %c0_i32 : i32, i32
  }
  func.func @transform_1(%arg0: i32) -> (i32, i32, i32) {
    %c0_i32 = arith.constant 0 : i32
    %c0_i32_0 = arith.constant 0 : i32
    %c0_i32_1 = arith.constant 0 : i32
    return %c0_i32, %arg0, %c0_i32_0 : i32, i32, i32
  }
  func.func @transform_2(%arg0: i32) -> (i32, i32, i32) {
    %c0_i32 = arith.constant 0 : i32
    %c0_i32_0 = arith.constant 0 : i32
    %c0_i32_1 = arith.constant 0 : i32
    return %c0_i32, %arg0, %c0_i32_0 : i32, i32, i32
  }
  func.func @transform_3(%arg0: i32) -> (i32, i32) {
    %c0_i32 = arith.constant 0 : i32
    %c0_i32_0 = arith.constant 0 : i32
    %c0_i32_1 = arith.constant 0 : i32
    return %c0_i32, %c0_i32_0 : i32, i32
  }
  func.func @transform_4(%arg0: i32) -> (i32, i32) {
    %c0_i32 = arith.constant 0 : i32
    %c0_i32_0 = arith.constant 0 : i32
    %c0_i32_1 = arith.constant 0 : i32
    return %c0_i32, %c0_i32_0 : i32, i32
  }
  func.func @transform_5(%arg0: i32) -> (i32, i32) {
    %c0_i32 = arith.constant 0 : i32
    %c0_i32_0 = arith.constant 0 : i32
    %c0_i32_1 = arith.constant 0 : i32
    return %c0_i32, %c0_i32_0 : i32, i32
  }
  func.func @transform_6(%arg0: i32) -> (i32, i32) {
    %c0_i32 = arith.constant 0 : i32
    %c0_i32_0 = arith.constant 0 : i32
    return %arg0, %c0_i32 : i32, i32
  }
  func.func @transform_7(%arg0: i32) -> (i32, i32) {
    %c0_i32 = arith.constant 0 : i32
    %c0_i32_0 = arith.constant 0 : i32
    return %arg0, %c0_i32 : i32, i32
  }
}

module attributes {stable_mosaic.version = 14 : i64} {
  func.func @_tc_body(%arg0: i32, %arg1: memref<2000x128xf32, #tpu.memory_space<vmem>>, %arg2: memref<2x2000x128xf32, #tpu.memory_space<vmem>>, %arg3: memref<2000x8xf32, #tpu.memory_space<vmem>>, %arg4: memref<128x128xf32, #tpu.memory_space<vmem>>, %arg5: memref<128x128xf32, #tpu.memory_space<vmem>>, %arg6: memref<1x128xf32, #tpu.memory_space<vmem>>, %arg7: memref<2000x128xf32, #tpu.memory_space<vmem>>) attributes {dimension_semantics = [#tpu.dimension_semantics<arbitrary>], iteration_bounds = array<i64: 5>, scalar_prefetch = 0 : i64, scratch_operands = 0 : i64, tpu.core_type = #tpu.core_type<tc>, window_params = [{transform_indices = @transform_0, window_bounds = array<i64: 2000, 128>}, {transform_indices = @transform_1, window_bounds = array<i64: 2, 2000, 128>}, {transform_indices = @transform_2, window_bounds = array<i64: 2000, 8>}, {pipeline_mode = #tpu.pipeline_mode<synchronous>, transform_indices = @transform_3, window_bounds = array<i64: 128, 128>}, {pipeline_mode = #tpu.pipeline_mode<synchronous>, transform_indices = @transform_4, window_bounds = array<i64: 128, 128>}, {pipeline_mode = #tpu.pipeline_mode<synchronous>, transform_indices = @transform_5, window_bounds = array<i64: 1, 128>}, {transform_indices = @transform_6, window_bounds = array<i64: 2000, 128>}]} {
    %get3A = arith.constant 0 : index
    %get3A_0 = arith.constant 0 : index
    %get3A_1 = arith.constant 0 : index
    %get3A_2 = vector.load %arg2[%get3A, %get3A_0, %get3A_1] : memref<2x2000x128xf32, #tpu.memory_space<vmem>>, vector<1x2000x128xf32>
    %get3A_3 = vector.shape_cast %get3A_2 : vector<1x2000x128xf32> to vector<2000x128xf32>
    %get3A_4 = arith.constant 1 : index
    %get3A_5 = arith.constant 0 : index
    %get3A_6 = arith.constant 0 : index
    %get3A_7 = vector.load %arg2[%get3A_4, %get3A_5, %get3A_6] : memref<2x2000x128xf32, #tpu.memory_space<vmem>>, vector<1x2000x128xf32>
    %get3A_8 = vector.shape_cast %get3A_7 : vector<1x2000x128xf32> to vector<2000x128xf32>
    %add3A = arith.addf %get3A_3, %get3A_8 : vector<2000x128xf32>
    %get3A_9 = arith.constant 0 : index
    %get3A_10 = arith.constant 0 : index
    %get3A_11 = vector.load %arg3[%get3A_9, %get3A_10] : memref<2000x8xf32, #tpu.memory_space<vmem>>, vector<2000x1xf32>
    %mul3A = vector.broadcast %get3A_11 : vector<2000x1xf32> to vector<2000x128xf32>
    %mul3A_12 = arith.mulf %add3A, %mul3A : vector<2000x128xf32>
    %get3A_13 = arith.constant 0 : index
    %get3A_14 = arith.constant 0 : index
    %get3A_15 = vector.load %arg1[%get3A_13, %get3A_14] : memref<2000x128xf32, #tpu.memory_space<vmem>>, vector<2000x128xf32>
    %get3A_16 = arith.constant 0 : index
    %get3A_17 = arith.constant 0 : index
    %get3A_18 = vector.load %arg4[%get3A_16, %get3A_17] : memref<128x128xf32, #tpu.memory_space<vmem>>, vector<128x128xf32>
    %dot_general3A = arith.constant dense<0.000000e+00> : vector<2000x128xf32>
    %dot_general3A_19 = tpu.matmul %get3A_15, %get3A_18, %dot_general3A {dimension_numbers = #tpu.dot_dimension_numbers<[1], [0], [0], [1], [0, 0, 1, 1], [], []>, transpose_lhs_hint = false} : vector<2000x128xf32>, vector<128x128xf32>, vector<2000x128xf32> -> vector<2000x128xf32>
    %get3A_20 = arith.constant 0 : index
    %get3A_21 = arith.constant 0 : index
    %get3A_22 = vector.load %arg5[%get3A_20, %get3A_21] : memref<128x128xf32, #tpu.memory_space<vmem>>, vector<128x128xf32>
    %dot_general3A_23 = arith.constant dense<0.000000e+00> : vector<2000x128xf32>
    %dot_general3A_24 = tpu.matmul %mul3A_12, %get3A_22, %dot_general3A_23 {dimension_numbers = #tpu.dot_dimension_numbers<[1], [0], [0], [1], [0, 0, 1, 1], [], []>, transpose_lhs_hint = false} : vector<2000x128xf32>, vector<128x128xf32>, vector<2000x128xf32> -> vector<2000x128xf32>
    %add3A_25 = arith.addf %dot_general3A_19, %dot_general3A_24 : vector<2000x128xf32>
    %get3A_26 = arith.constant 0 : index
    %get3A_27 = arith.constant 0 : index
    %get3A_28 = vector.load %arg6[%get3A_26, %get3A_27] : memref<1x128xf32, #tpu.memory_space<vmem>>, vector<1x128xf32>
    %add3A_29 = vector.broadcast %get3A_28 : vector<1x128xf32> to vector<2000x128xf32>
    %add3A_30 = arith.addf %add3A_25, %add3A_29 : vector<2000x128xf32>
    %max3A = arith.constant 0.000000e+00 : f32
    %max3A_31 = vector.broadcast %max3A : f32 to vector<2000x128xf32>
    %max3A_32 = arith.maximumf %add3A_30, %max3A_31 : vector<2000x128xf32>
    %swap3A = arith.constant 0 : index
    %swap3A_33 = arith.constant 0 : index
    %swap3A_34 = vector.load %arg7[%swap3A, %swap3A_33] : memref<2000x128xf32, #tpu.memory_space<vmem>>, vector<2000x128xf32>
    tpu.vector_store %arg7[%swap3A, %swap3A_33], %max3A_32 {strides = array<i32>} : memref<2000x128xf32, #tpu.memory_space<vmem>>, vector<2000x128xf32>,
    return
  }
  func.func @transform_0(%arg0: i32) -> (i32, i32) {
    %c0_i32 = arith.constant 0 : i32
    %c0_i32_0 = arith.constant 0 : i32
    return %arg0, %c0_i32 : i32, i32
  }
  func.func @transform_1(%arg0: i32) -> (i32, i32, i32) {
    %c0_i32 = arith.constant 0 : i32
    %c0_i32_0 = arith.constant 0 : i32
    %c0_i32_1 = arith.constant 0 : i32
    return %c0_i32, %arg0, %c0_i32_0 : i32, i32, i32
  }
  func.func @transform_2(%arg0: i32) -> (i32, i32) {
    %c0_i32 = arith.constant 0 : i32
    %c0_i32_0 = arith.constant 0 : i32
    return %arg0, %c0_i32 : i32, i32
  }
  func.func @transform_3(%arg0: i32) -> (i32, i32) {
    %c0_i32 = arith.constant 0 : i32
    %c0_i32_0 = arith.constant 0 : i32
    %c0_i32_1 = arith.constant 0 : i32
    return %c0_i32, %c0_i32_0 : i32, i32
  }
  func.func @transform_4(%arg0: i32) -> (i32, i32) {
    %c0_i32 = arith.constant 0 : i32
    %c0_i32_0 = arith.constant 0 : i32
    %c0_i32_1 = arith.constant 0 : i32
    return %c0_i32, %c0_i32_0 : i32, i32
  }
  func.func @transform_5(%arg0: i32) -> (i32, i32) {
    %c0_i32 = arith.constant 0 : i32
    %c0_i32_0 = arith.constant 0 : i32
    %c0_i32_1 = arith.constant 0 : i32
    return %c0_i32, %c0_i32_0 : i32, i32
  }
  func.func @transform_6(%arg0: i32) -> (i32, i32) {
    %c0_i32 = arith.constant 0 : i32
    %c0_i32_0 = arith.constant 0 : i32
    return %arg0, %c0_i32 : i32, i32
  }
}

module attributes {stable_mosaic.version = 14 : i64} {
  func.func @_tc_body(%arg0: i32, %arg1: memref<2000x128xf32, #tpu.memory_space<vmem>>, %arg2: memref<2x2000x128xf32, #tpu.memory_space<vmem>>, %arg3: memref<2000x8xf32, #tpu.memory_space<vmem>>, %arg4: memref<128x128xf32, #tpu.memory_space<vmem>>, %arg5: memref<128x128xf32, #tpu.memory_space<vmem>>, %arg6: memref<1x128xf32, #tpu.memory_space<vmem>>, %arg7: memref<2000x128xf32, #tpu.memory_space<vmem>>) attributes {dimension_semantics = [#tpu.dimension_semantics<arbitrary>], iteration_bounds = array<i64: 5>, scalar_prefetch = 0 : i64, scratch_operands = 0 : i64, tpu.core_type = #tpu.core_type<tc>, window_params = [{transform_indices = @transform_0, window_bounds = array<i64: 2000, 128>}, {transform_indices = @transform_1, window_bounds = array<i64: 2, 2000, 128>}, {transform_indices = @transform_2, window_bounds = array<i64: 2000, 8>}, {pipeline_mode = #tpu.pipeline_mode<synchronous>, transform_indices = @transform_3, window_bounds = array<i64: 128, 128>}, {pipeline_mode = #tpu.pipeline_mode<synchronous>, transform_indices = @transform_4, window_bounds = array<i64: 128, 128>}, {pipeline_mode = #tpu.pipeline_mode<synchronous>, transform_indices = @transform_5, window_bounds = array<i64: 1, 128>}, {transform_indices = @transform_6, window_bounds = array<i64: 2000, 128>}]} {
    %get3A = arith.constant 0 : index
    %get3A_0 = arith.constant 0 : index
    %get3A_1 = arith.constant 0 : index
    %get3A_2 = vector.load %arg2[%get3A, %get3A_0, %get3A_1] : memref<2x2000x128xf32, #tpu.memory_space<vmem>>, vector<1x2000x128xf32>
    %get3A_3 = vector.shape_cast %get3A_2 : vector<1x2000x128xf32> to vector<2000x128xf32>
    %get3A_4 = arith.constant 1 : index
    %get3A_5 = arith.constant 0 : index
    %get3A_6 = arith.constant 0 : index
    %get3A_7 = vector.load %arg2[%get3A_4, %get3A_5, %get3A_6] : memref<2x2000x128xf32, #tpu.memory_space<vmem>>, vector<1x2000x128xf32>
    %get3A_8 = vector.shape_cast %get3A_7 : vector<1x2000x128xf32> to vector<2000x128xf32>
    %add3A = arith.addf %get3A_3, %get3A_8 : vector<2000x128xf32>
    %get3A_9 = arith.constant 0 : index
    %get3A_10 = arith.constant 0 : index
    %get3A_11 = vector.load %arg3[%get3A_9, %get3A_10] : memref<2000x8xf32, #tpu.memory_space<vmem>>, vector<2000x1xf32>
    %mul3A = vector.broadcast %get3A_11 : vector<2000x1xf32> to vector<2000x128xf32>
    %mul3A_12 = arith.mulf %add3A, %mul3A : vector<2000x128xf32>
    %get3A_13 = arith.constant 0 : index
    %get3A_14 = arith.constant 0 : index
    %get3A_15 = vector.load %arg1[%get3A_13, %get3A_14] : memref<2000x128xf32, #tpu.memory_space<vmem>>, vector<2000x128xf32>
    %get3A_16 = arith.constant 0 : index
    %get3A_17 = arith.constant 0 : index
    %get3A_18 = vector.load %arg4[%get3A_16, %get3A_17] : memref<128x128xf32, #tpu.memory_space<vmem>>, vector<128x128xf32>
    %dot_general3A = arith.constant dense<0.000000e+00> : vector<2000x128xf32>
    %dot_general3A_19 = tpu.matmul %get3A_15, %get3A_18, %dot_general3A {dimension_numbers = #tpu.dot_dimension_numbers<[1], [0], [0], [1], [0, 0, 1, 1], [], []>, transpose_lhs_hint = false} : vector<2000x128xf32>, vector<128x128xf32>, vector<2000x128xf32> -> vector<2000x128xf32>
    %get3A_20 = arith.constant 0 : index
    %get3A_21 = arith.constant 0 : index
    %get3A_22 = vector.load %arg5[%get3A_20, %get3A_21] : memref<128x128xf32, #tpu.memory_space<vmem>>, vector<128x128xf32>
    %dot_general3A_23 = arith.constant dense<0.000000e+00> : vector<2000x128xf32>
    %dot_general3A_24 = tpu.matmul %mul3A_12, %get3A_22, %dot_general3A_23 {dimension_numbers = #tpu.dot_dimension_numbers<[1], [0], [0], [1], [0, 0, 1, 1], [], []>, transpose_lhs_hint = false} : vector<2000x128xf32>, vector<128x128xf32>, vector<2000x128xf32> -> vector<2000x128xf32>
    %add3A_25 = arith.addf %dot_general3A_19, %dot_general3A_24 : vector<2000x128xf32>
    %get3A_26 = arith.constant 0 : index
    %get3A_27 = arith.constant 0 : index
    %get3A_28 = vector.load %arg6[%get3A_26, %get3A_27] : memref<1x128xf32, #tpu.memory_space<vmem>>, vector<1x128xf32>
    %add3A_29 = vector.broadcast %get3A_28 : vector<1x128xf32> to vector<2000x128xf32>
    %add3A_30 = arith.addf %add3A_25, %add3A_29 : vector<2000x128xf32>
    %max3A = arith.constant 0.000000e+00 : f32
    %max3A_31 = vector.broadcast %max3A : f32 to vector<2000x128xf32>
    %max3A_32 = arith.maximumf %add3A_30, %max3A_31 : vector<2000x128xf32>
    %swap3A = arith.constant 0 : index
    %swap3A_33 = arith.constant 0 : index
    %swap3A_34 = vector.load %arg7[%swap3A, %swap3A_33] : memref<2000x128xf32, #tpu.memory_space<vmem>>, vector<2000x128xf32>
    tpu.vector_store %arg7[%swap3A, %swap3A_33], %max3A_32 {strides = array<i32>} : memref<2000x128xf32, #tpu.memory_space<vmem>>, vector<2000x128xf32>,
    return
  }
  func.func @transform_0(%arg0: i32) -> (i32, i32) {
    %c0_i32 = arith.constant 0 : i32
    %c0_i32_0 = arith.constant 0 : i32
    return %arg0, %c0_i32 : i32, i32
  }
  func.func @transform_1(%arg0: i32) -> (i32, i32, i32) {
    %c0_i32 = arith.constant 0 : i32
    %c0_i32_0 = arith.constant 0 : i32
    %c0_i32_1 = arith.constant 0 : i32
    return %c0_i32, %arg0, %c0_i32_0 : i32, i32, i32
  }
  func.func @transform_2(%arg0: i32) -> (i32, i32) {
    %c0_i32 = arith.constant 0 : i32
    %c0_i32_0 = arith.constant 0 : i32
    return %arg0, %c0_i32 : i32, i32
  }
  func.func @transform_3(%arg0: i32) -> (i32, i32) {
    %c0_i32 = arith.constant 0 : i32
    %c0_i32_0 = arith.constant 0 : i32
    %c0_i32_1 = arith.constant 0 : i32
    return %c0_i32, %c0_i32_0 : i32, i32
  }
  func.func @transform_4(%arg0: i32) -> (i32, i32) {
    %c0_i32 = arith.constant 0 : i32
    %c0_i32_0 = arith.constant 0 : i32
    %c0_i32_1 = arith.constant 0 : i32
    return %c0_i32, %c0_i32_0 : i32, i32
  }
  func.func @transform_5(%arg0: i32) -> (i32, i32) {
    %c0_i32 = arith.constant 0 : i32
    %c0_i32_0 = arith.constant 0 : i32
    %c0_i32_1 = arith.constant 0 : i32
    return %c0_i32, %c0_i32_0 : i32, i32
  }
  func.func @transform_6(%arg0: i32) -> (i32, i32) {
    %c0_i32 = arith.constant 0 : i32
    %c0_i32_0 = arith.constant 0 : i32
    return %arg0, %c0_i32 : i32, i32
  }
}

</mosaic_0001>

<sc_bundles>
// kernel: kernel.11.cloned.1.call-start
scs
__scs_entry_jumppad:
0x0: {  	(pc) =	sbr.rel $0x88, $3  }
0x1: {  	(tag) =	ssettag $0x0;
	lr =	simm.s32 $0x1  }
0x2: {  	[smem:$0x3F96] =	sst lr;
	_ =	strace $0xD0000000  }
0x3: {  	_ = 	snop  }
0x4: {  	_ = 	snop  }
0x5: {  	_ = 	snop  }
0x6: {  	_ = 	snop  }
0x7: {  	_ = 	snop  }
__scs_overlays_trampoline_lowered:
0x8: {  	[smem:$0x3FA5] =	sst s0  }
0x9: {  	[smem:$0x3FA6] =	sst s1  }
0xa: {  	[smem:$0x3FA7] =	sst s2  }
0xb: {  	[smem:$0x3FA8] =	sst s3  }
0xc: {  	[smem:$0x3FA9] =	sst s4  }
0xd: {  	[smem:$0x3FAA] =	sst s5  }
0xe: {  	[smem:$0x3FAB] =	sst s6  }
0xf: {  	[smem:$0x3FAC] =	sst s7  }
0x10: {  	[smem:$0x3FAD] =	sst s8  }
0x11: {  	[smem:$0x3FAE] =	sst s9;
	s0 =	simm.s32 @!p0 $0x0  }
0x12: {  	s1 =	sld [smem:$0x3F94];
	s0 =	simm.s32 @p0 $0x1  }
0x13: {  	[smem:$0x3FAF] =	sst s0;
	s0 =	simm.s32 @!p1 $0x0  }
0x14: {  	s2 =	sld [smem:$0x3F93];
	s0 =	simm.s32 @p1 $0x1  }
0x15: {  	[smem:$0x3FB0] =	sst s0;
	s0 =	simm.s32 @!p2 $0x0  }
0x16: {  	s3 =	sld [smem:$0x3FDB];
	s0 =	simm.s32 @p2 $0x1  }
0x17: {  	s4 =	simm.s32 $0x1BF5;
	[smem:$0x3FB2] =	sst s0  }
0x18: {  	s0 =	sld [smem:$0x3F95];
	_ =	swait.ge [sflag:s4], $0x0  }
0x19: {  	s7 =	sld [smem:$0x3F96]  }
0x1a: {  	s8 =	sadd.s32 $0xFFFFE003, lr  }
0x1b: {  	s9 =	sadd.s32 $0xFFFFFEF7, lr;
	s5 =	simm.s32 $0xFFFFFFFF;
	p2 =	slt.u32 s8, $0xFFFFF086  }
0x1c: {  	p1 =	slt.u32 s9, $0xF7A;
	s5 =	simm.s32 @!p2 $0x0  }
0x1d: {  	s5 =	simm.s32 @p1 $0x1;
	p0 =	seq.s32 s7, s2  }
0x1e: {  	s7 =	smul.u32 @!p0 $0xF7A, s2;
	p2 =	seq.s32 @!p0 s5, $0x0  }
0x1f: {  	s9 =	smul.u32 $0xF7A, s1;
	s8 =	simm.s32 @!p0 $0x1BF5;
	p2 =	por !p2, p0  }
0x20: {  	[sflag:s8] =	ssyncset.s32 @!p0 $0xFFFFF086;
	s6 =	sadd.s32 @!p0 s3, s7;
	s7 =	simm.s32 @!p0 $0x108  }
0x21: {  	s3 =	sadd.s32 s3, s9;
	s6 =	sadd.s32 @!p0 $0x88, s6;
	s7 =	simm.s32 @p2 $0x1082  }
0x22: {  	[simem:s7], [sflag:s8] =	dma.local @!p0 [hbm:s6], $0xF7A  }
0x23: {  	s9 =	sor.u32 $0xD0000000, s2;
	s6 =	simm.s32 $0x108;
	_ =	swait.ge @!p0 [sflag:s8], $0x0  }
0x24: {  	s3 =	sadd.s32 $0x88, s3;
	s6 =	simm.s32 @!p1 $0x1082;
	[sflag:s4] =	ssyncset.s32 $0xFFFFF086  }
0x25: {  	[simem:s6], [sflag:s4] =	dma.local [hbm:s3], $0xF7A  }
0x26: {  	[smem:$0x3F96] =	sst s1;
	(tag) =	ssettag s2;
	_ =	strace s9  }
0x27: {  	s1 =	sld [smem:$0x3FA6]  }
0x28: {  	s2 =	sld [smem:$0x3FA7]  }
0x29: {  	s4 =	sld [smem:$0x3FA9]  }
0x2a: {  	p0 =	seq.s32 s5, $0x0;
	s5 =	sld [smem:$0x3FAA]  }
0x2b: {  	s6 =	sld [smem:$0x3FAB]  }
0x2c: {  	s7 =	sld [smem:$0x3FAC]  }
0x2d: {  	s3 =	simm.s32 $0x108;
	s8 =	sld [smem:$0x3FAD]  }
0x2e: {  	s3 =	simm.s32 @!p0 $0x1082;
	s9 =	sld [smem:$0x3FAE]  }
0x2f: {  	lr =	sadd.s32 s0, s3;
	s0 =	sld [smem:$0x3FA5]  }
0x30: {  	s3 =	sld [smem:$0x3FA8]  }
0x31: {  	[smem:$0x3FB1] =	sst s10  }
0x32: {  	s10 =	sld [smem:$0x3FAF];
	_ =	sdelay $0x3  }
0x33: {  	p0 =	seq.s32 s10, $0x1;
	s10 =	sld [smem:$0x3FB1];
	_ =	sdelay $0x3  }
0x34: {  	[smem:$0x3FB1] =	sst s10  }
0x35: {  	s10 =	sld [smem:$0x3FB0];
	_ =	sdelay $0x3  }
0x36: {  	p1 =	seq.s32 s10, $0x1;
	s10 =	sld [smem:$0x3FB1];
	_ =	sdelay $0x3  }
0x37: {  	[smem:$0x3FB1] =	sst s10  }
0x38: {  	s10 =	sld [smem:$0x3FB2]  }
0x39: {  	_ = 	snop;
	(pc) =	sbr.ind lr, $3  }
0x3a: {  	_ = 	snop  }
0x3b: {  	_ = 	snop  }
0x3c: {  	p2 =	seq.s32 s10, $0x1;
	s10 =	sld [smem:$0x3FB1]  }
0x3d: {  	_ =	shalt  }
0x3e: {  	_ =	shalt  }
0x3f: {  	_ =	shalt  }
0x40: {  	_ =	shalt  }
0x41: {  	_ =	shalt  }
0x42: {  	_ =	shalt  }
0x43: {  	_ =	shalt  }
0x44: {  	_ =	shalt  }
0x45: {  	_ =	shalt  }
0x46: {  	_ =	shalt  }
0x47: {  	_ =	shalt  }
0x48: {  	_ =	shalt  }
0x49: {  	_ =	shalt  }
0x4a: {  	_ =	shalt  }
0x4b: {  	_ =	shalt  }
0x4c: {  	_ =	shalt  }
0x4d: {  	_ =	shalt  }
0x4e: {  	_ =	shalt  }
0x4f: {  	_ =	shalt  }
0x50: {  	_ =	shalt  }
0x51: {  	_ =	shalt  }
0x52: {  	_ =	shalt  }
0x53: {  	_ =	shalt  }
0x54: {  	_ =	shalt  }
0x55: {  	_ =	shalt  }
0x56: {  	_ =	shalt  }
0x57: {  	_ =	shalt  }
0x58: {  	_ =	shalt  }
0x59: {  	_ =	shalt  }
0x5a: {  	_ =	shalt  }
0x5b: {  	_ =	shalt  }
0x5c: {  	_ =	shalt  }
0x5d: {  	_ =	shalt  }
0x5e: {  	_ =	shalt  }
0x5f: {  	_ =	shalt  }
0x60: {  	_ =	shalt  }
0x61: {  	_ =	shalt  }
0x62: {  	_ =	shalt  }
0x63: {  	_ =	shalt  }
0x64: {  	_ =	shalt  }
0x65: {  	_ =	shalt  }
0x66: {  	_ =	shalt  }
0x67: {  	_ =	shalt  }
0x68: {  	_ =	shalt  }
0x69: {  	_ =	shalt  }
0x6a: {  	_ =	shalt  }
0x6b: {  	_ =	shalt  }
0x6c: {  	_ =	shalt  }
0x6d: {  	_ =	shalt  }
0x6e: {  	_ =	shalt  }
0x6f: {  	_ =	shalt  }
0x70: {  	_ =	shalt  }
0x71: {  	_ =	shalt  }
0x72: {  	_ =	shalt  }
0x73: {  	_ =	shalt  }
0x74: {  	_ =	shalt  }
0x75: {  	_ =	shalt  }
0x76: {  	_ =	shalt  }
0x77: {  	_ =	shalt  }
0x78: {  	_ =	shalt  }
0x79: {  	_ =	shalt  }
0x7a: {  	_ =	shalt  }
0x7b: {  	_ =	shalt  }
0x7c: {  	_ =	shalt  }
0x7d: {  	_ =	shalt  }
0x7e: {  	_ =	shalt  }
0x7f: {  	_ =	shalt  }
0x80: {  	_ =	shalt  }
0x81: {  	_ =	shalt  }
0x82: {  	_ =	shalt  }
0x83: {  	_ =	shalt  }
0x84: {  	_ =	shalt  }
0x85: {  	_ =	shalt  }
0x86: {  	_ =	shalt  }
0x87: {  	_ =	shalt  }
.Lfunc_end0:
.L_simem_size_0:
called_computation.1_lowered:
.L_overlay_start_0:
0x88: {  	s2 =	sld [smem:$0x3FD9]  }
0x89: {  	s3 =	sld [smem:$0x3FFE];
	_ =	sdelay $0x1  }
0x8a: {  	s1 =	srdreg.scid  }
0x8b: {  	s0 =	sand.u32 $0x1, s1  }
0x8c: {  	s17 =	sshll.u32 s0, $0xA;
	s2 =	sadd.s32 s3, s2  }
0x8d: {  	s2 =	sadd.s32 s2, s17  }
0x8e: {  	[smem:$0x3FBD] =	sst s2  }
0x8f: {  	_ = 	snop  }
0x90: {  	s2 =	sld [smem:$0x3FD0];
	(tm) =	ssettm $0x1  }
0x91: {  	s18 =	sld [smem:$0x3FFB];
	_ =	sdelay $0x3  }
0x92: {  	_ =	strace s18  }
0x93: {  	s3 =	sld [smem:$0x3FFC];
	_ =	sdelay $0x3  }
0x94: {  	_ =	strace s3  }
0x95: {  	s3 =	sld [smem:$0x3FFD];
	_ =	sdelay $0x3  }
0x96: {  	_ =	strace s3  }
0x97: {  	_ =	strace $0x8FFFFFFF  }
0x98: {  	s19 =	sld [smem:$0x3FDB];
	_ =	sdelay $0x1  }
0x99: {  	s4 =	simm.s32 $_scs_section_size  }
0x9a: {  	s5 =	simm.s32 $_size__tile_overlayer_lowered;
	s6 =	simm.s32 $_tile_overlayer_lowered  }
0x9b: {  	s22 =	simm.s32 $0x1BFF;
	s21 =	sshll.u32 s6, $0x1;
	s3 =	sadd.s32 s4, s19  }
0x9c: {  	s7 =	simm.s32 $0x0;
	s20 =	sshll.u32 s5, $0x1;
	s5 =	sadd.s32 s21, s3  }
0x9d: {  	[timem:s7], [sflag:s22] =	dma.local [hbm:s5], s20  }
0x9e: {  	_ =	swait.ge [sflag:s22], s20  }
0x9f: {  	s4 =	ssub.s32 $0x0, s20;
	[sflag:s22] =	ssyncset.done $0x0  }
0xa0: {  	[sflag:s22] =	ssyncadd.s32 s4;
	_ =	sdelay $0x1  }
0xa1: {  	s23 =	simm.s32 $0x1B8B  }
0xa2: {  	_ =	swait.ge [sflag:s23], $0x1  }
0xa3: {  	[sflag:s23] =	ssyncset.done $0x0  }
0xa4: {  	s25 =	simm.s32 $0x1B8E;
	s24 =	sld [smem:$0x3FFE];
	[sflag:s23] =	ssyncadd.s32 $0xFFFFFFFF  }
0xa5: {  	s26 =	simm.s32 $execute0_lowered;
	[smem:$0x3FD2] =	sst s25  }
0xa6: {  	s5 =	sshll.u32 s26, $0x1;
	_ =	strace $0x80000049;
	[dreg:$0x1] =	wrdreg $0xFFFFFFFF  }
0xa7: {  	s28 =	simm.s32 $_size_execute0_lowered;
	s3 =	sadd.s32 s3, s5;
	[dreg:$0x0] =	wrdreg $0x0  }
0xa8: {  	s5 =	sshll.u32 s28, $0x1;
	[dreg:$0x2] =	wrdreg s3  }
0xa9: {  	[dreg:$0x3] =	wrdreg s5  }
0xaa: {  	[dreg:$0x4] =	wrdreg $0xC0  }
0xab: {  	_ =	task [dreg:s7], $0x5FFFF  }
0xac: {  	[dreg:$0x1] =	wrdreg $0xFFFFFFFF  }
0xad: {  	[dreg:$0x0] =	wrdreg $0x60  }
0xae: {  	[dreg:$0x2] =	wrdreg s2  }
0xaf: {  	[dreg:$0x3] =	wrdreg s24  }
0xb0: {  	[dreg:$0x4] =	wrdreg $0xA8000  }
0xb1: {  	[dreg:$0x5] =	wrdreg $0x9  }
0xb2: {  	_ =	task.clear_ibuf [dreg:s7], $0x6FFFF;
	_ =	strace $0x90000049  }
0xb3: {  	s29 =	simm.s32 $0x9;
	_ =	strace $0x8000004B  }
0xb4: {  	_ =	swait.ge [sflag:s29], $0x1  }
0xb5: {  	[sflag:s29] =	ssyncadd.s32 $0xFFFFFFFF  }
0xb6: {  	_ =	strace $0x9000004B  }
0xb7: {  	_ =	sfence  }
0xb8: {  	s30 =	sld [smem:$0x0];
	_ =	sdelay $0x2  }
0xb9: {  	s31 =	sshll.u32 s1, $0xD;
	s1 =	sshrl.u32 s1, $0x2  }
0xba: {  	s3 =	sand.u32 $0x4000, s31;
	s1 =	sadd.s32 s1, s30  }
0xbb: {  	s0 =	sor.u32 s3, s0;
	s1 =	sshll.u32 s1, $0x11  }
0xbc: {  	s0 =	sor.u32 s1, s0  }
0xbd: {  	s0 =	sadd.s32 $0x8F2B, s0  }
0xbe: {  	[sflag:s0] =	ssyncadd.remote.s32 $0x1  }
0xbf: {  	_ =	sfence.sel $0xFFFF  }
0xc0: {  	[dreg:$0x0] =	wrdreg $0xFFFFFFFF;
	(pc) =	sbr.abs _section_cstart, $3  }
0xc1: {  	[dreg:$0x1] =	wrdreg $0xFFFFFFFF  }
0xc2: {  	_ =	task.clear_ibuf [dreg:s7], $0x2FFFF;
	_ =	strace $0x9FFFFFFF  }
0xc3: {  	(tm) =	ssettm $0x7FFFFFFF  }
tec
execute0_lowered:
.L_overlay_start_1:
0x0: {  	(tag) =	ssettag $0x1  }
0x1: {  	s1 =	rddreg [dreg:$0x0]  }
0x2: {  	s5 =	rddreg [dreg:$0x1]  }
0x3: {  	s3 =	rddreg [dreg:$0x2]  }
0x4: {  	s0 =	rddreg [dreg:$0x3];
	s4 =	simm.s32 $0x0;
	s2 =	stileid.u32  }
0x5: {  	s6 =	srdreg.scid;
	s16 =	simm.s32 $0x2800;
	s17 =	simm.s32 $0x1  }
0x6: {  	s18 =	simm.s32 $0x6800;
	s19 =	simm.s32 $0x2;
	s20 =	simm.s32 $0x1480  }
0x7: {  	s21 =	simm.s32 $0x3;
	s22 =	simm.s32 $0x100;
	s23 =	simm.s32 $0x4  }
0x8: {  	[smem:$0x7FF] =	sst s4;
	s24 =	smul.u32 $0x2800, s2;
	s6 =	sand.u32 $0x1, s6  }
0x9: {  	s9 =	sadd.s32 $0xD400, s5;
	s10 =	sadd.s32 $0x3400, s5;
	s11 =	smul.u32 $0x50000, s2  }
0xa: {  	s30 =	sshll.u32 s2, $0x6;
	_ =	strace $0x8000004A;
	s7 =	smul.u32 $0x28000, s6  }
0xb: {  	s12 =	sshll.u32 s6, $0x4;
	s26 =	ssub.s32 $0x2, s6;
	s6 =	sor.u32 $0x1C05, s30  }
0xc: {  	s8 =	sadd.s32 s24, s5;
	s28 =	sor.u32 s2, s12;
	s29 =	sshrl.u32 s26, $0x1  }
0xd: {  	s11 =	sshrl.u32 s11, $0x2;
	s13 =	sadd.s32 s7, s5;
	s12 =	smul.u32 $0x2800, s28  }
0xe: {  	s14 =	ssub.s32 s26, s29;
	s15 =	sadd.s32 s11, s3;
	s5 =	sadd.s32 $0x17400, s8  }
.Ltmp0:
0xf: {  	s25 =	sadd.s32 $0x3F400, s13;
	s13 =	simm.s32 $0x5;
	(pc) =	sbr.rel .LBB2_1-.Ltmp0, $4  }
0x10: {  	s31 =	sshrl.u32 s12, $0x3;
	s12 =	sshrl.u32 s15, $0x3;
	s15 =	simm.s32 $0x80  }
0x11: {  	s24 =	sadd.s32 s24, s25;
	s25 =	simm.s32 $0x0;
	s11 =	sadd.s32 $0x280, s31  }
0x12: {  	s7 =	sadd.s32 s9, s31;
	s8 =	sadd.s32 s10, s31;
	s9 =	sadd.s32 s9, s11  }
0x13: {  	s10 =	sadd.s32 s10, s11;
	s11 =	smax.u32 s14, $0x1;
	s14 =	simm.s32 $0x1400  }
.LBB2_7:
0x14: {  	_ =	swait.ge [sflag:s23], $0x4000  }
0x15: {  	s25 =	sadd.s32 $0x1, s25;
	[sflag:s23] =	ssyncset.done $0x0  }
0x16: {  	p0 =	sne.s32 s25, s11;
	[sflag:s23] =	ssyncadd.s32 $0xFFFFC000  }
.Ltmp1:
0x17: {  	[bflag:$0x0] =	sbarrier.arrive $0xFFFF;
	(pc) =	sbr.rel @!p0 .LBB2_8-.Ltmp1, $4  }
0x18: {  	[hbm:s24], [sflag:s6] =	dma.local [spmem:s12], $0x2800  }
0x19: {  	_ =	swait.ge [sflag:s13], $0x2800  }
0x1a: {  	[sflag:s13] =	ssyncset.done $0x0  }
0x1b: {  	[sflag:s13] =	ssyncadd.s32 $0xFFFFD800  }
.LBB2_1:
0x1c: {  	[spmem:s12], [sflag:s6] =	dma.local [hbm:s5], $0x2800  }
0x1d: {  	_ =	swait.ge [sflag:s13], $0x2800  }
0x1e: {  	[sflag:s13] =	ssyncset.done $0x0  }
0x1f: {  	[sflag:s13] =	ssyncadd.s32 $0xFFFFD800  }
0x20: {  	[bflag:$0x0] =	sbarrier.arrive $0xFFFF  }
0x21: {  	[tilespmem:s4], [sflag:$0x5] =	stream.linear.gather [hbm4b:s7+s4], $0x1400, $0x38;
	[tilespmem:$0x1E800] =	vst v63  }
0x22: {  	_ =	swait.ge [sflag:s13], $0x1400  }
0x23: {  	[sflag:s13] =	ssyncset.done $0x0  }
0x24: {  	[sflag:s13] =	ssyncadd.s32 $0xFFFFEC00  }
0x25: {  	[tilespmem:s14], [sflag:$0x5] =	stream.linear.gather [hbm4b:s8+s4], $0x1400, $0x38;
	[tilespmem:$0x1E800] =	vst v63  }
0x26: {  	_ =	swait.ge [sflag:s13], $0x1400  }
0x27: {  	[sflag:s13] =	ssyncset.done $0x0  }
0x28: {  	[sflag:s13] =	ssyncadd.s32 $0xFFFFEC00  }
0x29: {  	[tilespmem:s16], [sflag:$0x1] =	stream.indirect.gather [hbm4b:s1+s15], $0x80, s4, s15, $0xb8;
	[tilespmem:$0x1E800] =	vst v63  }
0x2a: {  	_ =	swait.ge [sflag:s17], $0x4000  }
0x2b: {  	[sflag:s17] =	ssyncset.done $0x0  }
0x2c: {  	[sflag:s17] =	ssyncadd.s32 $0xFFFFC000  }
0x2d: {  	[spmem:s3] =	stream.indirect.scatter.add.f32 [tilespmem:s16], [sflag:$0x3], $0x80, s14, s15, $0xb8;
	[tilespmem:$0x1E800] =	vst v63  }
0x2e: {  	_ = 	snop  }
0x2f: {  	[tilespmem:s18], [sflag:$0x2] =	stream.indirect.gather [hbm4b:s1+s15], $0x80, s15, s15, $0xb8;
	[tilespmem:$0x1E800] =	vst v63  }
0x30: {  	_ =	swait.ge [sflag:s19], $0x4000  }
0x31: {  	[sflag:s19] =	ssyncset.done $0x0  }
0x32: {  	[sflag:s19] =	ssyncadd.s32 $0xFFFFC000  }
0x33: {  	[spmem:s3] =	stream.indirect.scatter.add.f32 [tilespmem:s18], [sflag:$0x4], $0x80, s20, s15, $0xb8;
	[tilespmem:$0x1E800] =	vst v63  }
0x34: {  	_ =	swait.ge [sflag:s21], $0x4000  }
0x35: {  	[sflag:s21] =	ssyncset.done $0x0  }
0x36: {  	s26 =	simm.s32 $0xFFFFB800;
	[sflag:s21] =	ssyncadd.s32 $0xFFFFC000  }
0x37: {  	[tilespmem:s16], [sflag:$0x1] =	stream.indirect.gather [hbm4b:s1+s15], $0x80, s22, s15, $0xb8;
	[tilespmem:$0x1E800] =	vst v63  }
.LBB2_2:
0x38: {  	_ =	swait.ge [sflag:s17], $0x4000  }
0x39: {  	s28 =	sshra.s32 s26, $0x2;
	[sflag:s17] =	ssyncset.done $0x0  }
0x3a: {  	s29 =	sadd.s32 $0x2700, s28;
	[sflag:s17] =	ssyncadd.s32 $0xFFFFC000  }
0x3b: {  	[spmem:s3] =	stream.indirect.scatter.add.f32 [tilespmem:s16], [sflag:$0x3], $0x80, s29, s15, $0xb8;
	[tilespmem:$0x1E800] =	vst v63  }
0x3c: {  	_ =	swait.ge [sflag:s23], $0x4000  }
0x3d: {  	[sflag:s23] =	ssyncset.done $0x0  }
0x3e: {  	s30 =	sadd.s32 $0x1380, s28;
	[sflag:s23] =	ssyncadd.s32 $0xFFFFC000  }
0x3f: {  	[tilespmem:s18], [sflag:$0x2] =	stream.indirect.gather [hbm4b:s1+s15], $0x80, s30, s15, $0xb8;
	[tilespmem:$0x1E800] =	vst v63  }
0x40: {  	_ =	swait.ge [sflag:s19], $0x4000  }
0x41: {  	p0 =	seq.s32 s26, $0x0;
	[sflag:s19] =	ssyncset.done $0x0  }
.Ltmp2:
0x42: {  	s31 =	sadd.s32 $0x2780, s28;
	[sflag:s19] =	ssyncadd.s32 $0xFFFFC000;
	(pc) =	sbr.rel @p0 .LBB2_4-.Ltmp2, $4  }
0x43: {  	[spmem:s3] =	stream.indirect.scatter.add.f32 [tilespmem:s18], [sflag:$0x4], $0x80, s31, s15, $0xb8;
	[tilespmem:$0x1E800] =	vst v63  }
0x44: {  	_ =	swait.ge [sflag:s21], $0x4000  }
0x45: {  	[sflag:s21] =	ssyncset.done $0x0  }
0x46: {  	[sflag:s21] =	ssyncadd.s32 $0xFFFFC000  }
.Ltmp3:
0x47: {  	(pc) =	sbr.rel .LBB2_2-.Ltmp3, $3  }
0x48: {  	_ =	sdelay $0x1  }
0x49: {  	s28 =	sadd.s32 $0x1400, s28;
	s26 =	sadd.s32 $0x400, s26  }
0x4a: {  	[tilespmem:s16], [sflag:$0x1] =	stream.indirect.gather [hbm4b:s1+s15], $0x80, s28, s15, $0xb8;
	[tilespmem:$0x1E800] =	vst v63  }
.LBB2_4:
0x4b: {  	_ =	swait.ge [sflag:s23], $0x4000  }
0x4c: {  	[sflag:s23] =	ssyncset.done $0x0  }
0x4d: {  	[sflag:s23] =	ssyncadd.s32 $0xFFFFC000  }
0x4e: {  	[tilespmem:s4], [sflag:$0x5] =	stream.linear.gather [hbm4b:s9+s4], $0x1400, $0x38;
	[tilespmem:$0x1E800] =	vst v63  }
0x4f: {  	_ =	swait.ge [sflag:s13], $0x1400  }
0x50: {  	[sflag:s13] =	ssyncset.done $0x0  }
0x51: {  	[sflag:s13] =	ssyncadd.s32 $0xFFFFEC00  }
0x52: {  	[tilespmem:s14], [sflag:$0x5] =	stream.linear.gather [hbm4b:s10+s4], $0x1400, $0x38;
	[tilespmem:$0x1E800] =	vst v63  }
0x53: {  	_ =	swait.ge [sflag:s13], $0x1400  }
0x54: {  	[sflag:s13] =	ssyncset.done $0x0  }
0x55: {  	[sflag:s13] =	ssyncadd.s32 $0xFFFFEC00  }
0x56: {  	[tilespmem:s16], [sflag:$0x1] =	stream.indirect.gather [hbm4b:s1+s15], $0x80, s4, s15, $0xb8;
	[tilespmem:$0x1E800] =	vst v63  }
0x57: {  	_ =	swait.ge [sflag:s17], $0x4000  }
0x58: {  	[sflag:s17] =	ssyncset.done $0x0  }
0x59: {  	[sflag:s17] =	ssyncadd.s32 $0xFFFFC000  }
0x5a: {  	[spmem:s3] =	stream.indirect.scatter.add.f32 [tilespmem:s16], [sflag:$0x3], $0x80, s14, s15, $0xb8;
	[tilespmem:$0x1E800] =	vst v63  }
0x5b: {  	_ = 	snop  }
0x5c: {  	[tilespmem:s18], [sflag:$0x2] =	stream.indirect.gather [hbm4b:s1+s15], $0x80, s15, s15, $0xb8;
	[tilespmem:$0x1E800] =	vst v63  }
0x5d: {  	_ =	swait.ge [sflag:s19], $0x4000  }
0x5e: {  	[sflag:s19] =	ssyncset.done $0x0  }
0x5f: {  	[sflag:s19] =	ssyncadd.s32 $0xFFFFC000  }
0x60: {  	[spmem:s3] =	stream.indirect.scatter.add.f32 [tilespmem:s18], [sflag:$0x4], $0x80, s20, s15, $0xb8;
	[tilespmem:$0x1E800] =	vst v63  }
0x61: {  	_ =	swait.ge [sflag:s21], $0x4000  }
0x62: {  	[sflag:s21] =	ssyncset.done $0x0  }
0x63: {  	s26 =	simm.s32 $0xFFFFB800;
	[sflag:s21] =	ssyncadd.s32 $0xFFFFC000  }
0x64: {  	[tilespmem:s16], [sflag:$0x1] =	stream.indirect.gather [hbm4b:s1+s15], $0x80, s22, s15, $0xb8;
	[tilespmem:$0x1E800] =	vst v63  }
.LBB2_5:
0x65: {  	_ =	swait.ge [sflag:s17], $0x4000  }
0x66: {  	s28 =	sshra.s32 s26, $0x2;
	[sflag:s17] =	ssyncset.done $0x0  }
0x67: {  	s29 =	sadd.s32 $0x2700, s28;
	[sflag:s17] =	ssyncadd.s32 $0xFFFFC000  }
0x68: {  	[spmem:s3] =	stream.indirect.scatter.add.f32 [tilespmem:s16], [sflag:$0x3], $0x80, s29, s15, $0xb8;
	[tilespmem:$0x1E800] =	vst v63  }
0x69: {  	_ =	swait.ge [sflag:s23], $0x4000  }
0x6a: {  	[sflag:s23] =	ssyncset.done $0x0  }
0x6b: {  	s30 =	sadd.s32 $0x1380, s28;
	[sflag:s23] =	ssyncadd.s32 $0xFFFFC000  }
0x6c: {  	[tilespmem:s18], [sflag:$0x2] =	stream.indirect.gather [hbm4b:s1+s15], $0x80, s30, s15, $0xb8;
	[tilespmem:$0x1E800] =	vst v63  }
0x6d: {  	_ =	swait.ge [sflag:s19], $0x4000  }
0x6e: {  	p0 =	seq.s32 s26, $0x0;
	[sflag:s19] =	ssyncset.done $0x0  }
.Ltmp4:
0x6f: {  	s31 =	sadd.s32 $0x2780, s28;
	[sflag:s19] =	ssyncadd.s32 $0xFFFFC000;
	(pc) =	sbr.rel @p0 .LBB2_7-.Ltmp4, $4  }
0x70: {  	[spmem:s3] =	stream.indirect.scatter.add.f32 [tilespmem:s18], [sflag:$0x4], $0x80, s31, s15, $0xb8;
	[tilespmem:$0x1E800] =	vst v63  }
0x71: {  	_ =	swait.ge [sflag:s21], $0x4000  }
0x72: {  	[sflag:s21] =	ssyncset.done $0x0  }
0x73: {  	[sflag:s21] =	ssyncadd.s32 $0xFFFFC000  }
.Ltmp5:
0x74: {  	(pc) =	sbr.rel .LBB2_5-.Ltmp5, $3  }
0x75: {  	_ =	sdelay $0x1  }
0x76: {  	s28 =	sadd.s32 $0x1400, s28;
	s26 =	sadd.s32 $0x400, s26  }
0x77: {  	[tilespmem:s16], [sflag:$0x1] =	stream.indirect.gather [hbm4b:s1+s15], $0x80, s28, s15, $0xb8;
	[tilespmem:$0x1E800] =	vst v63  }
.LBB2_8:
0x78: {  	_ =	sfence.sel $0x180000  }
0x79: {  	[bflag:$0x0] =	sbarrier.arrive $0xFFFF  }
0x7a: {  	p0 =	sne.s32 s2, $0x0;
	_ =	strace $0x9000004A  }
0x7b: {  	s0 =	sadd.s32 @!p0 $0x100000, s0;
	[bflag:$0x2] =	sbarrier.arrive $0xFFFF  }
0x7c: {  	[sflag:s0] =	ssyncadd.tile.s32 @!p0 $0x1;
	_ =	shalt  }
.Lfunc_end2:
_tile_overlayer_lowered:
.L_overlay_start_2:
0x7d: {  	(tag) =	ssettag $0x2  }
0x7e: {  	s0 =	rddreg [dreg:$0x0];
	s2 =	stileid.u32  }
0x7f: {  	s1 =	rddreg [dreg:$0x1];
	p0 =	sne.s32 s2, $0x0  }
0x80: {  	s3 =	rddreg [dreg:$0x2];
	[bflag:$0x3] =	sbarrier.arrive $0xFFFF;
	s2 =	simm.s32 @!p0 $0x1C05  }
0x81: {  	[timem:s3], [sflag:s2] =	dma.local @!p0 [hbm:s0], s1  }
0x82: {  	s0 =	simm.s32 @!p0 $0x5  }
0x83: {  	_ =	swait.ge @!p0 [sflag:s0], s1  }
0x84: {  	s1 =	ssub.s32 @!p0 $0x0, s1;
	[sflag:s0] =	ssyncset.done @!p0 $0x0  }
0x85: {  	[sflag:s0] =	ssyncadd.s32 @!p0 s1  }
0x86: {  	[bflag:$0x3] =	sbarrier.arrive $0xFFFF  }
0x87: {  	_ =	shalt  }

// kernel: kernel.14.cloned.1.call-start
scs
__scs_entry_jumppad:
0x0: {  	(pc) =	sbr.rel $0x88, $3  }
0x1: {  	(tag) =	ssettag $0x0;
	lr =	simm.s32 $0x1  }
0x2: {  	[smem:$0x3F96] =	sst lr;
	_ =	strace $0xD0000000  }
0x3: {  	_ = 	snop  }
0x4: {  	_ = 	snop  }
0x5: {  	_ = 	snop  }
0x6: {  	_ = 	snop  }
0x7: {  	_ = 	snop  }
__scs_overlays_trampoline_lowered:
0x8: {  	[smem:$0x3FA5] =	sst s0  }
0x9: {  	[smem:$0x3FA6] =	sst s1  }
0xa: {  	[smem:$0x3FA7] =	sst s2  }
0xb: {  	[smem:$0x3FA8] =	sst s3  }
0xc: {  	[smem:$0x3FA9] =	sst s4  }
0xd: {  	[smem:$0x3FAA] =	sst s5  }
0xe: {  	[smem:$0x3FAB] =	sst s6  }
0xf: {  	[smem:$0x3FAC] =	sst s7  }
0x10: {  	[smem:$0x3FAD] =	sst s8  }
0x11: {  	[smem:$0x3FAE] =	sst s9;
	s0 =	simm.s32 @!p0 $0x0  }
0x12: {  	s1 =	sld [smem:$0x3F94];
	s0 =	simm.s32 @p0 $0x1  }
0x13: {  	[smem:$0x3FAF] =	sst s0;
	s0 =	simm.s32 @!p1 $0x0  }
0x14: {  	s2 =	sld [smem:$0x3F93];
	s0 =	simm.s32 @p1 $0x1  }
0x15: {  	[smem:$0x3FB0] =	sst s0;
	s0 =	simm.s32 @!p2 $0x0  }
0x16: {  	s3 =	sld [smem:$0x3FDB];
	s0 =	simm.s32 @p2 $0x1  }
0x17: {  	s4 =	simm.s32 $0x1BF5;
	[smem:$0x3FB2] =	sst s0  }
0x18: {  	s0 =	sld [smem:$0x3F95];
	_ =	swait.ge [sflag:s4], $0x0  }
0x19: {  	s7 =	sld [smem:$0x3F96]  }
0x1a: {  	s8 =	sadd.s32 $0xFFFFE003, lr  }
0x1b: {  	s9 =	sadd.s32 $0xFFFFFEF7, lr;
	s5 =	simm.s32 $0xFFFFFFFF;
	p2 =	slt.u32 s8, $0xFFFFF086  }
0x1c: {  	p1 =	slt.u32 s9, $0xF7A;
	s5 =	simm.s32 @!p2 $0x0  }
0x1d: {  	s5 =	simm.s32 @p1 $0x1;
	p0 =	seq.s32 s7, s2  }
0x1e: {  	s7 =	smul.u32 @!p0 $0xF7A, s2;
	p2 =	seq.s32 @!p0 s5, $0x0  }
0x1f: {  	s9 =	smul.u32 $0xF7A, s1;
	s8 =	simm.s32 @!p0 $0x1BF5;
	p2 =	por !p2, p0  }
0x20: {  	[sflag:s8] =	ssyncset.s32 @!p0 $0xFFFFF086;
	s6 =	sadd.s32 @!p0 s3, s7;
	s7 =	simm.s32 @!p0 $0x108  }
0x21: {  	s3 =	sadd.s32 s3, s9;
	s6 =	sadd.s32 @!p0 $0x88, s6;
	s7 =	simm.s32 @p2 $0x1082  }
0x22: {  	[simem:s7], [sflag:s8] =	dma.local @!p0 [hbm:s6], $0xF7A  }
0x23: {  	s9 =	sor.u32 $0xD0000000, s2;
	s6 =	simm.s32 $0x108;
	_ =	swait.ge @!p0 [sflag:s8], $0x0  }
0x24: {  	s3 =	sadd.s32 $0x88, s3;
	s6 =	simm.s32 @!p1 $0x1082;
	[sflag:s4] =	ssyncset.s32 $0xFFFFF086  }
0x25: {  	[simem:s6], [sflag:s4] =	dma.local [hbm:s3], $0xF7A  }
0x26: {  	[smem:$0x3F96] =	sst s1;
	(tag) =	ssettag s2;
	_ =	strace s9  }
0x27: {  	s1 =	sld [smem:$0x3FA6]  }
0x28: {  	s2 =	sld [smem:$0x3FA7]  }
0x29: {  	s4 =	sld [smem:$0x3FA9]  }
0x2a: {  	p0 =	seq.s32 s5, $0x0;
	s5 =	sld [smem:$0x3FAA]  }
0x2b: {  	s6 =	sld [smem:$0x3FAB]  }
0x2c: {  	s7 =	sld [smem:$0x3FAC]  }
0x2d: {  	s3 =	simm.s32 $0x108;
	s8 =	sld [smem:$0x3FAD]  }
0x2e: {  	s3 =	simm.s32 @!p0 $0x1082;
	s9 =	sld [smem:$0x3FAE]  }
0x2f: {  	lr =	sadd.s32 s0, s3;
	s0 =	sld [smem:$0x3FA5]  }
0x30: {  	s3 =	sld [smem:$0x3FA8]  }
0x31: {  	[smem:$0x3FB1] =	sst s10  }
0x32: {  	s10 =	sld [smem:$0x3FAF];
	_ =	sdelay $0x3  }
0x33: {  	p0 =	seq.s32 s10, $0x1;
	s10 =	sld [smem:$0x3FB1];
	_ =	sdelay $0x3  }
0x34: {  	[smem:$0x3FB1] =	sst s10  }
0x35: {  	s10 =	sld [smem:$0x3FB0];
	_ =	sdelay $0x3  }
0x36: {  	p1 =	seq.s32 s10, $0x1;
	s10 =	sld [smem:$0x3FB1];
	_ =	sdelay $0x3  }
0x37: {  	[smem:$0x3FB1] =	sst s10  }
0x38: {  	s10 =	sld [smem:$0x3FB2]  }
0x39: {  	_ = 	snop;
	(pc) =	sbr.ind lr, $3  }
0x3a: {  	_ = 	snop  }
0x3b: {  	_ = 	snop  }
0x3c: {  	p2 =	seq.s32 s10, $0x1;
	s10 =	sld [smem:$0x3FB1]  }
0x3d: {  	_ =	shalt  }
0x3e: {  	_ =	shalt  }
0x3f: {  	_ =	shalt  }
0x40: {  	_ =	shalt  }
0x41: {  	_ =	shalt  }
0x42: {  	_ =	shalt  }
0x43: {  	_ =	shalt  }
0x44: {  	_ =	shalt  }
0x45: {  	_ =	shalt  }
0x46: {  	_ =	shalt  }
0x47: {  	_ =	shalt  }
0x48: {  	_ =	shalt  }
0x49: {  	_ =	shalt  }
0x4a: {  	_ =	shalt  }
0x4b: {  	_ =	shalt  }
0x4c: {  	_ =	shalt  }
0x4d: {  	_ =	shalt  }
0x4e: {  	_ =	shalt  }
0x4f: {  	_ =	shalt  }
0x50: {  	_ =	shalt  }
0x51: {  	_ =	shalt  }
0x52: {  	_ =	shalt  }
0x53: {  	_ =	shalt  }
0x54: {  	_ =	shalt  }
0x55: {  	_ =	shalt  }
0x56: {  	_ =	shalt  }
0x57: {  	_ =	shalt  }
0x58: {  	_ =	shalt  }
0x59: {  	_ =	shalt  }
0x5a: {  	_ =	shalt  }
0x5b: {  	_ =	shalt  }
0x5c: {  	_ =	shalt  }
0x5d: {  	_ =	shalt  }
0x5e: {  	_ =	shalt  }
0x5f: {  	_ =	shalt  }
0x60: {  	_ =	shalt  }
0x61: {  	_ =	shalt  }
0x62: {  	_ =	shalt  }
0x63: {  	_ =	shalt  }
0x64: {  	_ =	shalt  }
0x65: {  	_ =	shalt  }
0x66: {  	_ =	shalt  }
0x67: {  	_ =	shalt  }
0x68: {  	_ =	shalt  }
0x69: {  	_ =	shalt  }
0x6a: {  	_ =	shalt  }
0x6b: {  	_ =	shalt  }
0x6c: {  	_ =	shalt  }
0x6d: {  	_ =	shalt  }
0x6e: {  	_ =	shalt  }
0x6f: {  	_ =	shalt  }
0x70: {  	_ =	shalt  }
0x71: {  	_ =	shalt  }
0x72: {  	_ =	shalt  }
0x73: {  	_ =	shalt  }
0x74: {  	_ =	shalt  }
0x75: {  	_ =	shalt  }
0x76: {  	_ =	shalt  }
0x77: {  	_ =	shalt  }
0x78: {  	_ =	shalt  }
0x79: {  	_ =	shalt  }
0x7a: {  	_ =	shalt  }
0x7b: {  	_ =	shalt  }
0x7c: {  	_ =	shalt  }
0x7d: {  	_ =	shalt  }
0x7e: {  	_ =	shalt  }
0x7f: {  	_ =	shalt  }
0x80: {  	_ =	shalt  }
0x81: {  	_ =	shalt  }
0x82: {  	_ =	shalt  }
0x83: {  	_ =	shalt  }
0x84: {  	_ =	shalt  }
0x85: {  	_ =	shalt  }
0x86: {  	_ =	shalt  }
0x87: {  	_ =	shalt  }
.Lfunc_end0:
.L_simem_size_0:
called_computation.2_lowered:
.L_overlay_start_0:
0x88: {  	s2 =	sld [smem:$0x3FD9]  }
0x89: {  	s3 =	sld [smem:$0x3FFE];
	_ =	sdelay $0x1  }
0x8a: {  	s1 =	srdreg.scid  }
0x8b: {  	s0 =	sand.u32 $0x1, s1  }
0x8c: {  	s17 =	sshll.u32 s0, $0xA;
	s2 =	sadd.s32 s3, s2  }
0x8d: {  	s2 =	sadd.s32 s2, s17  }
0x8e: {  	[smem:$0x3FBD] =	sst s2  }
0x8f: {  	_ = 	snop  }
0x90: {  	s2 =	sld [smem:$0x3FD0];
	(tm) =	ssettm $0x1  }
0x91: {  	s18 =	sld [smem:$0x3FFB];
	_ =	sdelay $0x3  }
0x92: {  	_ =	strace s18  }
0x93: {  	s3 =	sld [smem:$0x3FFC];
	_ =	sdelay $0x3  }
0x94: {  	_ =	strace s3  }
0x95: {  	s3 =	sld [smem:$0x3FFD];
	_ =	sdelay $0x3  }
0x96: {  	_ =	strace s3  }
0x97: {  	_ =	strace $0x8FFFFFFF  }
0x98: {  	s19 =	sld [smem:$0x3FDB];
	_ =	sdelay $0x1  }
0x99: {  	s4 =	simm.s32 $_scs_section_size  }
0x9a: {  	s5 =	simm.s32 $_size__tile_overlayer_lowered;
	s6 =	simm.s32 $_tile_overlayer_lowered  }
0x9b: {  	s22 =	simm.s32 $0x1BFF;
	s21 =	sshll.u32 s6, $0x1;
	s3 =	sadd.s32 s4, s19  }
0x9c: {  	s7 =	simm.s32 $0x0;
	s20 =	sshll.u32 s5, $0x1;
	s5 =	sadd.s32 s21, s3  }
0x9d: {  	[timem:s7], [sflag:s22] =	dma.local [hbm:s5], s20  }
0x9e: {  	_ =	swait.ge [sflag:s22], s20  }
0x9f: {  	s4 =	ssub.s32 $0x0, s20;
	[sflag:s22] =	ssyncset.done $0x0  }
0xa0: {  	[sflag:s22] =	ssyncadd.s32 s4;
	_ =	sdelay $0x1  }
0xa1: {  	s23 =	simm.s32 $0x1B8B  }
0xa2: {  	_ =	swait.ge [sflag:s23], $0x1  }
0xa3: {  	[sflag:s23] =	ssyncset.done $0x0  }
0xa4: {  	s25 =	simm.s32 $0x1B8E;
	s24 =	sld [smem:$0x3FFE];
	[sflag:s23] =	ssyncadd.s32 $0xFFFFFFFF  }
0xa5: {  	s26 =	simm.s32 $execute0_lowered;
	[smem:$0x3FD2] =	sst s25  }
0xa6: {  	s5 =	sshll.u32 s26, $0x1;
	_ =	strace $0x8000004C;
	[dreg:$0x1] =	wrdreg $0xFFFFFFFF  }
0xa7: {  	s28 =	simm.s32 $_size_execute0_lowered;
	s3 =	sadd.s32 s3, s5;
	[dreg:$0x0] =	wrdreg $0x0  }
0xa8: {  	s5 =	sshll.u32 s28, $0x1;
	[dreg:$0x2] =	wrdreg s3  }
0xa9: {  	[dreg:$0x3] =	wrdreg s5  }
0xaa: {  	[dreg:$0x4] =	wrdreg $0xC0  }
0xab: {  	_ =	task [dreg:s7], $0x5FFFF  }
0xac: {  	[dreg:$0x1] =	wrdreg $0xFFFFFFFF  }
0xad: {  	[dreg:$0x0] =	wrdreg $0x60  }
0xae: {  	[dreg:$0x2] =	wrdreg s2  }
0xaf: {  	[dreg:$0x3] =	wrdreg s24  }
0xb0: {  	[dreg:$0x4] =	wrdreg $0xA8000  }
0xb1: {  	[dreg:$0x5] =	wrdreg $0x9  }
0xb2: {  	_ =	task.clear_ibuf [dreg:s7], $0x6FFFF;
	_ =	strace $0x9000004C  }
0xb3: {  	s29 =	simm.s32 $0x9;
	_ =	strace $0x8000004E  }
0xb4: {  	_ =	swait.ge [sflag:s29], $0x1  }
0xb5: {  	[sflag:s29] =	ssyncadd.s32 $0xFFFFFFFF  }
0xb6: {  	_ =	strace $0x9000004E  }
0xb7: {  	_ =	sfence  }
0xb8: {  	s30 =	sld [smem:$0x0];
	_ =	sdelay $0x2  }
0xb9: {  	s31 =	sshll.u32 s1, $0xD;
	s1 =	sshrl.u32 s1, $0x2  }
0xba: {  	s3 =	sand.u32 $0x4000, s31;
	s1 =	sadd.s32 s1, s30  }
0xbb: {  	s0 =	sor.u32 s3, s0;
	s1 =	sshll.u32 s1, $0x11  }
0xbc: {  	s0 =	sor.u32 s1, s0  }
0xbd: {  	s0 =	sadd.s32 $0x8F2B, s0  }
0xbe: {  	[sflag:s0] =	ssyncadd.remote.s32 $0x1  }
0xbf: {  	_ =	sfence.sel $0xFFFF  }
0xc0: {  	[dreg:$0x0] =	wrdreg $0xFFFFFFFF;
	(pc) =	sbr.abs _section_cstart, $3  }
0xc1: {  	[dreg:$0x1] =	wrdreg $0xFFFFFFFF  }
0xc2: {  	_ =	task.clear_ibuf [dreg:s7], $0x2FFFF;
	_ =	strace $0x9FFFFFFF  }
0xc3: {  	(tm) =	ssettm $0x7FFFFFFF  }
tec
execute0_lowered:
.L_overlay_start_1:
0x0: {  	(tag) =	ssettag $0x1  }
0x1: {  	s1 =	rddreg [dreg:$0x0]  }
0x2: {  	s5 =	rddreg [dreg:$0x1]  }
0x3: {  	s3 =	rddreg [dreg:$0x2]  }
0x4: {  	s0 =	rddreg [dreg:$0x3];
	s4 =	simm.s32 $0x0;
	s2 =	stileid.u32  }
0x5: {  	s6 =	srdreg.scid;
	s16 =	simm.s32 $0x2800;
	s17 =	simm.s32 $0x1  }
0x6: {  	s18 =	simm.s32 $0x6800;
	s19 =	simm.s32 $0x2;
	s20 =	simm.s32 $0x1480  }
0x7: {  	s21 =	simm.s32 $0x3;
	s22 =	simm.s32 $0x100;
	s23 =	simm.s32 $0x4  }
0x8: {  	[smem:$0x7FF] =	sst s4;
	s24 =	smul.u32 $0x2800, s2;
	s6 =	sand.u32 $0x1, s6  }
0x9: {  	s9 =	sadd.s32 $0xD400, s5;
	s10 =	sadd.s32 $0x3400, s5;
	s11 =	smul.u32 $0x50000, s2  }
0xa: {  	s30 =	sshll.u32 s2, $0x6;
	_ =	strace $0x8000004D;
	s7 =	smul.u32 $0x28000, s6  }
0xb: {  	s12 =	sshll.u32 s6, $0x4;
	s26 =	ssub.s32 $0x2, s6;
	s6 =	sor.u32 $0x1C05, s30  }
0xc: {  	s8 =	sadd.s32 s24, s5;
	s28 =	sor.u32 s2, s12;
	s29 =	sshrl.u32 s26, $0x1  }
0xd: {  	s11 =	sshrl.u32 s11, $0x2;
	s13 =	sadd.s32 s7, s5;
	s12 =	smul.u32 $0x2800, s28  }
0xe: {  	s14 =	ssub.s32 s26, s29;
	s15 =	sadd.s32 s11, s3;
	s5 =	sadd.s32 $0x17400, s8  }
.Ltmp0:
0xf: {  	s25 =	sadd.s32 $0x3F400, s13;
	s13 =	simm.s32 $0x5;
	(pc) =	sbr.rel .LBB2_1-.Ltmp0, $4  }
0x10: {  	s31 =	sshrl.u32 s12, $0x3;
	s12 =	sshrl.u32 s15, $0x3;
	s15 =	simm.s32 $0x80  }
0x11: {  	s24 =	sadd.s32 s24, s25;
	s25 =	simm.s32 $0x0;
	s11 =	sadd.s32 $0x280, s31  }
0x12: {  	s7 =	sadd.s32 s9, s31;
	s8 =	sadd.s32 s10, s31;
	s9 =	sadd.s32 s9, s11  }
0x13: {  	s10 =	sadd.s32 s10, s11;
	s11 =	smax.u32 s14, $0x1;
	s14 =	simm.s32 $0x1400  }
.LBB2_7:
0x14: {  	_ =	swait.ge [sflag:s23], $0x4000  }
0x15: {  	s25 =	sadd.s32 $0x1, s25;
	[sflag:s23] =	ssyncset.done $0x0  }
0x16: {  	p0 =	sne.s32 s25, s11;
	[sflag:s23] =	ssyncadd.s32 $0xFFFFC000  }
.Ltmp1:
0x17: {  	[bflag:$0x0] =	sbarrier.arrive $0xFFFF;
	(pc) =	sbr.rel @!p0 .LBB2_8-.Ltmp1, $4  }
0x18: {  	[hbm:s24], [sflag:s6] =	dma.local [spmem:s12], $0x2800  }
0x19: {  	_ =	swait.ge [sflag:s13], $0x2800  }
0x1a: {  	[sflag:s13] =	ssyncset.done $0x0  }
0x1b: {  	[sflag:s13] =	ssyncadd.s32 $0xFFFFD800  }
.LBB2_1:
0x1c: {  	[spmem:s12], [sflag:s6] =	dma.local [hbm:s5], $0x2800  }
0x1d: {  	_ =	swait.ge [sflag:s13], $0x2800  }
0x1e: {  	[sflag:s13] =	ssyncset.done $0x0  }
0x1f: {  	[sflag:s13] =	ssyncadd.s32 $0xFFFFD800  }
0x20: {  	[bflag:$0x0] =	sbarrier.arrive $0xFFFF  }
0x21: {  	[tilespmem:s4], [sflag:$0x5] =	stream.linear.gather [hbm4b:s7+s4], $0x1400, $0x38;
	[tilespmem:$0x1E800] =	vst v63  }
0x22: {  	_ =	swait.ge [sflag:s13], $0x1400  }
0x23: {  	[sflag:s13] =	ssyncset.done $0x0  }
0x24: {  	[sflag:s13] =	ssyncadd.s32 $0xFFFFEC00  }
0x25: {  	[tilespmem:s14], [sflag:$0x5] =	stream.linear.gather [hbm4b:s8+s4], $0x1400, $0x38;
	[tilespmem:$0x1E800] =	vst v63  }
0x26: {  	_ =	swait.ge [sflag:s13], $0x1400  }
0x27: {  	[sflag:s13] =	ssyncset.done $0x0  }
0x28: {  	[sflag:s13] =	ssyncadd.s32 $0xFFFFEC00  }
0x29: {  	[tilespmem:s16], [sflag:$0x1] =	stream.indirect.gather [hbm4b:s1+s15], $0x80, s4, s15, $0xb8;
	[tilespmem:$0x1E800] =	vst v63  }
0x2a: {  	_ =	swait.ge [sflag:s17], $0x4000  }
0x2b: {  	[sflag:s17] =	ssyncset.done $0x0  }
0x2c: {  	[sflag:s17] =	ssyncadd.s32 $0xFFFFC000  }
0x2d: {  	[spmem:s3] =	stream.indirect.scatter.add.f32 [tilespmem:s16], [sflag:$0x3], $0x80, s14, s15, $0xb8;
	[tilespmem:$0x1E800] =	vst v63  }
0x2e: {  	_ = 	snop  }
0x2f: {  	[tilespmem:s18], [sflag:$0x2] =	stream.indirect.gather [hbm4b:s1+s15], $0x80, s15, s15, $0xb8;
	[tilespmem:$0x1E800] =	vst v63  }
0x30: {  	_ =	swait.ge [sflag:s19], $0x4000  }
0x31: {  	[sflag:s19] =	ssyncset.done $0x0  }
0x32: {  	[sflag:s19] =	ssyncadd.s32 $0xFFFFC000  }
0x33: {  	[spmem:s3] =	stream.indirect.scatter.add.f32 [tilespmem:s18], [sflag:$0x4], $0x80, s20, s15, $0xb8;
	[tilespmem:$0x1E800] =	vst v63  }
0x34: {  	_ =	swait.ge [sflag:s21], $0x4000  }
0x35: {  	[sflag:s21] =	ssyncset.done $0x0  }
0x36: {  	s26 =	simm.s32 $0xFFFFB800;
	[sflag:s21] =	ssyncadd.s32 $0xFFFFC000  }
0x37: {  	[tilespmem:s16], [sflag:$0x1] =	stream.indirect.gather [hbm4b:s1+s15], $0x80, s22, s15, $0xb8;
	[tilespmem:$0x1E800] =	vst v63  }
.LBB2_2:
0x38: {  	_ =	swait.ge [sflag:s17], $0x4000  }
0x39: {  	s28 =	sshra.s32 s26, $0x2;
	[sflag:s17] =	ssyncset.done $0x0  }
0x3a: {  	s29 =	sadd.s32 $0x2700, s28;
	[sflag:s17] =	ssyncadd.s32 $0xFFFFC000  }
0x3b: {  	[spmem:s3] =	stream.indirect.scatter.add.f32 [tilespmem:s16], [sflag:$0x3], $0x80, s29, s15, $0xb8;
	[tilespmem:$0x1E800] =	vst v63  }
0x3c: {  	_ =	swait.ge [sflag:s23], $0x4000  }
0x3d: {  	[sflag:s23] =	ssyncset.done $0x0  }
0x3e: {  	s30 =	sadd.s32 $0x1380, s28;
	[sflag:s23] =	ssyncadd.s32 $0xFFFFC000  }
0x3f: {  	[tilespmem:s18], [sflag:$0x2] =	stream.indirect.gather [hbm4b:s1+s15], $0x80, s30, s15, $0xb8;
	[tilespmem:$0x1E800] =	vst v63  }
0x40: {  	_ =	swait.ge [sflag:s19], $0x4000  }
0x41: {  	p0 =	seq.s32 s26, $0x0;
	[sflag:s19] =	ssyncset.done $0x0  }
.Ltmp2:
0x42: {  	s31 =	sadd.s32 $0x2780, s28;
	[sflag:s19] =	ssyncadd.s32 $0xFFFFC000;
	(pc) =	sbr.rel @p0 .LBB2_4-.Ltmp2, $4  }
0x43: {  	[spmem:s3] =	stream.indirect.scatter.add.f32 [tilespmem:s18], [sflag:$0x4], $0x80, s31, s15, $0xb8;
	[tilespmem:$0x1E800] =	vst v63  }
0x44: {  	_ =	swait.ge [sflag:s21], $0x4000  }
0x45: {  	[sflag:s21] =	ssyncset.done $0x0  }
0x46: {  	[sflag:s21] =	ssyncadd.s32 $0xFFFFC000  }
.Ltmp3:
0x47: {  	(pc) =	sbr.rel .LBB2_2-.Ltmp3, $3  }
0x48: {  	_ =	sdelay $0x1  }
0x49: {  	s28 =	sadd.s32 $0x1400, s28;
	s26 =	sadd.s32 $0x400, s26  }
0x4a: {  	[tilespmem:s16], [sflag:$0x1] =	stream.indirect.gather [hbm4b:s1+s15], $0x80, s28, s15, $0xb8;
	[tilespmem:$0x1E800] =	vst v63  }
.LBB2_4:
0x4b: {  	_ =	swait.ge [sflag:s23], $0x4000  }
0x4c: {  	[sflag:s23] =	ssyncset.done $0x0  }
0x4d: {  	[sflag:s23] =	ssyncadd.s32 $0xFFFFC000  }
0x4e: {  	[tilespmem:s4], [sflag:$0x5] =	stream.linear.gather [hbm4b:s9+s4], $0x1400, $0x38;
	[tilespmem:$0x1E800] =	vst v63  }
0x4f: {  	_ =	swait.ge [sflag:s13], $0x1400  }
0x50: {  	[sflag:s13] =	ssyncset.done $0x0  }
0x51: {  	[sflag:s13] =	ssyncadd.s32 $0xFFFFEC00  }
0x52: {  	[tilespmem:s14], [sflag:$0x5] =	stream.linear.gather [hbm4b:s10+s4], $0x1400, $0x38;
	[tilespmem:$0x1E800] =	vst v63  }
0x53: {  	_ =	swait.ge [sflag:s13], $0x1400  }
0x54: {  	[sflag:s13] =	ssyncset.done $0x0  }
0x55: {  	[sflag:s13] =	ssyncadd.s32 $0xFFFFEC00  }
0x56: {  	[tilespmem:s16], [sflag:$0x1] =	stream.indirect.gather [hbm4b:s1+s15], $0x80, s4, s15, $0xb8;
	[tilespmem:$0x1E800] =	vst v63  }
0x57: {  	_ =	swait.ge [sflag:s17], $0x4000  }
0x58: {  	[sflag:s17] =	ssyncset.done $0x0  }
0x59: {  	[sflag:s17] =	ssyncadd.s32 $0xFFFFC000  }
0x5a: {  	[spmem:s3] =	stream.indirect.scatter.add.f32 [tilespmem:s16], [sflag:$0x3], $0x80, s14, s15, $0xb8;
	[tilespmem:$0x1E800] =	vst v63  }
0x5b: {  	_ = 	snop  }
0x5c: {  	[tilespmem:s18], [sflag:$0x2] =	stream.indirect.gather [hbm4b:s1+s15], $0x80, s15, s15, $0xb8;
	[tilespmem:$0x1E800] =	vst v63  }
0x5d: {  	_ =	swait.ge [sflag:s19], $0x4000  }
0x5e: {  	[sflag:s19] =	ssyncset.done $0x0  }
0x5f: {  	[sflag:s19] =	ssyncadd.s32 $0xFFFFC000  }
0x60: {  	[spmem:s3] =	stream.indirect.scatter.add.f32 [tilespmem:s18], [sflag:$0x4], $0x80, s20, s15, $0xb8;
	[tilespmem:$0x1E800] =	vst v63  }
0x61: {  	_ =	swait.ge [sflag:s21], $0x4000  }
0x62: {  	[sflag:s21] =	ssyncset.done $0x0  }
0x63: {  	s26 =	simm.s32 $0xFFFFB800;
	[sflag:s21] =	ssyncadd.s32 $0xFFFFC000  }
0x64: {  	[tilespmem:s16], [sflag:$0x1] =	stream.indirect.gather [hbm4b:s1+s15], $0x80, s22, s15, $0xb8;
	[tilespmem:$0x1E800] =	vst v63  }
.LBB2_5:
0x65: {  	_ =	swait.ge [sflag:s17], $0x4000  }
0x66: {  	s28 =	sshra.s32 s26, $0x2;
	[sflag:s17] =	ssyncset.done $0x0  }
0x67: {  	s29 =	sadd.s32 $0x2700, s28;
	[sflag:s17] =	ssyncadd.s32 $0xFFFFC000  }
0x68: {  	[spmem:s3] =	stream.indirect.scatter.add.f32 [tilespmem:s16], [sflag:$0x3], $0x80, s29, s15, $0xb8;
	[tilespmem:$0x1E800] =	vst v63  }
0x69: {  	_ =	swait.ge [sflag:s23], $0x4000  }
0x6a: {  	[sflag:s23] =	ssyncset.done $0x0  }
0x6b: {  	s30 =	sadd.s32 $0x1380, s28;
	[sflag:s23] =	ssyncadd.s32 $0xFFFFC000  }
0x6c: {  	[tilespmem:s18], [sflag:$0x2] =	stream.indirect.gather [hbm4b:s1+s15], $0x80, s30, s15, $0xb8;
	[tilespmem:$0x1E800] =	vst v63  }
0x6d: {  	_ =	swait.ge [sflag:s19], $0x4000  }
0x6e: {  	p0 =	seq.s32 s26, $0x0;
	[sflag:s19] =	ssyncset.done $0x0  }
.Ltmp4:
0x6f: {  	s31 =	sadd.s32 $0x2780, s28;
	[sflag:s19] =	ssyncadd.s32 $0xFFFFC000;
	(pc) =	sbr.rel @p0 .LBB2_7-.Ltmp4, $4  }
0x70: {  	[spmem:s3] =	stream.indirect.scatter.add.f32 [tilespmem:s18], [sflag:$0x4], $0x80, s31, s15, $0xb8;
	[tilespmem:$0x1E800] =	vst v63  }
0x71: {  	_ =	swait.ge [sflag:s21], $0x4000  }
0x72: {  	[sflag:s21] =	ssyncset.done $0x0  }
0x73: {  	[sflag:s21] =	ssyncadd.s32 $0xFFFFC000  }
.Ltmp5:
0x74: {  	(pc) =	sbr.rel .LBB2_5-.Ltmp5, $3  }
0x75: {  	_ =	sdelay $0x1  }
0x76: {  	s28 =	sadd.s32 $0x1400, s28;
	s26 =	sadd.s32 $0x400, s26  }
0x77: {  	[tilespmem:s16], [sflag:$0x1] =	stream.indirect.gather [hbm4b:s1+s15], $0x80, s28, s15, $0xb8;
	[tilespmem:$0x1E800] =	vst v63  }
.LBB2_8:
0x78: {  	_ =	sfence.sel $0x180000  }
0x79: {  	[bflag:$0x0] =	sbarrier.arrive $0xFFFF  }
0x7a: {  	p0 =	sne.s32 s2, $0x0;
	_ =	strace $0x9000004D  }
0x7b: {  	s0 =	sadd.s32 @!p0 $0x100000, s0;
	[bflag:$0x2] =	sbarrier.arrive $0xFFFF  }
0x7c: {  	[sflag:s0] =	ssyncadd.tile.s32 @!p0 $0x1;
	_ =	shalt  }
.Lfunc_end2:
_tile_overlayer_lowered:
.L_overlay_start_2:
0x7d: {  	(tag) =	ssettag $0x2  }
0x7e: {  	s0 =	rddreg [dreg:$0x0];
	s2 =	stileid.u32  }
0x7f: {  	s1 =	rddreg [dreg:$0x1];
	p0 =	sne.s32 s2, $0x0  }
0x80: {  	s3 =	rddreg [dreg:$0x2];
	[bflag:$0x3] =	sbarrier.arrive $0xFFFF;
	s2 =	simm.s32 @!p0 $0x1C05  }
0x81: {  	[timem:s3], [sflag:s2] =	dma.local @!p0 [hbm:s0], s1  }
0x82: {  	s0 =	simm.s32 @!p0 $0x5  }
0x83: {  	_ =	swait.ge @!p0 [sflag:s0], s1  }
0x84: {  	s1 =	ssub.s32 @!p0 $0x0, s1;
	[sflag:s0] =	ssyncset.done @!p0 $0x0  }
0x85: {  	[sflag:s0] =	ssyncadd.s32 @!p0 s1  }
0x86: {  	[bflag:$0x3] =	sbarrier.arrive $0xFFFF  }
0x87: {  	_ =	shalt  }

// kernel: kernel.8.cloned.1.call-start
scs
__scs_entry_jumppad:
0x0: {  	(pc) =	sbr.rel $0x88, $3  }
0x1: {  	(tag) =	ssettag $0x0;
	lr =	simm.s32 $0x1  }
0x2: {  	[smem:$0x3F96] =	sst lr;
	_ =	strace $0xD0000000  }
0x3: {  	_ = 	snop  }
0x4: {  	_ = 	snop  }
0x5: {  	_ = 	snop  }
0x6: {  	_ = 	snop  }
0x7: {  	_ = 	snop  }
__scs_overlays_trampoline_lowered:
0x8: {  	[smem:$0x3FA5] =	sst s0  }
0x9: {  	[smem:$0x3FA6] =	sst s1  }
0xa: {  	[smem:$0x3FA7] =	sst s2  }
0xb: {  	[smem:$0x3FA8] =	sst s3  }
0xc: {  	[smem:$0x3FA9] =	sst s4  }
0xd: {  	[smem:$0x3FAA] =	sst s5  }
0xe: {  	[smem:$0x3FAB] =	sst s6  }
0xf: {  	[smem:$0x3FAC] =	sst s7  }
0x10: {  	[smem:$0x3FAD] =	sst s8  }
0x11: {  	[smem:$0x3FAE] =	sst s9;
	s0 =	simm.s32 @!p0 $0x0  }
0x12: {  	s1 =	sld [smem:$0x3F94];
	s0 =	simm.s32 @p0 $0x1  }
0x13: {  	[smem:$0x3FAF] =	sst s0;
	s0 =	simm.s32 @!p1 $0x0  }
0x14: {  	s2 =	sld [smem:$0x3F93];
	s0 =	simm.s32 @p1 $0x1  }
0x15: {  	[smem:$0x3FB0] =	sst s0;
	s0 =	simm.s32 @!p2 $0x0  }
0x16: {  	s3 =	sld [smem:$0x3FDB];
	s0 =	simm.s32 @p2 $0x1  }
0x17: {  	s4 =	simm.s32 $0x1BF5;
	[smem:$0x3FB2] =	sst s0  }
0x18: {  	s0 =	sld [smem:$0x3F95];
	_ =	swait.ge [sflag:s4], $0x0  }
0x19: {  	s7 =	sld [smem:$0x3F96]  }
0x1a: {  	s8 =	sadd.s32 $0xFFFFE003, lr  }
0x1b: {  	s9 =	sadd.s32 $0xFFFFFEF7, lr;
	s5 =	simm.s32 $0xFFFFFFFF;
	p2 =	slt.u32 s8, $0xFFFFF086  }
0x1c: {  	p1 =	slt.u32 s9, $0xF7A;
	s5 =	simm.s32 @!p2 $0x0  }
0x1d: {  	s5 =	simm.s32 @p1 $0x1;
	p0 =	seq.s32 s7, s2  }
0x1e: {  	s7 =	smul.u32 @!p0 $0xF7A, s2;
	p2 =	seq.s32 @!p0 s5, $0x0  }
0x1f: {  	s9 =	smul.u32 $0xF7A, s1;
	s8 =	simm.s32 @!p0 $0x1BF5;
	p2 =	por !p2, p0  }
0x20: {  	[sflag:s8] =	ssyncset.s32 @!p0 $0xFFFFF086;
	s6 =	sadd.s32 @!p0 s3, s7;
	s7 =	simm.s32 @!p0 $0x108  }
0x21: {  	s3 =	sadd.s32 s3, s9;
	s6 =	sadd.s32 @!p0 $0x88, s6;
	s7 =	simm.s32 @p2 $0x1082  }
0x22: {  	[simem:s7], [sflag:s8] =	dma.local @!p0 [hbm:s6], $0xF7A  }
0x23: {  	s9 =	sor.u32 $0xD0000000, s2;
	s6 =	simm.s32 $0x108;
	_ =	swait.ge @!p0 [sflag:s8], $0x0  }
0x24: {  	s3 =	sadd.s32 $0x88, s3;
	s6 =	simm.s32 @!p1 $0x1082;
	[sflag:s4] =	ssyncset.s32 $0xFFFFF086  }
0x25: {  	[simem:s6], [sflag:s4] =	dma.local [hbm:s3], $0xF7A  }
0x26: {  	[smem:$0x3F96] =	sst s1;
	(tag) =	ssettag s2;
	_ =	strace s9  }
0x27: {  	s1 =	sld [smem:$0x3FA6]  }
0x28: {  	s2 =	sld [smem:$0x3FA7]  }
0x29: {  	s4 =	sld [smem:$0x3FA9]  }
0x2a: {  	p0 =	seq.s32 s5, $0x0;
	s5 =	sld [smem:$0x3FAA]  }
0x2b: {  	s6 =	sld [smem:$0x3FAB]  }
0x2c: {  	s7 =	sld [smem:$0x3FAC]  }
0x2d: {  	s3 =	simm.s32 $0x108;
	s8 =	sld [smem:$0x3FAD]  }
0x2e: {  	s3 =	simm.s32 @!p0 $0x1082;
	s9 =	sld [smem:$0x3FAE]  }
0x2f: {  	lr =	sadd.s32 s0, s3;
	s0 =	sld [smem:$0x3FA5]  }
0x30: {  	s3 =	sld [smem:$0x3FA8]  }
0x31: {  	[smem:$0x3FB1] =	sst s10  }
0x32: {  	s10 =	sld [smem:$0x3FAF];
	_ =	sdelay $0x3  }
0x33: {  	p0 =	seq.s32 s10, $0x1;
	s10 =	sld [smem:$0x3FB1];
	_ =	sdelay $0x3  }
0x34: {  	[smem:$0x3FB1] =	sst s10  }
0x35: {  	s10 =	sld [smem:$0x3FB0];
	_ =	sdelay $0x3  }
0x36: {  	p1 =	seq.s32 s10, $0x1;
	s10 =	sld [smem:$0x3FB1];
	_ =	sdelay $0x3  }
0x37: {  	[smem:$0x3FB1] =	sst s10  }
0x38: {  	s10 =	sld [smem:$0x3FB2]  }
0x39: {  	_ = 	snop;
	(pc) =	sbr.ind lr, $3  }
0x3a: {  	_ = 	snop  }
0x3b: {  	_ = 	snop  }
0x3c: {  	p2 =	seq.s32 s10, $0x1;
	s10 =	sld [smem:$0x3FB1]  }
0x3d: {  	_ =	shalt  }
0x3e: {  	_ =	shalt  }
0x3f: {  	_ =	shalt  }
0x40: {  	_ =	shalt  }
0x41: {  	_ =	shalt  }
0x42: {  	_ =	shalt  }
0x43: {  	_ =	shalt  }
0x44: {  	_ =	shalt  }
0x45: {  	_ =	shalt  }
0x46: {  	_ =	shalt  }
0x47: {  	_ =	shalt  }
0x48: {  	_ =	shalt  }
0x49: {  	_ =	shalt  }
0x4a: {  	_ =	shalt  }
0x4b: {  	_ =	shalt  }
0x4c: {  	_ =	shalt  }
0x4d: {  	_ =	shalt  }
0x4e: {  	_ =	shalt  }
0x4f: {  	_ =	shalt  }
0x50: {  	_ =	shalt  }
0x51: {  	_ =	shalt  }
0x52: {  	_ =	shalt  }
0x53: {  	_ =	shalt  }
0x54: {  	_ =	shalt  }
0x55: {  	_ =	shalt  }
0x56: {  	_ =	shalt  }
0x57: {  	_ =	shalt  }
0x58: {  	_ =	shalt  }
0x59: {  	_ =	shalt  }
0x5a: {  	_ =	shalt  }
0x5b: {  	_ =	shalt  }
0x5c: {  	_ =	shalt  }
0x5d: {  	_ =	shalt  }
0x5e: {  	_ =	shalt  }
0x5f: {  	_ =	shalt  }
0x60: {  	_ =	shalt  }
0x61: {  	_ =	shalt  }
0x62: {  	_ =	shalt  }
0x63: {  	_ =	shalt  }
0x64: {  	_ =	shalt  }
0x65: {  	_ =	shalt  }
0x66: {  	_ =	shalt  }
0x67: {  	_ =	shalt  }
0x68: {  	_ =	shalt  }
0x69: {  	_ =	shalt  }
0x6a: {  	_ =	shalt  }
0x6b: {  	_ =	shalt  }
0x6c: {  	_ =	shalt  }
0x6d: {  	_ =	shalt  }
0x6e: {  	_ =	shalt  }
0x6f: {  	_ =	shalt  }
0x70: {  	_ =	shalt  }
0x71: {  	_ =	shalt  }
0x72: {  	_ =	shalt  }
0x73: {  	_ =	shalt  }
0x74: {  	_ =	shalt  }
0x75: {  	_ =	shalt  }
0x76: {  	_ =	shalt  }
0x77: {  	_ =	shalt  }
0x78: {  	_ =	shalt  }
0x79: {  	_ =	shalt  }
0x7a: {  	_ =	shalt  }
0x7b: {  	_ =	shalt  }
0x7c: {  	_ =	shalt  }
0x7d: {  	_ =	shalt  }
0x7e: {  	_ =	shalt  }
0x7f: {  	_ =	shalt  }
0x80: {  	_ =	shalt  }
0x81: {  	_ =	shalt  }
0x82: {  	_ =	shalt  }
0x83: {  	_ =	shalt  }
0x84: {  	_ =	shalt  }
0x85: {  	_ =	shalt  }
0x86: {  	_ =	shalt  }
0x87: {  	_ =	shalt  }
.Lfunc_end0:
.L_simem_size_0:
called_computation_lowered:
.L_overlay_start_0:
0x88: {  	s2 =	sld [smem:$0x3FD9]  }
0x89: {  	s3 =	sld [smem:$0x3FFE];
	_ =	sdelay $0x1  }
0x8a: {  	s1 =	srdreg.scid  }
0x8b: {  	s0 =	sand.u32 $0x1, s1  }
0x8c: {  	s17 =	sshll.u32 s0, $0xA;
	s2 =	sadd.s32 s3, s2  }
0x8d: {  	s2 =	sadd.s32 s2, s17  }
0x8e: {  	[smem:$0x3FBD] =	sst s2  }
0x8f: {  	_ = 	snop  }
0x90: {  	s2 =	sld [smem:$0x3FC9]  }
0x91: {  	s18 =	sld [smem:$0x3FD0];
	(tm) =	ssettm $0x1  }
0x92: {  	s4 =	sld [smem:$0x3FFB];
	_ =	sdelay $0x3  }
0x93: {  	_ =	strace s4  }
0x94: {  	s4 =	sld [smem:$0x3FFC];
	_ =	sdelay $0x3  }
0x95: {  	_ =	strace s4  }
0x96: {  	s4 =	sld [smem:$0x3FFD];
	_ =	sdelay $0x3  }
0x97: {  	_ =	strace s4  }
0x98: {  	_ =	strace $0x8FFFFFFF  }
0x99: {  	s19 =	sld [smem:$0x3FDB];
	_ =	sdelay $0x1  }
0x9a: {  	s5 =	simm.s32 $_scs_section_size  }
0x9b: {  	s6 =	simm.s32 $_size__tile_overlayer_lowered;
	s7 =	simm.s32 $_tile_overlayer_lowered  }
0x9c: {  	s22 =	simm.s32 $0x1BFF;
	s21 =	sshll.u32 s7, $0x1;
	s4 =	sadd.s32 s5, s19  }
0x9d: {  	s8 =	simm.s32 $0x0;
	s20 =	sshll.u32 s6, $0x1;
	s6 =	sadd.s32 s21, s4  }
0x9e: {  	[timem:s8], [sflag:s22] =	dma.local [hbm:s6], s20  }
0x9f: {  	_ =	swait.ge [sflag:s22], s20  }
0xa0: {  	s5 =	ssub.s32 $0x0, s20;
	[sflag:s22] =	ssyncset.done $0x0  }
0xa1: {  	[sflag:s22] =	ssyncadd.s32 s5;
	_ =	sdelay $0x1  }
0xa2: {  	s23 =	simm.s32 $0x1B8B  }
0xa3: {  	_ =	swait.ge [sflag:s23], $0x1  }
0xa4: {  	[sflag:s23] =	ssyncset.done $0x0  }
0xa5: {  	s25 =	simm.s32 $0x1B8E;
	s24 =	sld [smem:$0x3FFE];
	[sflag:s23] =	ssyncadd.s32 $0xFFFFFFFF  }
0xa6: {  	s26 =	simm.s32 $execute0_lowered;
	[smem:$0x3FD2] =	sst s25  }
0xa7: {  	s6 =	sshll.u32 s26, $0x1;
	_ =	strace $0x80000046;
	[dreg:$0x1] =	wrdreg $0xFFFFFFFF  }
0xa8: {  	s28 =	simm.s32 $_size_execute0_lowered;
	s4 =	sadd.s32 s4, s6;
	[dreg:$0x0] =	wrdreg $0x0  }
0xa9: {  	s6 =	sshll.u32 s28, $0x1;
	[dreg:$0x2] =	wrdreg s4  }
0xaa: {  	[dreg:$0x3] =	wrdreg s6  }
0xab: {  	[dreg:$0x4] =	wrdreg $0xC0  }
0xac: {  	_ =	task [dreg:s8], $0x5FFFF  }
0xad: {  	[dreg:$0x1] =	wrdreg $0xFFFFFFFF  }
0xae: {  	[dreg:$0x0] =	wrdreg $0x60  }
0xaf: {  	[dreg:$0x2] =	wrdreg s2  }
0xb0: {  	[dreg:$0x3] =	wrdreg s24  }
0xb1: {  	[dreg:$0x4] =	wrdreg s18  }
0xb2: {  	[dreg:$0x5] =	wrdreg $0xA8000  }
0xb3: {  	[dreg:$0x6] =	wrdreg $0x9  }
0xb4: {  	_ =	task.clear_ibuf [dreg:s8], $0x7FFFF;
	_ =	strace $0x90000046  }
0xb5: {  	s29 =	simm.s32 $0x9;
	_ =	strace $0x80000048  }
0xb6: {  	_ =	swait.ge [sflag:s29], $0x1  }
0xb7: {  	[sflag:s29] =	ssyncadd.s32 $0xFFFFFFFF  }
0xb8: {  	_ =	strace $0x90000048  }
0xb9: {  	_ =	sfence  }
0xba: {  	s30 =	sld [smem:$0x0];
	_ =	sdelay $0x2  }
0xbb: {  	s31 =	sshll.u32 s1, $0xD;
	s1 =	sshrl.u32 s1, $0x2  }
0xbc: {  	s3 =	sand.u32 $0x4000, s31;
	s1 =	sadd.s32 s1, s30  }
0xbd: {  	s0 =	sor.u32 s3, s0;
	s1 =	sshll.u32 s1, $0x11  }
0xbe: {  	s0 =	sor.u32 s1, s0  }
0xbf: {  	s0 =	sadd.s32 $0x8F2B, s0  }
0xc0: {  	[sflag:s0] =	ssyncadd.remote.s32 $0x1  }
0xc1: {  	_ =	sfence.sel $0xFFFF  }
0xc2: {  	[dreg:$0x0] =	wrdreg $0xFFFFFFFF;
	(pc) =	sbr.abs _section_cstart, $3  }
0xc3: {  	[dreg:$0x1] =	wrdreg $0xFFFFFFFF  }
0xc4: {  	_ =	task.clear_ibuf [dreg:s8], $0x2FFFF;
	_ =	strace $0x9FFFFFFF  }
0xc5: {  	(tm) =	ssettm $0x7FFFFFFF  }
tec
execute0_lowered:
.L_overlay_start_1:
0x0: {  	(tag) =	ssettag $0x1  }
0x1: {  	s1 =	rddreg [dreg:$0x0]  }
0x2: {  	s0 =	rddreg [dreg:$0x1]  }
0x3: {  	s2 =	rddreg [dreg:$0x2]  }
0x4: {  	s3 =	rddreg [dreg:$0x3];
	s5 =	simm.s32 $0x0;
	s4 =	stileid.u32  }
0x5: {  	s6 =	srdreg.scid;
	s15 =	simm.s32 $0x1400;
	s16 =	simm.s32 $0x80  }
0x6: {  	s17 =	simm.s32 $0x2800;
	s18 =	simm.s32 $0x1;
	s19 =	simm.s32 $0x6800  }
0x7: {  	s20 =	simm.s32 $0x2;
	s21 =	simm.s32 $0x1480;
	s22 =	simm.s32 $0x3  }
0x8: {  	s28 =	simm.s32 $0x1500;
	s29 =	simm.s32 $0x1580;
	s30 =	simm.s32 $0x0  }
0x9: {  	[smem:$0x7FF] =	sst s5;
	s10 =	sadd.s32 $0xD400, s0;
	s24 =	smul.u32 $0x2800, s4  }
0xa: {  	s6 =	sand.u32 $0x1, s6;
	s11 =	sadd.s32 $0x3400, s0;
	s9 =	smul.u32 $0x50000, s4  }
0xb: {  	s25 =	sshll.u32 s4, $0x6;
	_ =	strace $0x80000047;
	s8 =	sshll.u32 s6, $0x4  }
0xc: {  	s7 =	smul.u32 $0x28000, s6;
	s6 =	ssub.s32 $0x2, s6;
	s8 =	sor.u32 s4, s8  }
0xd: {  	s12 =	sadd.s32 s24, s0;
	s13 =	sshrl.u32 s6, $0x1;
	s23 =	sshrl.u32 s9, $0x2  }
0xe: {  	s8 =	smul.u32 $0x2800, s8;
	s0 =	sadd.s32 s7, s0;
	s13 =	ssub.s32 s6, s13  }
0xf: {  	s14 =	sadd.s32 s23, s3;
	s6 =	sadd.s32 $0x17400, s12;
	s7 =	sor.u32 $0x1C05, s25  }
0x10: {  	s25 =	simm.s32 $0x100;
	s23 =	sadd.s32 $0x3F400, s0;
	s0 =	sadd.s32 $0x8F400, s0  }
0x11: {  	s12 =	smax.u32 s13, $0x1;
	s13 =	sshrl.u32 s14, $0x3;
	s14 =	simm.s32 $0x5  }
0x12: {  	s26 =	sshrl.u32 s8, $0x3;
	s23 =	sadd.s32 s24, s23;
	s24 =	sadd.s32 s24, s0  }
0x13: {  	s31 =	sadd.s32 $0x280, s26;
	s8 =	sadd.s32 s10, s26;
	s9 =	sadd.s32 s11, s26  }
0x14: {  	s26 =	simm.s32 $0x4;
	s10 =	sadd.s32 s10, s31;
	s11 =	sadd.s32 s11, s31  }
.LBB2_1:
0x15: {  	[spmem:s13], [sflag:s7] =	dma.local [hbm:s6], $0x2800  }
0x16: {  	_ =	swait.ge [sflag:s14], $0x2800  }
0x17: {  	[sflag:s14] =	ssyncset.done $0x0  }
0x18: {  	[sflag:s14] =	ssyncadd.s32 $0xFFFFD800  }
0x19: {  	[bflag:$0x0] =	sbarrier.arrive $0xFFFF  }
0x1a: {  	[tilespmem:s5], [sflag:$0x5] =	stream.linear.gather [hbm4b:s8+s5], $0x1400, $0x38;
	[tilespmem:$0x1E800] =	vst v63  }
0x1b: {  	_ =	swait.ge [sflag:s14], $0x1400  }
0x1c: {  	[sflag:s14] =	ssyncset.done $0x0  }
0x1d: {  	[sflag:s14] =	ssyncadd.s32 $0xFFFFEC00  }
0x1e: {  	[tilespmem:s15], [sflag:$0x5] =	stream.linear.gather [hbm4b:s9+s5], $0x1400, $0x38;
	[tilespmem:$0x1E800] =	vst v63  }
0x1f: {  	_ =	swait.ge [sflag:s14], $0x1400  }
0x20: {  	[sflag:s14] =	ssyncset.done $0x0  }
0x21: {  	[sflag:s14] =	ssyncadd.s32 $0xFFFFEC00  }
0x22: {  	[tilespmem:s17], [sflag:$0x1] =	stream.indirect.gather [hbm4b:s1+s16], $0x80, s5, s16, $0xb8;
	[tilespmem:$0x1E800] =	vst v63  }
0x23: {  	_ =	swait.ge [sflag:s18], $0x4000  }
0x24: {  	[sflag:s18] =	ssyncset.done $0x0  }
0x25: {  	[sflag:s18] =	ssyncadd.s32 $0xFFFFC000  }
0x26: {  	[spmem:s3] =	stream.indirect.scatter.add.f32 [tilespmem:s17], [sflag:$0x3], $0x80, s15, s16, $0xb8;
	[tilespmem:$0x1E800] =	vst v63  }
0x27: {  	_ = 	snop  }
0x28: {  	[tilespmem:s19], [sflag:$0x2] =	stream.indirect.gather [hbm4b:s1+s16], $0x80, s16, s16, $0xb8;
	[tilespmem:$0x1E800] =	vst v63  }
0x29: {  	_ =	swait.ge [sflag:s20], $0x4000  }
0x2a: {  	[sflag:s20] =	ssyncset.done $0x0  }
0x2b: {  	[sflag:s20] =	ssyncadd.s32 $0xFFFFC000  }
0x2c: {  	[spmem:s3] =	stream.indirect.scatter.add.f32 [tilespmem:s19], [sflag:$0x4], $0x80, s21, s16, $0xb8;
	[tilespmem:$0x1E800] =	vst v63  }
0x2d: {  	_ =	swait.ge [sflag:s22], $0x4000  }
0x2e: {  	[sflag:s22] =	ssyncset.done $0x0  }
0x2f: {  	s31 =	simm.s32 $0xFFFFB800;
	[sflag:s22] =	ssyncadd.s32 $0xFFFFC000  }
0x30: {  	[tilespmem:s17], [sflag:$0x1] =	stream.indirect.gather [hbm4b:s1+s16], $0x80, s25, s16, $0xb8;
	[tilespmem:$0x1E800] =	vst v63  }
.LBB2_2:
0x31: {  	_ =	swait.ge [sflag:s18], $0x4000  }
0x32: {  	s0 =	sshra.s32 s31, $0x2;
	[sflag:s18] =	ssyncset.done $0x0  }
0x33: {  	s4 =	sadd.s32 $0x2700, s0;
	[sflag:s18] =	ssyncadd.s32 $0xFFFFC000  }
0x34: {  	[spmem:s3] =	stream.indirect.scatter.add.f32 [tilespmem:s17], [sflag:$0x3], $0x80, s4, s16, $0xb8;
	[tilespmem:$0x1E800] =	vst v63  }
0x35: {  	_ =	swait.ge [sflag:s26], $0x4000  }
0x36: {  	[sflag:s26] =	ssyncset.done $0x0  }
0x37: {  	s4 =	sadd.s32 $0x1380, s0;
	[sflag:s26] =	ssyncadd.s32 $0xFFFFC000  }
0x38: {  	[tilespmem:s19], [sflag:$0x2] =	stream.indirect.gather [hbm4b:s1+s16], $0x80, s4, s16, $0xb8;
	[tilespmem:$0x1E800] =	vst v63  }
0x39: {  	_ =	swait.ge [sflag:s20], $0x4000  }
0x3a: {  	p0 =	seq.s32 s31, $0x0;
	[sflag:s20] =	ssyncset.done $0x0  }
.Ltmp0:
0x3b: {  	s4 =	sadd.s32 $0x2780, s0;
	[sflag:s20] =	ssyncadd.s32 $0xFFFFC000;
	(pc) =	sbr.rel @p0 .LBB2_4-.Ltmp0, $4  }
0x3c: {  	[spmem:s3] =	stream.indirect.scatter.add.f32 [tilespmem:s19], [sflag:$0x4], $0x80, s4, s16, $0xb8;
	[tilespmem:$0x1E800] =	vst v63  }
0x3d: {  	_ =	swait.ge [sflag:s22], $0x4000  }
0x3e: {  	[sflag:s22] =	ssyncset.done $0x0  }
0x3f: {  	[sflag:s22] =	ssyncadd.s32 $0xFFFFC000  }
.Ltmp1:
0x40: {  	(pc) =	sbr.rel .LBB2_2-.Ltmp1, $3  }
0x41: {  	_ =	sdelay $0x1  }
0x42: {  	s0 =	sadd.s32 $0x1400, s0;
	s31 =	sadd.s32 $0x400, s31  }
0x43: {  	[tilespmem:s17], [sflag:$0x1] =	stream.indirect.gather [hbm4b:s1+s16], $0x80, s0, s16, $0xb8;
	[tilespmem:$0x1E800] =	vst v63  }
.LBB2_4:
0x44: {  	_ =	swait.ge [sflag:s26], $0x4000  }
0x45: {  	[sflag:s26] =	ssyncset.done $0x0  }
0x46: {  	[sflag:s26] =	ssyncadd.s32 $0xFFFFC000  }
0x47: {  	[tilespmem:s5], [sflag:$0x5] =	stream.linear.gather [hbm4b:s10+s5], $0x1400, $0x38;
	[tilespmem:$0x1E800] =	vst v63  }
0x48: {  	_ =	swait.ge [sflag:s14], $0x1400  }
0x49: {  	[sflag:s14] =	ssyncset.done $0x0  }
0x4a: {  	[sflag:s14] =	ssyncadd.s32 $0xFFFFEC00  }
0x4b: {  	[tilespmem:s15], [sflag:$0x5] =	stream.linear.gather [hbm4b:s11+s5], $0x1400, $0x38;
	[tilespmem:$0x1E800] =	vst v63  }
0x4c: {  	_ =	swait.ge [sflag:s14], $0x1400  }
0x4d: {  	[sflag:s14] =	ssyncset.done $0x0  }
0x4e: {  	[sflag:s14] =	ssyncadd.s32 $0xFFFFEC00  }
0x4f: {  	[tilespmem:s17], [sflag:$0x1] =	stream.indirect.gather [hbm4b:s1+s16], $0x80, s5, s16, $0xb8;
	[tilespmem:$0x1E800] =	vst v63  }
0x50: {  	_ =	swait.ge [sflag:s18], $0x4000  }
0x51: {  	[sflag:s18] =	ssyncset.done $0x0  }
0x52: {  	[sflag:s18] =	ssyncadd.s32 $0xFFFFC000  }
0x53: {  	[spmem:s3] =	stream.indirect.scatter.add.f32 [tilespmem:s17], [sflag:$0x3], $0x80, s15, s16, $0xb8;
	[tilespmem:$0x1E800] =	vst v63  }
0x54: {  	_ = 	snop  }
0x55: {  	[tilespmem:s19], [sflag:$0x2] =	stream.indirect.gather [hbm4b:s1+s16], $0x80, s16, s16, $0xb8;
	[tilespmem:$0x1E800] =	vst v63  }
0x56: {  	_ =	swait.ge [sflag:s20], $0x4000  }
0x57: {  	[sflag:s20] =	ssyncset.done $0x0  }
0x58: {  	[sflag:s20] =	ssyncadd.s32 $0xFFFFC000  }
0x59: {  	[spmem:s3] =	stream.indirect.scatter.add.f32 [tilespmem:s19], [sflag:$0x4], $0x80, s21, s16, $0xb8;
	[tilespmem:$0x1E800] =	vst v63  }
0x5a: {  	_ =	swait.ge [sflag:s22], $0x4000  }
0x5b: {  	[sflag:s22] =	ssyncset.done $0x0  }
0x5c: {  	s31 =	simm.s32 $0xFFFFB800;
	[sflag:s22] =	ssyncadd.s32 $0xFFFFC000  }
0x5d: {  	[tilespmem:s17], [sflag:$0x1] =	stream.indirect.gather [hbm4b:s1+s16], $0x80, s25, s16, $0xb8;
	[tilespmem:$0x1E800] =	vst v63  }
.LBB2_5:
0x5e: {  	_ =	swait.ge [sflag:s18], $0x4000  }
0x5f: {  	s0 =	sshra.s32 s31, $0x2;
	[sflag:s18] =	ssyncset.done $0x0  }
0x60: {  	s4 =	sadd.s32 $0x2700, s0;
	[sflag:s18] =	ssyncadd.s32 $0xFFFFC000  }
0x61: {  	[spmem:s3] =	stream.indirect.scatter.add.f32 [tilespmem:s17], [sflag:$0x3], $0x80, s4, s16, $0xb8;
	[tilespmem:$0x1E800] =	vst v63  }
0x62: {  	_ =	swait.ge [sflag:s26], $0x4000  }
0x63: {  	[sflag:s26] =	ssyncset.done $0x0  }
0x64: {  	s4 =	sadd.s32 $0x1380, s0;
	[sflag:s26] =	ssyncadd.s32 $0xFFFFC000  }
0x65: {  	[tilespmem:s19], [sflag:$0x2] =	stream.indirect.gather [hbm4b:s1+s16], $0x80, s4, s16, $0xb8;
	[tilespmem:$0x1E800] =	vst v63  }
0x66: {  	_ =	swait.ge [sflag:s20], $0x4000  }
0x67: {  	p0 =	seq.s32 s31, $0x0;
	[sflag:s20] =	ssyncset.done $0x0  }
.Ltmp2:
0x68: {  	s4 =	sadd.s32 $0x2780, s0;
	[sflag:s20] =	ssyncadd.s32 $0xFFFFC000;
	(pc) =	sbr.rel @p0 .LBB2_7-.Ltmp2, $4  }
0x69: {  	[spmem:s3] =	stream.indirect.scatter.add.f32 [tilespmem:s19], [sflag:$0x4], $0x80, s4, s16, $0xb8;
	[tilespmem:$0x1E800] =	vst v63  }
0x6a: {  	_ =	swait.ge [sflag:s22], $0x4000  }
0x6b: {  	[sflag:s22] =	ssyncset.done $0x0  }
0x6c: {  	[sflag:s22] =	ssyncadd.s32 $0xFFFFC000  }
.Ltmp3:
0x6d: {  	(pc) =	sbr.rel .LBB2_5-.Ltmp3, $3  }
0x6e: {  	_ =	sdelay $0x1  }
0x6f: {  	s0 =	sadd.s32 $0x1400, s0;
	s31 =	sadd.s32 $0x400, s31  }
0x70: {  	[tilespmem:s17], [sflag:$0x1] =	stream.indirect.gather [hbm4b:s1+s16], $0x80, s0, s16, $0xb8;
	[tilespmem:$0x1E800] =	vst v63  }
.LBB2_7:
0x71: {  	_ =	swait.ge [sflag:s26], $0x4000  }
0x72: {  	[sflag:s26] =	ssyncset.done $0x0  }
0x73: {  	[sflag:s26] =	ssyncadd.s32 $0xFFFFC000  }
0x74: {  	[bflag:$0x0] =	sbarrier.arrive $0xFFFF  }
0x75: {  	[hbm:s23], [sflag:s7] =	dma.local [spmem:s13], $0x2800  }
0x76: {  	_ =	swait.ge [sflag:s14], $0x2800  }
0x77: {  	[sflag:s14] =	ssyncset.done $0x0  }
0x78: {  	[sflag:s14] =	ssyncadd.s32 $0xFFFFD800  }
0x79: {  	[spmem:s13], [sflag:s7] =	dma.local [hbm:s6], $0x2800  }
0x7a: {  	_ =	swait.ge [sflag:s14], $0x2800  }
0x7b: {  	[sflag:s14] =	ssyncset.done $0x0  }
0x7c: {  	[sflag:s14] =	ssyncadd.s32 $0xFFFFD800  }
0x7d: {  	[tilespmem:s17], [sflag:$0x5] =	stream.linear.gather [hbm4b:s2+s5], $0x4000, $0x38;
	[tilespmem:$0x1E800] =	vst v63  }
0x7e: {  	_ =	swait.ge [sflag:s14], $0x4000  }
0x7f: {  	[sflag:s14] =	ssyncset.done $0x0  }
0x80: {  	[sflag:s14] =	ssyncadd.s32 $0xFFFFC000  }
0x81: {  	[bflag:$0x0] =	sbarrier.arrive $0xFFFF  }
0x82: {  	[spmem:s3] =	stream.indirect.scatter.add.f32 [tilespmem:s17], [sflag:$0x3], $0x80, s15, s16, $0xb8;
	[tilespmem:$0x1E800] =	vst v63  }
0x83: {  	_ = 	snop  }
0x84: {  	[spmem:s3] =	stream.indirect.scatter.add.f32 [tilespmem:s17], [sflag:$0x3], $0x80, s21, s16, $0xb8;
	[tilespmem:$0x1E800] =	vst v63  }
0x85: {  	_ = 	snop  }
0x86: {  	[spmem:s3] =	stream.indirect.scatter.add.f32 [tilespmem:s17], [sflag:$0x3], $0x80, s28, s16, $0xb8;
	[tilespmem:$0x1E800] =	vst v63  }
0x87: {  	_ = 	snop  }
0x88: {  	[spmem:s3] =	stream.indirect.scatter.add.f32 [tilespmem:s17], [sflag:$0x3], $0x80, s29, s16, $0xb8;
	[tilespmem:$0x1E800] =	vst v63  }
0x89: {  	_ =	swait.ge [sflag:s22], $0x4000  }
0x8a: {  	[sflag:s22] =	ssyncset.done $0x0  }
0x8b: {  	s0 =	simm.s32 $0xA00;
	s31 =	simm.s32 $0x1600;
	[sflag:s22] =	ssyncadd.s32 $0xFFFFC000  }
.LBB2_8:
0x8c: {  	[spmem:s3] =	stream.indirect.scatter.add.f32 [tilespmem:s17], [sflag:$0x3], $0x80, s31, s16, $0xb8;
	[tilespmem:$0x1E800] =	vst v63  }
0x8d: {  	s4 =	smov.u32 s0;
	p0 =	sne.s32 s0, $0x4E00  }
.Ltmp4:
0x8e: {  	s0 =	sadd.s32 $0x200, s0;
	(pc) =	sbr.rel @p0 .LBB2_8-.Ltmp4, $4  }
0x8f: {  	_ = 	snop  }
0x90: {  	_ =	swait.ge [sflag:s22], $0x4000  }
0x91: {  	s4 =	sshra.s32 s4, $0x2;
	[sflag:s22] =	ssyncset.done $0x0  }
0x92: {  	s31 =	sadd.s32 $0x1400, s4;
	[sflag:s22] =	ssyncadd.s32 $0xFFFFC000  }
0x93: {  	[spmem:s3] =	stream.indirect.scatter.add.f32 [tilespmem:s17], [sflag:$0x3], $0x80, s31, s16, $0xb8;
	[tilespmem:$0x1E800] =	vst v63  }
0x94: {  	_ =	swait.ge [sflag:s22], $0x4000  }
0x95: {  	[sflag:s22] =	ssyncset.done $0x0  }
0x96: {  	[sflag:s22] =	ssyncadd.s32 $0xFFFFC000  }
0x97: {  	_ =	swait.ge [sflag:s22], $0x4000  }
0x98: {  	[sflag:s22] =	ssyncset.done $0x0  }
0x99: {  	[sflag:s22] =	ssyncadd.s32 $0xFFFFC000  }
0x9a: {  	_ =	swait.ge [sflag:s22], $0x4000  }
0x9b: {  	[sflag:s22] =	ssyncset.done $0x0  }
0x9c: {  	[sflag:s22] =	ssyncadd.s32 $0xFFFFC000  }
0x9d: {  	_ =	swait.ge [sflag:s22], $0x4000  }
0x9e: {  	[sflag:s22] =	ssyncset.done $0x0  }
0x9f: {  	[sflag:s22] =	ssyncadd.s32 $0xFFFFC000  }
0xa0: {  	[tilespmem:s15], [sflag:$0x5] =	stream.linear.gather [hbm4b:s9+s5], $0x1400, $0x38;
	[tilespmem:$0x1E800] =	vst v63  }
0xa1: {  	_ =	swait.ge [sflag:s14], $0x1400  }
0xa2: {  	[sflag:s14] =	ssyncset.done $0x0  }
0xa3: {  	[sflag:s14] =	ssyncadd.s32 $0xFFFFEC00  }
0xa4: {  	[spmem:s3] =	stream.indirect.scatter.add.f32 [tilespmem:s17], [sflag:$0x3], $0x80, s15, s16, $0xb8;
	[tilespmem:$0x1E800] =	vst v63  }
0xa5: {  	_ = 	snop  }
0xa6: {  	[spmem:s3] =	stream.indirect.scatter.add.f32 [tilespmem:s17], [sflag:$0x3], $0x80, s21, s16, $0xb8;
	[tilespmem:$0x1E800] =	vst v63  }
0xa7: {  	_ = 	snop  }
0xa8: {  	[spmem:s3] =	stream.indirect.scatter.add.f32 [tilespmem:s17], [sflag:$0x3], $0x80, s28, s16, $0xb8;
	[tilespmem:$0x1E800] =	vst v63  }
0xa9: {  	_ = 	snop  }
0xaa: {  	[spmem:s3] =	stream.indirect.scatter.add.f32 [tilespmem:s17], [sflag:$0x3], $0x80, s29, s16, $0xb8;
	[tilespmem:$0x1E800] =	vst v63  }
0xab: {  	_ =	swait.ge [sflag:s22], $0x4000  }
0xac: {  	[sflag:s22] =	ssyncset.done $0x0  }
0xad: {  	s0 =	simm.s32 $0xA00;
	s31 =	simm.s32 $0x1600;
	[sflag:s22] =	ssyncadd.s32 $0xFFFFC000  }
.LBB2_10:
0xae: {  	[spmem:s3] =	stream.indirect.scatter.add.f32 [tilespmem:s17], [sflag:$0x3], $0x80, s31, s16, $0xb8;
	[tilespmem:$0x1E800] =	vst v63  }
0xaf: {  	s4 =	smov.u32 s0;
	p0 =	sne.s32 s0, $0x4E00  }
.Ltmp5:
0xb0: {  	s0 =	sadd.s32 $0x200, s0;
	(pc) =	sbr.rel @p0 .LBB2_10-.Ltmp5, $4  }
0xb1: {  	_ = 	snop  }
0xb2: {  	_ =	swait.ge [sflag:s22], $0x4000  }
0xb3: {  	s4 =	sshra.s32 s4, $0x2;
	[sflag:s22] =	ssyncset.done $0x0  }
0xb4: {  	s31 =	sadd.s32 $0x1400, s4;
	[sflag:s22] =	ssyncadd.s32 $0xFFFFC000  }
0xb5: {  	[spmem:s3] =	stream.indirect.scatter.add.f32 [tilespmem:s17], [sflag:$0x3], $0x80, s31, s16, $0xb8;
	[tilespmem:$0x1E800] =	vst v63  }
0xb6: {  	_ =	swait.ge [sflag:s22], $0x4000  }
0xb7: {  	[sflag:s22] =	ssyncset.done $0x0  }
0xb8: {  	[sflag:s22] =	ssyncadd.s32 $0xFFFFC000  }
0xb9: {  	_ =	swait.ge [sflag:s22], $0x4000  }
0xba: {  	[sflag:s22] =	ssyncset.done $0x0  }
0xbb: {  	[sflag:s22] =	ssyncadd.s32 $0xFFFFC000  }
0xbc: {  	_ =	swait.ge [sflag:s22], $0x4000  }
0xbd: {  	[sflag:s22] =	ssyncset.done $0x0  }
0xbe: {  	[sflag:s22] =	ssyncadd.s32 $0xFFFFC000  }
0xbf: {  	_ =	swait.ge [sflag:s22], $0x4000  }
0xc0: {  	s30 =	sadd.s32 $0x1, s30;
	[sflag:s22] =	ssyncset.done $0x0  }
0xc1: {  	p0 =	sne.s32 s30, s12;
	[sflag:s22] =	ssyncadd.s32 $0xFFFFC000  }
.Ltmp6:
0xc2: {  	[bflag:$0x0] =	sbarrier.arrive $0xFFFF;
	(pc) =	sbr.rel @p0 .LBB2_1-.Ltmp6, $4  }
0xc3: {  	[hbm:s24], [sflag:s7] =	dma.local [spmem:s13], $0x2800  }
0xc4: {  	_ =	swait.ge [sflag:s14], $0x2800  }
0xc5: {  	[sflag:s14] =	ssyncset.done $0x0  }
0xc6: {  	[sflag:s14] =	ssyncadd.s32 $0xFFFFD800  }
0xc7: {  	_ =	sfence.sel $0x180000  }
0xc8: {  	[bflag:$0x0] =	sbarrier.arrive $0xFFFF  }
0xc9: {  	_ =	strace $0x90000047  }
0xca: {  	s0 =	stileid.u32;
	[bflag:$0x2] =	sbarrier.arrive $0xFFFF  }
0xcb: {  	p0 =	sne.s32 s0, $0x0;
	s0 =	rddreg [dreg:$0x4]  }
0xcc: {  	s0 =	sadd.s32 @!p0 $0x100000, s0  }
0xcd: {  	[sflag:s0] =	ssyncadd.tile.s32 @!p0 $0x1;
	_ =	shalt  }
.Lfunc_end2:
_tile_overlayer_lowered:
.L_overlay_start_2:
0xce: {  	(tag) =	ssettag $0x2  }
0xcf: {  	s0 =	rddreg [dreg:$0x0];
	s2 =	stileid.u32  }
0xd0: {  	s1 =	rddreg [dreg:$0x1];
	p0 =	sne.s32 s2, $0x0  }
0xd1: {  	s3 =	rddreg [dreg:$0x2];
	[bflag:$0x3] =	sbarrier.arrive $0xFFFF;
	s2 =	simm.s32 @!p0 $0x1C05  }
0xd2: {  	[timem:s3], [sflag:s2] =	dma.local @!p0 [hbm:s0], s1  }
0xd3: {  	s0 =	simm.s32 @!p0 $0x5  }
0xd4: {  	_ =	swait.ge @!p0 [sflag:s0], s1  }
0xd5: {  	s1 =	ssub.s32 @!p0 $0x0, s1;
	[sflag:s0] =	ssyncset.done @!p0 $0x0  }
0xd6: {  	[sflag:s0] =	ssyncadd.s32 @!p0 s1  }
0xd7: {  	[bflag:$0x3] =	sbarrier.arrive $0xFFFF  }
0xd8: {  	_ =	shalt  }

</sc_bundles>
